<compile_context>
chip_gen: v7x
topology: tpu7x:2x2x1
jax: 0.10.2.dev20260603
libtpu: 0.0.44.dev20260713+nightly
codegen_flags: <defaults>
</compile_context>

<pallas_src>
import jax
import jax.numpy as jnp
from jax import lax
from jax.experimental import pallas as pl
from jax.experimental.pallas import tpu as pltpu
from jax.experimental.pallas import tpu_sc as plsc

_N = 10000
_E = 320000
_D = 128

_NC = 2
_NS = 16
_NW = _NC * _NS

_CHUNK = 128
_NCH = _E // _CHUNK
_CPW = _NCH // _NW
_XTRA = _NCH - _CPW * _NW
_NPAD = 10240
_RPT = _NPAD // _NS


def _make_seg_sum(with_counts):

    def body(feat_hbm, el_hbm, zeros_hbm, *rest):
        if with_counts:
            (z1_hbm, out_hbm, cnt_hbm, acc, idx0, idx1, idx2, idx3,
             rows0, rows1, cnt_v, g0, g1, i0, i1, i2, i3) = rest
        else:
            (out_hbm, acc, idx0, idx1, idx2, idx3,
             rows0, rows1, g0, g1, i0, i1, i2, i3) = rest
        idx = (idx0, idx1, idx2, idx3)
        rows = (rows0, rows1)
        gsem = (g0, g1)
        isem = (i0, i1, i2, i3)
        c = lax.axis_index("c")
        s = lax.axis_index("s")
        wid = s * _NC + c
        r0 = s * _RPT
        pltpu.sync_copy(zeros_hbm.at[pl.ds(r0, _RPT)], acc.at[pl.ds(r0, _RPT)])
        if with_counts:
            pltpu.sync_copy(z1_hbm, cnt_v)
        plsc.subcore_barrier()
        ch0 = wid * _CPW

        def gather_start(t4, t2, ch):
            pltpu.async_copy(feat_hbm.at[idx[t4].at[0]], rows[t2], gsem[t2])

        def consume(t4, t2):
            pltpu.make_async_copy(
                feat_hbm.at[idx[t4].at[0]], rows[t2], gsem[t2]).wait()
            if with_counts:
                ones = jnp.ones((16,), jnp.float32)
                for j in range(_CHUNK // 16):
                    plsc.addupdate_scatter(
                        cnt_v, [idx[t4][1, pl.ds(j * 16, 16)]], ones)
            pltpu.sync_copy(rows[t2], acc.at[idx[t4].at[1]], add=True)

        for b in (0, 1):
            pltpu.sync_copy(el_hbm.at[ch0 + b], idx[b])
            gather_start(b, b, ch0 + b)

        @pl.loop(0, _CPW - 2, step=4)
        def _steady(t0):
            for k in range(4):
                b2 = k % 2
                pb = (k + 2) % 4
                ch = ch0 + t0 + k + 2
                pltpu.async_copy(el_hbm.at[ch], idx[pb], isem[pb])
                consume(k, b2)
                pltpu.make_async_copy(el_hbm.at[ch], idx[pb], isem[pb]).wait()
                gather_start(pb, b2, ch)

        for b in (0, 1):
            consume(b, b)

        @pl.when(wid < _XTRA)
        def _extra():
            ch = _CPW * _NW + wid
            pltpu.sync_copy(el_hbm.at[ch], idx[0])
            gather_start(0, 0, ch)
            consume(0, 0)

        plsc.subcore_barrier()
        pltpu.sync_copy(acc.at[pl.ds(r0, _RPT)], out_hbm.at[c, pl.ds(r0, _RPT)])
        if with_counts:
            pltpu.sync_copy(cnt_v, cnt_hbm.at[c, s])

    out_type = [jax.ShapeDtypeStruct((_NC, _NPAD, _D), jnp.float32)]
    scratch = [pltpu.VMEM_SHARED((_NPAD, _D), jnp.float32)]
    scratch += [pltpu.VMEM((2, _CHUNK), jnp.int32) for _ in range(4)]
    scratch += [pltpu.VMEM((_CHUNK, _D), jnp.float32) for _ in range(2)]
    if with_counts:
        out_type.append(jax.ShapeDtypeStruct((_NC, _NS, _NPAD), jnp.float32))
        scratch.append(pltpu.VMEM((_NPAD,), jnp.float32))
    scratch += [pltpu.SemaphoreType.DMA for _ in range(6)]

    mesh = plsc.VectorSubcoreMesh(core_axis_name="c", subcore_axis_name="s")
    return pl.kernel(
        body, out_type=out_type, mesh=mesh, scratch_types=scratch,
        compiler_params=pltpu.CompilerParams(needs_layout_passes=False),
    )


_seg_cnt = _make_seg_sum(True)
_seg = _make_seg_sum(False)


def _layer1_body(acc_ref, cnt_ref, W_ref, b_ref, g_ref, bt_ref,
                 h_ref, dinv_ref):
    s = acc_ref[0, :_N, :] + acc_ref[1, :_N, :]
    cnt = jnp.sum(cnt_ref[:_N, :], axis=1, keepdims=True)
    dinv = 1.0 / jnp.maximum(cnt, 1.0)
    agg = s * dinv
    h = jnp.dot(agg, W_ref[...], preferred_element_type=jnp.float32) + b_ref[...]
    h = jnp.maximum(h, 0.0)
    m = jnp.mean(h, axis=-1, keepdims=True)
    d = h - m
    v = jnp.mean(d * d, axis=-1, keepdims=True)
    h_ref[...] = d * lax.rsqrt(v + 1e-5) * g_ref[...] + bt_ref[...]
    dinv_ref[...] = jnp.broadcast_to(dinv, (_N, _D))


def _layer2_body(acc_ref, dinv_ref, W_ref, b_ref, g_ref, bt_ref,
                 Wo_ref, bo_ref, out_ref):
    s = acc_ref[0, :_N, :] + acc_ref[1, :_N, :]
    agg = s * dinv_ref[...]
    h = jnp.dot(agg, W_ref[...], preferred_element_type=jnp.float32) + b_ref[...]
    h = jnp.maximum(h, 0.0)
    m = jnp.mean(h, axis=-1, keepdims=True)
    d = h - m
    v = jnp.mean(d * d, axis=-1, keepdims=True)
    h = d * lax.rsqrt(v + 1e-5) * g_ref[...] + bt_ref[...]
    out_ref[...] = (
        jnp.dot(h, Wo_ref[...], preferred_element_type=jnp.float32) + bo_ref[...]
    )


_tc_layer1 = pl.pallas_call(
    _layer1_body,
    out_shape=[
        jax.ShapeDtypeStruct((_N, _D), jnp.float32),
        jax.ShapeDtypeStruct((_N, _D), jnp.float32),
    ],
)

_tc_layer2 = pl.pallas_call(
    _layer2_body,
    out_shape=jax.ShapeDtypeStruct((_N, _D), jnp.float32),
)


@jax.jit
def kernel(x, edge_index, batch, W1, b1, g1, bt1, W2, b2, g2, bt2, Wo, bo):
    del batch
    el = jnp.swapaxes(edge_index.reshape(2, _NCH, _CHUNK), 0, 1)
    z128 = jnp.zeros((_NPAD, _D), jnp.float32)
    z1 = jnp.zeros((_NPAD,), jnp.float32)

    acc1, cnt = _seg_cnt(x, el, z128, z1)
    cnt_t = cnt.reshape(_NW, _NPAD).T
    h1, dinv = _tc_layer1(acc1, cnt_t, W1, b1.reshape(1, _D),
                          g1.reshape(1, _D), bt1.reshape(1, _D))
    (acc2,) = _seg(h1, el, z128)
    return _tc_layer2(acc2, dinv, W2, b2.reshape(1, _D), g2.reshape(1, _D),
                      bt2.reshape(1, _D), Wo, bo.reshape(1, _D))

# --- scband reference (transcript-rebuilt; emitter-appended) ---
"""Pipeline reference for scband-graph-model-24799141167614 (READ-ONLY COPY).

The authoritative reference and input builder live on the scoring server;
editing this copy changes nothing except your own understanding.
"""

import jax, jax.numpy as jnp
import numpy as np

N = 10000
E = 320000
D = 128

def _layer_norm(h, g, b, eps=1e-5):
    m = jnp.mean(h, axis=-1, keepdims=True)
    v = jnp.var(h, axis=-1, keepdims=True)
    return (h - m) / jnp.sqrt(v + eps) * g + b

def setup_inputs(seed: int = 0):
    key = jax.random.key(seed)
    ks = jax.random.split(key, 6)
    x = jax.random.normal(ks[0], (N, D), dtype=jnp.float32)
    edge_index = jax.random.randint(ks[1], (2, E), 0, N, dtype=jnp.int32)
    batch = jnp.zeros((N,), dtype=jnp.int32)
    W1 = jax.random.normal(ks[2], (D, D), dtype=jnp.float32) * 0.05
    b1 = jnp.zeros((D,), dtype=jnp.float32)
    g1 = jnp.ones((D,), dtype=jnp.float32)
    bt1 = jnp.zeros((D,), dtype=jnp.float32)
    W2 = jax.random.normal(ks[3], (D, D), dtype=jnp.float32) * 0.05
    b2 = jnp.zeros((D,), dtype=jnp.float32)
    g2 = jnp.ones((D,), dtype=jnp.float32)
    bt2 = jnp.zeros((D,), dtype=jnp.float32)
    Wo = jax.random.normal(ks[4], (D, D), dtype=jnp.float32) * 0.05
    bo = jnp.zeros((D,), dtype=jnp.float32)
    return {"x": x, "edge_index": edge_index, "batch": batch,
            "W1": W1, "b1": b1, "g1": g1, "bt1": bt1,
            "W2": W2, "b2": b2, "g2": g2, "bt2": bt2,
            "Wo": Wo, "bo": bo}

def reference(x, edge_index, batch, W1, b1, g1, bt1, W2, b2, g2, bt2, Wo, bo):
    src = edge_index[0]
    dst = edge_index[1]
    deg = jnp.maximum(jnp.bincount(dst, length=N), 1).astype(x.dtype)[:, None]
    # layer 1: mean-aggregation message passing conv
    agg = jax.ops.segment_sum(x[src], dst, num_segments=N) / deg
    h = agg @ W1 + b1
    h = jax.nn.relu(h)
    h = _layer_norm(h, g1, bt1)
    # layer 2
    agg = jax.ops.segment_sum(h[src], dst, num_segments=N) / deg
    h = agg @ W2 + b2
    h = jax.nn.relu(h)
    h = _layer_norm(h, g2, bt2)
    # node-level output head (graph_output=False, batch unused)
    return h @ Wo + bo

if __name__ == "__main__":
    import jax
    _d = setup_inputs()
    print(jax.jit(kernel)(*tuple(_d.values())))

</pallas_src>

<mosaic_0001>
#map = affine_map<(d0, d1) -> (0, 0)>
#map1 = affine_map<(d0, d1) -> (0, 0, 0)>
#map2 = affine_map<(d0, d1) -> (0)>
module attributes {stable_mosaic.version = 14 : i64} {
  func.func @body(%arg0: i32, %arg1: i32, %arg2: memref<10000x128xf32, #tpu.memory_space<hbm>>, %arg3: memref<2500x2x128xi32, #tpu.memory_space<hbm>>, %arg4: memref<10240x128xf32, #tpu.memory_space<hbm>>, %arg5: memref<10240xf32, #tpu.memory_space<hbm>>, %arg6: memref<2x10240x128xf32, #tpu.memory_space<hbm>>, %arg7: memref<2x16x10240xf32, #tpu.memory_space<hbm>>, %arg8: memref<10240x128xf32, #tpu.memory_space<vmem_shared>>, %arg9: memref<2x128xi32, #tpu.memory_space<vmem>>, %arg10: memref<2x128xi32, #tpu.memory_space<vmem>>, %arg11: memref<2x128xi32, #tpu.memory_space<vmem>>, %arg12: memref<2x128xi32, #tpu.memory_space<vmem>>, %arg13: memref<128x128xf32, #tpu.memory_space<vmem>>, %arg14: memref<128x128xf32, #tpu.memory_space<vmem>>, %arg15: memref<10240xf32, #tpu.memory_space<vmem>>, %arg16: memref<!tpu.dma_semaphore, #tpu.memory_space<semaphore_mem>>, %arg17: memref<!tpu.dma_semaphore, #tpu.memory_space<semaphore_mem>>, %arg18: memref<!tpu.dma_semaphore, #tpu.memory_space<semaphore_mem>>, %arg19: memref<!tpu.dma_semaphore, #tpu.memory_space<semaphore_mem>>, %arg20: memref<!tpu.dma_semaphore, #tpu.memory_space<semaphore_mem>>, %arg21: memref<!tpu.dma_semaphore, #tpu.memory_space<semaphore_mem>>) attributes {dimension_semantics = [#tpu.dimension_semantics<core_parallel>, #tpu.dimension_semantics<subcore_parallel>], iteration_bounds = array<i64: 2, 16>, scalar_prefetch = 0 : i64, scratch_operands = 14 : i64, tpu.core_type = #tpu.core_type<sc_vector_subcore>, window_params = [{transform_indices = #map}, {transform_indices = #map1}, {transform_indices = #map}, {transform_indices = #map2}, {transform_indices = #map1}, {transform_indices = #map1}]} {
    %mul3A = arith.constant 2 : i32
    %mul3A_0 = arith.muli %arg1, %mul3A : i32
    %add3A = arith.addi %mul3A_0, %arg0 : i32
    %mul3A_1 = arith.constant 640 : i32
    %mul3A_2 = arith.muli %arg1, %mul3A_1 : i32
    "tpu.region"() ({
      %run_scoped3A_113 = tpu.sem_alloc : memref<!tpu.dma_semaphore, #tpu.memory_space<semaphore_mem>>
      %dma_start3A_114 = arith.constant 0 : i32
      %dma_start3A_115 = tpu.memref_slice %arg8[%mul3A_2, %dma_start3A_114] : memref<10240x128xf32, #tpu.memory_space<vmem_shared>> -> memref<640x128xf32, #tpu.memory_space<vmem_shared>>
      %dma_start3A_116 = arith.constant 0 : i32
      %dma_start3A_117 = tpu.memref_slice %arg4[%mul3A_2, %dma_start3A_116] : memref<10240x128xf32, #tpu.memory_space<hbm>> -> memref<640x128xf32, #tpu.memory_space<hbm>>
      tpu.enqueue_dma source(%dma_start3A_117 : memref<640x128xf32, #tpu.memory_space<hbm>>) target(%dma_start3A_115 : memref<640x128xf32, #tpu.memory_space<vmem_shared>>) target_semaphore(%run_scoped3A_113 : memref<!tpu.dma_semaphore, #tpu.memory_space<semaphore_mem>>)
      %dma_wait3A_118 = arith.constant 0 : i32
      %dma_wait3A_119 = tpu.memref_slice %arg8[%mul3A_2, %dma_wait3A_118] : memref<10240x128xf32, #tpu.memory_space<vmem_shared>> -> memref<640x128xf32, #tpu.memory_space<vmem_shared>>
      %dma_wait3A_120 = arith.constant 0 : i32
      %dma_wait3A_121 = tpu.memref_slice %arg4[%mul3A_2, %dma_wait3A_120] : memref<10240x128xf32, #tpu.memory_space<hbm>> -> memref<640x128xf32, #tpu.memory_space<hbm>>
      tpu.wait_dma2 semaphore(%run_scoped3A_113 : memref<!tpu.dma_semaphore, #tpu.memory_space<semaphore_mem>>) src(%dma_wait3A_121 : memref<640x128xf32, #tpu.memory_space<hbm>>) dst(%dma_wait3A_119 : memref<640x128xf32, #tpu.memory_space<vmem_shared>>)
      tpu.yield
    }) : () -> ()
    "tpu.region"() ({
      %run_scoped3A_113 = tpu.sem_alloc : memref<!tpu.dma_semaphore, #tpu.memory_space<semaphore_mem>>
      tpu.enqueue_dma source(%arg5 : memref<10240xf32, #tpu.memory_space<hbm>>) target(%arg15 : memref<10240xf32, #tpu.memory_space<vmem>>) target_semaphore(%run_scoped3A_113 : memref<!tpu.dma_semaphore, #tpu.memory_space<semaphore_mem>>)
      tpu.wait_dma2 semaphore(%run_scoped3A_113 : memref<!tpu.dma_semaphore, #tpu.memory_space<semaphore_mem>>) src(%arg5 : memref<10240xf32, #tpu.memory_space<hbm>>) dst(%arg15 : memref<10240xf32, #tpu.memory_space<vmem>>)
      tpu.yield
    }) : () -> ()
    %barrier3A = arith.constant 0 : index
    tpu.barrier barrier_id(%barrier3A)
    %mul3A_3 = arith.constant 78 : i32
    %mul3A_4 = arith.muli %add3A, %mul3A_3 : i32
    %add3A_5 = arith.constant 0 : i32
    %add3A_6 = arith.addi %mul3A_4, %add3A_5 : i32
    "tpu.region"() ({
      %run_scoped3A_113 = tpu.sem_alloc : memref<!tpu.dma_semaphore, #tpu.memory_space<semaphore_mem>>
      %dma_start3A_114 = arith.constant 0 : i32
      %dma_start3A_115 = arith.constant 0 : i32
      %dma_start3A_116 = tpu.memref_slice %arg3[%add3A_6, %dma_start3A_114, %dma_start3A_115] : memref<2500x2x128xi32, #tpu.memory_space<hbm>> -> memref<1x2x128xi32, #tpu.memory_space<hbm>>
      %dma_start3A_117 = tpu.memref_squeeze %dma_start3A_116 : memref<1x2x128xi32, #tpu.memory_space<hbm>> -> memref<2x128xi32, #tpu.memory_space<hbm>>
      %dma_start3A_118 = arith.constant 0 : i32
      %dma_start3A_119 = arith.constant 0 : i32
      %dma_start3A_120 = tpu.memref_slice %arg3[%add3A_6, %dma_start3A_118, %dma_start3A_119] : memref<2500x2x128xi32, #tpu.memory_space<hbm>> -> memref<1x2x128xi32, #tpu.memory_space<hbm>>
      %dma_start3A_121 = tpu.memref_squeeze %dma_start3A_120 : memref<1x2x128xi32, #tpu.memory_space<hbm>> -> memref<2x128xi32, #tpu.memory_space<hbm>>
      tpu.enqueue_dma source(%dma_start3A_121 : memref<2x128xi32, #tpu.memory_space<hbm>>) target(%arg9 : memref<2x128xi32, #tpu.memory_space<vmem>>) target_semaphore(%run_scoped3A_113 : memref<!tpu.dma_semaphore, #tpu.memory_space<semaphore_mem>>)
      %dma_wait3A_122 = arith.constant 0 : i32
      %dma_wait3A_123 = arith.constant 0 : i32
      %dma_wait3A_124 = tpu.memref_slice %arg3[%add3A_6, %dma_wait3A_122, %dma_wait3A_123] : memref<2500x2x128xi32, #tpu.memory_space<hbm>> -> memref<1x2x128xi32, #tpu.memory_space<hbm>>
      %dma_wait3A_125 = tpu.memref_squeeze %dma_wait3A_124 : memref<1x2x128xi32, #tpu.memory_space<hbm>> -> memref<2x128xi32, #tpu.memory_space<hbm>>
      %dma_wait3A_126 = arith.constant 0 : i32
      %dma_wait3A_127 = arith.constant 0 : i32
      %dma_wait3A_128 = tpu.memref_slice %arg3[%add3A_6, %dma_wait3A_126, %dma_wait3A_127] : memref<2500x2x128xi32, #tpu.memory_space<hbm>> -> memref<1x2x128xi32, #tpu.memory_space<hbm>>
      %dma_wait3A_129 = tpu.memref_squeeze %dma_wait3A_128 : memref<1x2x128xi32, #tpu.memory_space<hbm>> -> memref<2x128xi32, #tpu.memory_space<hbm>>
      tpu.wait_dma2 semaphore(%run_scoped3A_113 : memref<!tpu.dma_semaphore, #tpu.memory_space<semaphore_mem>>) src(%dma_wait3A_129 : memref<2x128xi32, #tpu.memory_space<hbm>>) dst(%arg9 : memref<2x128xi32, #tpu.memory_space<vmem>>)
      tpu.yield
    }) : () -> ()
    %add3A_7 = arith.constant 0 : i32
    %add3A_8 = arith.addi %mul3A_4, %add3A_7 : i32
    %dma_start3A = arith.constant 0 : i32
    %dma_start3A_9 = arith.constant 0 : i32
    %dma_start3A_10 = tpu.memref_slice %arg9[%dma_start3A, %dma_start3A_9] : memref<2x128xi32, #tpu.memory_space<vmem>> -> memref<1x128xi32, #tpu.memory_space<vmem>>
    %dma_start3A_11 = tpu.memref_squeeze %dma_start3A_10 : memref<1x128xi32, #tpu.memory_space<vmem>> -> memref<128xi32, #tpu.memory_space<vmem>>
    %dma_start3A_12 = arith.constant 0 : i32
    %dma_start3A_13 = arith.constant 0 : i32
    %dma_start3A_14 = tpu.memref_slice %arg2[%dma_start3A_12, %dma_start3A_13] : memref<10000x128xf32, #tpu.memory_space<hbm>> -> memref<10000x128xf32, #tpu.memory_space<hbm>>
    tpu.enqueue_indirect_dma source(%dma_start3A_14 : memref<10000x128xf32, #tpu.memory_space<hbm>>) target(%arg13 : memref<128x128xf32, #tpu.memory_space<vmem>>) offsets(%dma_start3A_11 : memref<128xi32, #tpu.memory_space<vmem>>) semaphore(%arg16 : memref<!tpu.dma_semaphore, #tpu.memory_space<semaphore_mem>>)
    %add3A_15 = arith.constant 1 : i32
    %add3A_16 = arith.addi %mul3A_4, %add3A_15 : i32
    "tpu.region"() ({
      %run_scoped3A_113 = tpu.sem_alloc : memref<!tpu.dma_semaphore, #tpu.memory_space<semaphore_mem>>
      %dma_start3A_114 = arith.constant 0 : i32
      %dma_start3A_115 = arith.constant 0 : i32
      %dma_start3A_116 = tpu.memref_slice %arg3[%add3A_16, %dma_start3A_114, %dma_start3A_115] : memref<2500x2x128xi32, #tpu.memory_space<hbm>> -> memref<1x2x128xi32, #tpu.memory_space<hbm>>
      %dma_start3A_117 = tpu.memref_squeeze %dma_start3A_116 : memref<1x2x128xi32, #tpu.memory_space<hbm>> -> memref<2x128xi32, #tpu.memory_space<hbm>>
      %dma_start3A_118 = arith.constant 0 : i32
      %dma_start3A_119 = arith.constant 0 : i32
      %dma_start3A_120 = tpu.memref_slice %arg3[%add3A_16, %dma_start3A_118, %dma_start3A_119] : memref<2500x2x128xi32, #tpu.memory_space<hbm>> -> memref<1x2x128xi32, #tpu.memory_space<hbm>>
      %dma_start3A_121 = tpu.memref_squeeze %dma_start3A_120 : memref<1x2x128xi32, #tpu.memory_space<hbm>> -> memref<2x128xi32, #tpu.memory_space<hbm>>
      tpu.enqueue_dma source(%dma_start3A_121 : memref<2x128xi32, #tpu.memory_space<hbm>>) target(%arg10 : memref<2x128xi32, #tpu.memory_space<vmem>>) target_semaphore(%run_scoped3A_113 : memref<!tpu.dma_semaphore, #tpu.memory_space<semaphore_mem>>)
      %dma_wait3A_122 = arith.constant 0 : i32
      %dma_wait3A_123 = arith.constant 0 : i32
      %dma_wait3A_124 = tpu.memref_slice %arg3[%add3A_16, %dma_wait3A_122, %dma_wait3A_123] : memref<2500x2x128xi32, #tpu.memory_space<hbm>> -> memref<1x2x128xi32, #tpu.memory_space<hbm>>
      %dma_wait3A_125 = tpu.memref_squeeze %dma_wait3A_124 : memref<1x2x128xi32, #tpu.memory_space<hbm>> -> memref<2x128xi32, #tpu.memory_space<hbm>>
      %dma_wait3A_126 = arith.constant 0 : i32
      %dma_wait3A_127 = arith.constant 0 : i32
      %dma_wait3A_128 = tpu.memref_slice %arg3[%add3A_16, %dma_wait3A_126, %dma_wait3A_127] : memref<2500x2x128xi32, #tpu.memory_space<hbm>> -> memref<1x2x128xi32, #tpu.memory_space<hbm>>
      %dma_wait3A_129 = tpu.memref_squeeze %dma_wait3A_128 : memref<1x2x128xi32, #tpu.memory_space<hbm>> -> memref<2x128xi32, #tpu.memory_space<hbm>>
      tpu.wait_dma2 semaphore(%run_scoped3A_113 : memref<!tpu.dma_semaphore, #tpu.memory_space<semaphore_mem>>) src(%dma_wait3A_129 : memref<2x128xi32, #tpu.memory_space<hbm>>) dst(%arg10 : memref<2x128xi32, #tpu.memory_space<vmem>>)
      tpu.yield
    }) : () -> ()
    %add3A_17 = arith.constant 1 : i32
    %add3A_18 = arith.addi %mul3A_4, %add3A_17 : i32
    %dma_start3A_19 = arith.constant 0 : i32
    %dma_start3A_20 = arith.constant 0 : i32
    %dma_start3A_21 = tpu.memref_slice %arg10[%dma_start3A_19, %dma_start3A_20] : memref<2x128xi32, #tpu.memory_space<vmem>> -> memref<1x128xi32, #tpu.memory_space<vmem>>
    %dma_start3A_22 = tpu.memref_squeeze %dma_start3A_21 : memref<1x128xi32, #tpu.memory_space<vmem>> -> memref<128xi32, #tpu.memory_space<vmem>>
    %dma_start3A_23 = arith.constant 0 : i32
    %dma_start3A_24 = arith.constant 0 : i32
    %dma_start3A_25 = tpu.memref_slice %arg2[%dma_start3A_23, %dma_start3A_24] : memref<10000x128xf32, #tpu.memory_space<hbm>> -> memref<10000x128xf32, #tpu.memory_space<hbm>>
    tpu.enqueue_indirect_dma source(%dma_start3A_25 : memref<10000x128xf32, #tpu.memory_space<hbm>>) target(%arg14 : memref<128x128xf32, #tpu.memory_space<vmem>>) offsets(%dma_start3A_22 : memref<128xi32, #tpu.memory_space<vmem>>) semaphore(%arg17 : memref<!tpu.dma_semaphore, #tpu.memory_space<semaphore_mem>>)
    %scan3A = arith.constant 0 : i32
    %scan3A_26 = arith.constant 19 : i32
    %scan3A_27 = arith.addi %scan3A, %scan3A_26 : i32
    %scan3A_28 = arith.constant 1 : i32
    scf.for %scan3A_113 = %scan3A to %scan3A_27 step %scan3A_28  : i32 {
      %mul3A_114 = arith.constant 4 : i32
      %mul3A_115 = arith.muli %scan3A_113, %mul3A_114 : i32
      %add3A_116 = arith.constant 0 : i32
      %add3A_117 = arith.addi %add3A_116, %mul3A_115 : i32
      %add3A_118 = arith.addi %mul3A_4, %add3A_117 : i32
      %add3A_119 = arith.constant 0 : i32
      %add3A_120 = arith.addi %add3A_118, %add3A_119 : i32
      %add3A_121 = arith.constant 2 : i32
      %add3A_122 = arith.addi %add3A_120, %add3A_121 : i32
      %dma_start3A_123 = arith.constant 0 : i32
      %dma_start3A_124 = arith.constant 0 : i32
      %dma_start3A_125 = tpu.memref_slice %arg3[%add3A_122, %dma_start3A_123, %dma_start3A_124] : memref<2500x2x128xi32, #tpu.memory_space<hbm>> -> memref<1x2x128xi32, #tpu.memory_space<hbm>>
      %dma_start3A_126 = tpu.memref_squeeze %dma_start3A_125 : memref<1x2x128xi32, #tpu.memory_space<hbm>> -> memref<2x128xi32, #tpu.memory_space<hbm>>
      %dma_start3A_127 = arith.constant 0 : i32
      %dma_start3A_128 = arith.constant 0 : i32
      %dma_start3A_129 = tpu.memref_slice %arg3[%add3A_122, %dma_start3A_127, %dma_start3A_128] : memref<2500x2x128xi32, #tpu.memory_space<hbm>> -> memref<1x2x128xi32, #tpu.memory_space<hbm>>
      %dma_start3A_130 = tpu.memref_squeeze %dma_start3A_129 : memref<1x2x128xi32, #tpu.memory_space<hbm>> -> memref<2x128xi32, #tpu.memory_space<hbm>>
      tpu.enqueue_dma source(%dma_start3A_130 : memref<2x128xi32, #tpu.memory_space<hbm>>) target(%arg11 : memref<2x128xi32, #tpu.memory_space<vmem>>) target_semaphore(%arg20 : memref<!tpu.dma_semaphore, #tpu.memory_space<semaphore_mem>>)
      %dma_wait3A_131 = arith.constant 0 : i32
      %dma_wait3A_132 = arith.constant 0 : i32
      %dma_wait3A_133 = tpu.memref_slice %arg9[%dma_wait3A_131, %dma_wait3A_132] : memref<2x128xi32, #tpu.memory_space<vmem>> -> memref<1x128xi32, #tpu.memory_space<vmem>>
      %dma_wait3A_134 = tpu.memref_squeeze %dma_wait3A_133 : memref<1x128xi32, #tpu.memory_space<vmem>> -> memref<128xi32, #tpu.memory_space<vmem>>
      %dma_wait3A_135 = arith.constant 0 : i32
      %dma_wait3A_136 = arith.constant 0 : i32
      %dma_wait3A_137 = tpu.memref_slice %arg2[%dma_wait3A_135, %dma_wait3A_136] : memref<10000x128xf32, #tpu.memory_space<hbm>> -> memref<10000x128xf32, #tpu.memory_space<hbm>>
      tpu.wait_indirect_dma semaphore(%arg16 : memref<!tpu.dma_semaphore, #tpu.memory_space<semaphore_mem>>) src(%dma_wait3A_137 : memref<10000x128xf32, #tpu.memory_space<hbm>>) dst(%arg13 : memref<128x128xf32, #tpu.memory_space<vmem>>)
      %broadcast_in_dim3A_138 = arith.constant 1.000000e+00 : f32
      %broadcast_in_dim3A_139 = vector.broadcast %broadcast_in_dim3A_138 : f32 to vector<16xf32>
      %get3A_140 = arith.constant 1 : i32
      %get3A_141 = arith.index_cast %get3A_140 : i32 to index
      %get3A_142 = arith.constant 0 : index
      %get3A_143 = tpu.vector_load %arg9[%get3A_141, %get3A_142] {strides = array<i32>} : memref<2x128xi32, #tpu.memory_space<vmem>>, vector<16xi32>,
      tpu.vector_store_idx %arg15[%get3A_143], %broadcast_in_dim3A_139 {add = true} : memref<10240xf32, #tpu.memory_space<vmem>>[vector<16xi32>], vector<16xf32>,
      %get3A_144 = arith.constant 1 : i32
      %get3A_145 = arith.index_cast %get3A_144 : i32 to index
      %get3A_146 = arith.constant 16 : index
      %get3A_147 = tpu.vector_load %arg9[%get3A_145, %get3A_146] {strides = array<i32>} : memref<2x128xi32, #tpu.memory_space<vmem>>, vector<16xi32>,
      tpu.vector_store_idx %arg15[%get3A_147], %broadcast_in_dim3A_139 {add = true} : memref<10240xf32, #tpu.memory_space<vmem>>[vector<16xi32>], vector<16xf32>,
      %get3A_148 = arith.constant 1 : i32
      %get3A_149 = arith.index_cast %get3A_148 : i32 to index
      %get3A_150 = arith.constant 32 : index
      %get3A_151 = tpu.vector_load %arg9[%get3A_149, %get3A_150] {strides = array<i32>} : memref<2x128xi32, #tpu.memory_space<vmem>>, vector<16xi32>,
      tpu.vector_store_idx %arg15[%get3A_151], %broadcast_in_dim3A_139 {add = true} : memref<10240xf32, #tpu.memory_space<vmem>>[vector<16xi32>], vector<16xf32>,
      %get3A_152 = arith.constant 1 : i32
      %get3A_153 = arith.index_cast %get3A_152 : i32 to index
      %get3A_154 = arith.constant 48 : index
      %get3A_155 = tpu.vector_load %arg9[%get3A_153, %get3A_154] {strides = array<i32>} : memref<2x128xi32, #tpu.memory_space<vmem>>, vector<16xi32>,
      tpu.vector_store_idx %arg15[%get3A_155], %broadcast_in_dim3A_139 {add = true} : memref<10240xf32, #tpu.memory_space<vmem>>[vector<16xi32>], vector<16xf32>,
      %get3A_156 = arith.constant 1 : i32
      %get3A_157 = arith.index_cast %get3A_156 : i32 to index
      %get3A_158 = arith.constant 64 : index
      %get3A_159 = tpu.vector_load %arg9[%get3A_157, %get3A_158] {strides = array<i32>} : memref<2x128xi32, #tpu.memory_space<vmem>>, vector<16xi32>,
      tpu.vector_store_idx %arg15[%get3A_159], %broadcast_in_dim3A_139 {add = true} : memref<10240xf32, #tpu.memory_space<vmem>>[vector<16xi32>], vector<16xf32>,
      %get3A_160 = arith.constant 1 : i32
      %get3A_161 = arith.index_cast %get3A_160 : i32 to index
      %get3A_162 = arith.constant 80 : index
      %get3A_163 = tpu.vector_load %arg9[%get3A_161, %get3A_162] {strides = array<i32>} : memref<2x128xi32, #tpu.memory_space<vmem>>, vector<16xi32>,
      tpu.vector_store_idx %arg15[%get3A_163], %broadcast_in_dim3A_139 {add = true} : memref<10240xf32, #tpu.memory_space<vmem>>[vector<16xi32>], vector<16xf32>,
      %get3A_164 = arith.constant 1 : i32
      %get3A_165 = arith.index_cast %get3A_164 : i32 to index
      %get3A_166 = arith.constant 96 : index
      %get3A_167 = tpu.vector_load %arg9[%get3A_165, %get3A_166] {strides = array<i32>} : memref<2x128xi32, #tpu.memory_space<vmem>>, vector<16xi32>,
      tpu.vector_store_idx %arg15[%get3A_167], %broadcast_in_dim3A_139 {add = true} : memref<10240xf32, #tpu.memory_space<vmem>>[vector<16xi32>], vector<16xf32>,
      %get3A_168 = arith.constant 1 : i32
      %get3A_169 = arith.index_cast %get3A_168 : i32 to index
      %get3A_170 = arith.constant 112 : index
      %get3A_171 = tpu.vector_load %arg9[%get3A_169, %get3A_170] {strides = array<i32>} : memref<2x128xi32, #tpu.memory_space<vmem>>, vector<16xi32>,
      tpu.vector_store_idx %arg15[%get3A_171], %broadcast_in_dim3A_139 {add = true} : memref<10240xf32, #tpu.memory_space<vmem>>[vector<16xi32>], vector<16xf32>,
      %run_scoped3A_172 = arith.constant 1 : i32
      "tpu.region"() ({
        %run_scoped3A_398 = tpu.sem_alloc : memref<!tpu.dma_semaphore, #tpu.memory_space<semaphore_mem>>
        %dma_start3A_399 = arith.constant 0 : i32
        %dma_start3A_400 = tpu.memref_slice %arg9[%run_scoped3A_172, %dma_start3A_399] : memref<2x128xi32, #tpu.memory_space<vmem>> -> memref<1x128xi32, #tpu.memory_space<vmem>>
        %dma_start3A_401 = tpu.memref_squeeze %dma_start3A_400 : memref<1x128xi32, #tpu.memory_space<vmem>> -> memref<128xi32, #tpu.memory_space<vmem>>
        %dma_start3A_402 = arith.constant 0 : i32
        %dma_start3A_403 = arith.constant 0 : i32
        %dma_start3A_404 = tpu.memref_slice %arg8[%dma_start3A_402, %dma_start3A_403] : memref<10240x128xf32, #tpu.memory_space<vmem_shared>> -> memref<10240x128xf32, #tpu.memory_space<vmem_shared>>
        tpu.enqueue_indirect_dma source(%arg13 : memref<128x128xf32, #tpu.memory_space<vmem>>) target(%dma_start3A_404 : memref<10240x128xf32, #tpu.memory_space<vmem_shared>>) offsets(%dma_start3A_401 : memref<128xi32, #tpu.memory_space<vmem>>) semaphore(%run_scoped3A_398 : memref<!tpu.dma_semaphore, #tpu.memory_space<semaphore_mem>>) {add = true}
        %dma_wait3A_405 = arith.constant 0 : i32
        %dma_wait3A_406 = tpu.memref_slice %arg9[%run_scoped3A_172, %dma_wait3A_405] : memref<2x128xi32, #tpu.memory_space<vmem>> -> memref<1x128xi32, #tpu.memory_space<vmem>>
        %dma_wait3A_407 = tpu.memref_squeeze %dma_wait3A_406 : memref<1x128xi32, #tpu.memory_space<vmem>> -> memref<128xi32, #tpu.memory_space<vmem>>
        %dma_wait3A_408 = arith.constant 0 : i32
        %dma_wait3A_409 = arith.constant 0 : i32
        %dma_wait3A_410 = tpu.memref_slice %arg8[%dma_wait3A_408, %dma_wait3A_409] : memref<10240x128xf32, #tpu.memory_space<vmem_shared>> -> memref<10240x128xf32, #tpu.memory_space<vmem_shared>>
        tpu.wait_indirect_dma semaphore(%run_scoped3A_398 : memref<!tpu.dma_semaphore, #tpu.memory_space<semaphore_mem>>) src(%arg13 : memref<128x128xf32, #tpu.memory_space<vmem>>) dst(%dma_wait3A_410 : memref<10240x128xf32, #tpu.memory_space<vmem_shared>>)
        tpu.yield
      }) : () -> ()
      %dma_wait3A_173 = arith.constant 0 : i32
      %dma_wait3A_174 = arith.constant 0 : i32
      %dma_wait3A_175 = tpu.memref_slice %arg3[%add3A_122, %dma_wait3A_173, %dma_wait3A_174] : memref<2500x2x128xi32, #tpu.memory_space<hbm>> -> memref<1x2x128xi32, #tpu.memory_space<hbm>>
      %dma_wait3A_176 = tpu.memref_squeeze %dma_wait3A_175 : memref<1x2x128xi32, #tpu.memory_space<hbm>> -> memref<2x128xi32, #tpu.memory_space<hbm>>
      %dma_wait3A_177 = arith.constant 0 : i32
      %dma_wait3A_178 = arith.constant 0 : i32
      %dma_wait3A_179 = tpu.memref_slice %arg3[%add3A_122, %dma_wait3A_177, %dma_wait3A_178] : memref<2500x2x128xi32, #tpu.memory_space<hbm>> -> memref<1x2x128xi32, #tpu.memory_space<hbm>>
      %dma_wait3A_180 = tpu.memref_squeeze %dma_wait3A_179 : memref<1x2x128xi32, #tpu.memory_space<hbm>> -> memref<2x128xi32, #tpu.memory_space<hbm>>
      tpu.wait_dma2 semaphore(%arg20 : memref<!tpu.dma_semaphore, #tpu.memory_space<semaphore_mem>>) src(%dma_wait3A_180 : memref<2x128xi32, #tpu.memory_space<hbm>>) dst(%arg11 : memref<2x128xi32, #tpu.memory_space<vmem>>)
      %dma_start3A_181 = arith.constant 0 : i32
      %dma_start3A_182 = arith.constant 0 : i32
      %dma_start3A_183 = tpu.memref_slice %arg11[%dma_start3A_181, %dma_start3A_182] : memref<2x128xi32, #tpu.memory_space<vmem>> -> memref<1x128xi32, #tpu.memory_space<vmem>>
      %dma_start3A_184 = tpu.memref_squeeze %dma_start3A_183 : memref<1x128xi32, #tpu.memory_space<vmem>> -> memref<128xi32, #tpu.memory_space<vmem>>
      %dma_start3A_185 = arith.constant 0 : i32
      %dma_start3A_186 = arith.constant 0 : i32
      %dma_start3A_187 = tpu.memref_slice %arg2[%dma_start3A_185, %dma_start3A_186] : memref<10000x128xf32, #tpu.memory_space<hbm>> -> memref<10000x128xf32, #tpu.memory_space<hbm>>
      tpu.enqueue_indirect_dma source(%dma_start3A_187 : memref<10000x128xf32, #tpu.memory_space<hbm>>) target(%arg13 : memref<128x128xf32, #tpu.memory_space<vmem>>) offsets(%dma_start3A_184 : memref<128xi32, #tpu.memory_space<vmem>>) semaphore(%arg16 : memref<!tpu.dma_semaphore, #tpu.memory_space<semaphore_mem>>)
      %add3A_188 = arith.addi %mul3A_4, %add3A_117 : i32
      %add3A_189 = arith.constant 1 : i32
      %add3A_190 = arith.addi %add3A_188, %add3A_189 : i32
      %add3A_191 = arith.constant 2 : i32
      %add3A_192 = arith.addi %add3A_190, %add3A_191 : i32
      %dma_start3A_193 = arith.constant 0 : i32
      %dma_start3A_194 = arith.constant 0 : i32
      %dma_start3A_195 = tpu.memref_slice %arg3[%add3A_192, %dma_start3A_193, %dma_start3A_194] : memref<2500x2x128xi32, #tpu.memory_space<hbm>> -> memref<1x2x128xi32, #tpu.memory_space<hbm>>
      %dma_start3A_196 = tpu.memref_squeeze %dma_start3A_195 : memref<1x2x128xi32, #tpu.memory_space<hbm>> -> memref<2x128xi32, #tpu.memory_space<hbm>>
      %dma_start3A_197 = arith.constant 0 : i32
      %dma_start3A_198 = arith.constant 0 : i32
      %dma_start3A_199 = tpu.memref_slice %arg3[%add3A_192, %dma_start3A_197, %dma_start3A_198] : memref<2500x2x128xi32, #tpu.memory_space<hbm>> -> memref<1x2x128xi32, #tpu.memory_space<hbm>>
      %dma_start3A_200 = tpu.memref_squeeze %dma_start3A_199 : memref<1x2x128xi32, #tpu.memory_space<hbm>> -> memref<2x128xi32, #tpu.memory_space<hbm>>
      tpu.enqueue_dma source(%dma_start3A_200 : memref<2x128xi32, #tpu.memory_space<hbm>>) target(%arg12 : memref<2x128xi32, #tpu.memory_space<vmem>>) target_semaphore(%arg21 : memref<!tpu.dma_semaphore, #tpu.memory_space<semaphore_mem>>)
      %dma_wait3A_201 = arith.constant 0 : i32
      %dma_wait3A_202 = arith.constant 0 : i32
      %dma_wait3A_203 = tpu.memref_slice %arg10[%dma_wait3A_201, %dma_wait3A_202] : memref<2x128xi32, #tpu.memory_space<vmem>> -> memref<1x128xi32, #tpu.memory_space<vmem>>
      %dma_wait3A_204 = tpu.memref_squeeze %dma_wait3A_203 : memref<1x128xi32, #tpu.memory_space<vmem>> -> memref<128xi32, #tpu.memory_space<vmem>>
      %dma_wait3A_205 = arith.constant 0 : i32
      %dma_wait3A_206 = arith.constant 0 : i32
      %dma_wait3A_207 = tpu.memref_slice %arg2[%dma_wait3A_205, %dma_wait3A_206] : memref<10000x128xf32, #tpu.memory_space<hbm>> -> memref<10000x128xf32, #tpu.memory_space<hbm>>
      tpu.wait_indirect_dma semaphore(%arg17 : memref<!tpu.dma_semaphore, #tpu.memory_space<semaphore_mem>>) src(%dma_wait3A_207 : memref<10000x128xf32, #tpu.memory_space<hbm>>) dst(%arg14 : memref<128x128xf32, #tpu.memory_space<vmem>>)
      %broadcast_in_dim3A_208 = arith.constant 1.000000e+00 : f32
      %broadcast_in_dim3A_209 = vector.broadcast %broadcast_in_dim3A_208 : f32 to vector<16xf32>
      %get3A_210 = arith.constant 1 : i32
      %get3A_211 = arith.index_cast %get3A_210 : i32 to index
      %get3A_212 = arith.constant 0 : index
      %get3A_213 = tpu.vector_load %arg10[%get3A_211, %get3A_212] {strides = array<i32>} : memref<2x128xi32, #tpu.memory_space<vmem>>, vector<16xi32>,
      tpu.vector_store_idx %arg15[%get3A_213], %broadcast_in_dim3A_209 {add = true} : memref<10240xf32, #tpu.memory_space<vmem>>[vector<16xi32>], vector<16xf32>,
      %get3A_214 = arith.constant 1 : i32
      %get3A_215 = arith.index_cast %get3A_214 : i32 to index
      %get3A_216 = arith.constant 16 : index
      %get3A_217 = tpu.vector_load %arg10[%get3A_215, %get3A_216] {strides = array<i32>} : memref<2x128xi32, #tpu.memory_space<vmem>>, vector<16xi32>,
      tpu.vector_store_idx %arg15[%get3A_217], %broadcast_in_dim3A_209 {add = true} : memref<10240xf32, #tpu.memory_space<vmem>>[vector<16xi32>], vector<16xf32>,
      %get3A_218 = arith.constant 1 : i32
      %get3A_219 = arith.index_cast %get3A_218 : i32 to index
      %get3A_220 = arith.constant 32 : index
      %get3A_221 = tpu.vector_load %arg10[%get3A_219, %get3A_220] {strides = array<i32>} : memref<2x128xi32, #tpu.memory_space<vmem>>, vector<16xi32>,
      tpu.vector_store_idx %arg15[%get3A_221], %broadcast_in_dim3A_209 {add = true} : memref<10240xf32, #tpu.memory_space<vmem>>[vector<16xi32>], vector<16xf32>,
      %get3A_222 = arith.constant 1 : i32
      %get3A_223 = arith.index_cast %get3A_222 : i32 to index
      %get3A_224 = arith.constant 48 : index
      %get3A_225 = tpu.vector_load %arg10[%get3A_223, %get3A_224] {strides = array<i32>} : memref<2x128xi32, #tpu.memory_space<vmem>>, vector<16xi32>,
      tpu.vector_store_idx %arg15[%get3A_225], %broadcast_in_dim3A_209 {add = true} : memref<10240xf32, #tpu.memory_space<vmem>>[vector<16xi32>], vector<16xf32>,
      %get3A_226 = arith.constant 1 : i32
      %get3A_227 = arith.index_cast %get3A_226 : i32 to index
      %get3A_228 = arith.constant 64 : index
      %get3A_229 = tpu.vector_load %arg10[%get3A_227, %get3A_228] {strides = array<i32>} : memref<2x128xi32, #tpu.memory_space<vmem>>, vector<16xi32>,
      tpu.vector_store_idx %arg15[%get3A_229], %broadcast_in_dim3A_209 {add = true} : memref<10240xf32, #tpu.memory_space<vmem>>[vector<16xi32>], vector<16xf32>,
      %get3A_230 = arith.constant 1 : i32
      %get3A_231 = arith.index_cast %get3A_230 : i32 to index
      %get3A_232 = arith.constant 80 : index
      %get3A_233 = tpu.vector_load %arg10[%get3A_231, %get3A_232] {strides = array<i32>} : memref<2x128xi32, #tpu.memory_space<vmem>>, vector<16xi32>,
      tpu.vector_store_idx %arg15[%get3A_233], %broadcast_in_dim3A_209 {add = true} : memref<10240xf32, #tpu.memory_space<vmem>>[vector<16xi32>], vector<16xf32>,
      %get3A_234 = arith.constant 1 : i32
      %get3A_235 = arith.index_cast %get3A_234 : i32 to index
      %get3A_236 = arith.constant 96 : index
      %get3A_237 = tpu.vector_load %arg10[%get3A_235, %get3A_236] {strides = array<i32>} : memref<2x128xi32, #tpu.memory_space<vmem>>, vector<16xi32>,
      tpu.vector_store_idx %arg15[%get3A_237], %broadcast_in_dim3A_209 {add = true} : memref<10240xf32, #tpu.memory_space<vmem>>[vector<16xi32>], vector<16xf32>,
      %get3A_238 = arith.constant 1 : i32
      %get3A_239 = arith.index_cast %get3A_238 : i32 to index
      %get3A_240 = arith.constant 112 : index
      %get3A_241 = tpu.vector_load %arg10[%get3A_239, %get3A_240] {strides = array<i32>} : memref<2x128xi32, #tpu.memory_space<vmem>>, vector<16xi32>,
      tpu.vector_store_idx %arg15[%get3A_241], %broadcast_in_dim3A_209 {add = true} : memref<10240xf32, #tpu.memory_space<vmem>>[vector<16xi32>], vector<16xf32>,
      %run_scoped3A_242 = arith.constant 1 : i32
      "tpu.region"() ({
        %run_scoped3A_398 = tpu.sem_alloc : memref<!tpu.dma_semaphore, #tpu.memory_space<semaphore_mem>>
        %dma_start3A_399 = arith.constant 0 : i32
        %dma_start3A_400 = tpu.memref_slice %arg10[%run_scoped3A_242, %dma_start3A_399] : memref<2x128xi32, #tpu.memory_space<vmem>> -> memref<1x128xi32, #tpu.memory_space<vmem>>
        %dma_start3A_401 = tpu.memref_squeeze %dma_start3A_400 : memref<1x128xi32, #tpu.memory_space<vmem>> -> memref<128xi32, #tpu.memory_space<vmem>>
        %dma_start3A_402 = arith.constant 0 : i32
        %dma_start3A_403 = arith.constant 0 : i32
        %dma_start3A_404 = tpu.memref_slice %arg8[%dma_start3A_402, %dma_start3A_403] : memref<10240x128xf32, #tpu.memory_space<vmem_shared>> -> memref<10240x128xf32, #tpu.memory_space<vmem_shared>>
        tpu.enqueue_indirect_dma source(%arg14 : memref<128x128xf32, #tpu.memory_space<vmem>>) target(%dma_start3A_404 : memref<10240x128xf32, #tpu.memory_space<vmem_shared>>) offsets(%dma_start3A_401 : memref<128xi32, #tpu.memory_space<vmem>>) semaphore(%run_scoped3A_398 : memref<!tpu.dma_semaphore, #tpu.memory_space<semaphore_mem>>) {add = true}
        %dma_wait3A_405 = arith.constant 0 : i32
        %dma_wait3A_406 = tpu.memref_slice %arg10[%run_scoped3A_242, %dma_wait3A_405] : memref<2x128xi32, #tpu.memory_space<vmem>> -> memref<1x128xi32, #tpu.memory_space<vmem>>
        %dma_wait3A_407 = tpu.memref_squeeze %dma_wait3A_406 : memref<1x128xi32, #tpu.memory_space<vmem>> -> memref<128xi32, #tpu.memory_space<vmem>>
        %dma_wait3A_408 = arith.constant 0 : i32
        %dma_wait3A_409 = arith.constant 0 : i32
        %dma_wait3A_410 = tpu.memref_slice %arg8[%dma_wait3A_408, %dma_wait3A_409] : memref<10240x128xf32, #tpu.memory_space<vmem_shared>> -> memref<10240x128xf32, #tpu.memory_space<vmem_shared>>
        tpu.wait_indirect_dma semaphore(%run_scoped3A_398 : memref<!tpu.dma_semaphore, #tpu.memory_space<semaphore_mem>>) src(%arg14 : memref<128x128xf32, #tpu.memory_space<vmem>>) dst(%dma_wait3A_410 : memref<10240x128xf32, #tpu.memory_space<vmem_shared>>)
        tpu.yield
      }) : () -> ()
      %dma_wait3A_243 = arith.constant 0 : i32
      %dma_wait3A_244 = arith.constant 0 : i32
      %dma_wait3A_245 = tpu.memref_slice %arg3[%add3A_192, %dma_wait3A_243, %dma_wait3A_244] : memref<2500x2x128xi32, #tpu.memory_space<hbm>> -> memref<1x2x128xi32, #tpu.memory_space<hbm>>
      %dma_wait3A_246 = tpu.memref_squeeze %dma_wait3A_245 : memref<1x2x128xi32, #tpu.memory_space<hbm>> -> memref<2x128xi32, #tpu.memory_space<hbm>>
      %dma_wait3A_247 = arith.constant 0 : i32
      %dma_wait3A_248 = arith.constant 0 : i32
      %dma_wait3A_249 = tpu.memref_slice %arg3[%add3A_192, %dma_wait3A_247, %dma_wait3A_248] : memref<2500x2x128xi32, #tpu.memory_space<hbm>> -> memref<1x2x128xi32, #tpu.memory_space<hbm>>
      %dma_wait3A_250 = tpu.memref_squeeze %dma_wait3A_249 : memref<1x2x128xi32, #tpu.memory_space<hbm>> -> memref<2x128xi32, #tpu.memory_space<hbm>>
      tpu.wait_dma2 semaphore(%arg21 : memref<!tpu.dma_semaphore, #tpu.memory_space<semaphore_mem>>) src(%dma_wait3A_250 : memref<2x128xi32, #tpu.memory_space<hbm>>) dst(%arg12 : memref<2x128xi32, #tpu.memory_space<vmem>>)
      %dma_start3A_251 = arith.constant 0 : i32
      %dma_start3A_252 = arith.constant 0 : i32
      %dma_start3A_253 = tpu.memref_slice %arg12[%dma_start3A_251, %dma_start3A_252] : memref<2x128xi32, #tpu.memory_space<vmem>> -> memref<1x128xi32, #tpu.memory_space<vmem>>
      %dma_start3A_254 = tpu.memref_squeeze %dma_start3A_253 : memref<1x128xi32, #tpu.memory_space<vmem>> -> memref<128xi32, #tpu.memory_space<vmem>>
      %dma_start3A_255 = arith.constant 0 : i32
      %dma_start3A_256 = arith.constant 0 : i32
      %dma_start3A_257 = tpu.memref_slice %arg2[%dma_start3A_255, %dma_start3A_256] : memref<10000x128xf32, #tpu.memory_space<hbm>> -> memref<10000x128xf32, #tpu.memory_space<hbm>>
      tpu.enqueue_indirect_dma source(%dma_start3A_257 : memref<10000x128xf32, #tpu.memory_space<hbm>>) target(%arg14 : memref<128x128xf32, #tpu.memory_space<vmem>>) offsets(%dma_start3A_254 : memref<128xi32, #tpu.memory_space<vmem>>) semaphore(%arg17 : memref<!tpu.dma_semaphore, #tpu.memory_space<semaphore_mem>>)
      %add3A_258 = arith.addi %mul3A_4, %add3A_117 : i32
      %add3A_259 = arith.constant 2 : i32
      %add3A_260 = arith.addi %add3A_258, %add3A_259 : i32
      %add3A_261 = arith.constant 2 : i32
      %add3A_262 = arith.addi %add3A_260, %add3A_261 : i32
      %dma_start3A_263 = arith.constant 0 : i32
      %dma_start3A_264 = arith.constant 0 : i32
      %dma_start3A_265 = tpu.memref_slice %arg3[%add3A_262, %dma_start3A_263, %dma_start3A_264] : memref<2500x2x128xi32, #tpu.memory_space<hbm>> -> memref<1x2x128xi32, #tpu.memory_space<hbm>>
      %dma_start3A_266 = tpu.memref_squeeze %dma_start3A_265 : memref<1x2x128xi32, #tpu.memory_space<hbm>> -> memref<2x128xi32, #tpu.memory_space<hbm>>
      %dma_start3A_267 = arith.constant 0 : i32
      %dma_start3A_268 = arith.constant 0 : i32
      %dma_start3A_269 = tpu.memref_slice %arg3[%add3A_262, %dma_start3A_267, %dma_start3A_268] : memref<2500x2x128xi32, #tpu.memory_space<hbm>> -> memref<1x2x128xi32, #tpu.memory_space<hbm>>
      %dma_start3A_270 = tpu.memref_squeeze %dma_start3A_269 : memref<1x2x128xi32, #tpu.memory_space<hbm>> -> memref<2x128xi32, #tpu.memory_space<hbm>>
      tpu.enqueue_dma source(%dma_start3A_270 : memref<2x128xi32, #tpu.memory_space<hbm>>) target(%arg9 : memref<2x128xi32, #tpu.memory_space<vmem>>) target_semaphore(%arg18 : memref<!tpu.dma_semaphore, #tpu.memory_space<semaphore_mem>>)
      %dma_wait3A_271 = arith.constant 0 : i32
      %dma_wait3A_272 = arith.constant 0 : i32
      %dma_wait3A_273 = tpu.memref_slice %arg11[%dma_wait3A_271, %dma_wait3A_272] : memref<2x128xi32, #tpu.memory_space<vmem>> -> memref<1x128xi32, #tpu.memory_space<vmem>>
      %dma_wait3A_274 = tpu.memref_squeeze %dma_wait3A_273 : memref<1x128xi32, #tpu.memory_space<vmem>> -> memref<128xi32, #tpu.memory_space<vmem>>
      %dma_wait3A_275 = arith.constant 0 : i32
      %dma_wait3A_276 = arith.constant 0 : i32
      %dma_wait3A_277 = tpu.memref_slice %arg2[%dma_wait3A_275, %dma_wait3A_276] : memref<10000x128xf32, #tpu.memory_space<hbm>> -> memref<10000x128xf32, #tpu.memory_space<hbm>>
      tpu.wait_indirect_dma semaphore(%arg16 : memref<!tpu.dma_semaphore, #tpu.memory_space<semaphore_mem>>) src(%dma_wait3A_277 : memref<10000x128xf32, #tpu.memory_space<hbm>>) dst(%arg13 : memref<128x128xf32, #tpu.memory_space<vmem>>)
      %broadcast_in_dim3A_278 = arith.constant 1.000000e+00 : f32
      %broadcast_in_dim3A_279 = vector.broadcast %broadcast_in_dim3A_278 : f32 to vector<16xf32>
      %get3A_280 = arith.constant 1 : i32
      %get3A_281 = arith.index_cast %get3A_280 : i32 to index
      %get3A_282 = arith.constant 0 : index
      %get3A_283 = tpu.vector_load %arg11[%get3A_281, %get3A_282] {strides = array<i32>} : memref<2x128xi32, #tpu.memory_space<vmem>>, vector<16xi32>,
      tpu.vector_store_idx %arg15[%get3A_283], %broadcast_in_dim3A_279 {add = true} : memref<10240xf32, #tpu.memory_space<vmem>>[vector<16xi32>], vector<16xf32>,
      %get3A_284 = arith.constant 1 : i32
      %get3A_285 = arith.index_cast %get3A_284 : i32 to index
      %get3A_286 = arith.constant 16 : index
      %get3A_287 = tpu.vector_load %arg11[%get3A_285, %get3A_286] {strides = array<i32>} : memref<2x128xi32, #tpu.memory_space<vmem>>, vector<16xi32>,
      tpu.vector_store_idx %arg15[%get3A_287], %broadcast_in_dim3A_279 {add = true} : memref<10240xf32, #tpu.memory_space<vmem>>[vector<16xi32>], vector<16xf32>,
      %get3A_288 = arith.constant 1 : i32
      %get3A_289 = arith.index_cast %get3A_288 : i32 to index
      %get3A_290 = arith.constant 32 : index
      %get3A_291 = tpu.vector_load %arg11[%get3A_289, %get3A_290] {strides = array<i32>} : memref<2x128xi32, #tpu.memory_space<vmem>>, vector<16xi32>,
      tpu.vector_store_idx %arg15[%get3A_291], %broadcast_in_dim3A_279 {add = true} : memref<10240xf32, #tpu.memory_space<vmem>>[vector<16xi32>], vector<16xf32>,
      %get3A_292 = arith.constant 1 : i32
      %get3A_293 = arith.index_cast %get3A_292 : i32 to index
      %get3A_294 = arith.constant 48 : index
      %get3A_295 = tpu.vector_load %arg11[%get3A_293, %get3A_294] {strides = array<i32>} : memref<2x128xi32, #tpu.memory_space<vmem>>, vector<16xi32>,
      tpu.vector_store_idx %arg15[%get3A_295], %broadcast_in_dim3A_279 {add = true} : memref<10240xf32, #tpu.memory_space<vmem>>[vector<16xi32>], vector<16xf32>,
      %get3A_296 = arith.constant 1 : i32
      %get3A_297 = arith.index_cast %get3A_296 : i32 to index
      %get3A_298 = arith.constant 64 : index
      %get3A_299 = tpu.vector_load %arg11[%get3A_297, %get3A_298] {strides = array<i32>} : memref<2x128xi32, #tpu.memory_space<vmem>>, vector<16xi32>,
      tpu.vector_store_idx %arg15[%get3A_299], %broadcast_in_dim3A_279 {add = true} : memref<10240xf32, #tpu.memory_space<vmem>>[vector<16xi32>], vector<16xf32>,
      %get3A_300 = arith.constant 1 : i32
      %get3A_301 = arith.index_cast %get3A_300 : i32 to index
      %get3A_302 = arith.constant 80 : index
      %get3A_303 = tpu.vector_load %arg11[%get3A_301, %get3A_302] {strides = array<i32>} : memref<2x128xi32, #tpu.memory_space<vmem>>, vector<16xi32>,
      tpu.vector_store_idx %arg15[%get3A_303], %broadcast_in_dim3A_279 {add = true} : memref<10240xf32, #tpu.memory_space<vmem>>[vector<16xi32>], vector<16xf32>,
      %get3A_304 = arith.constant 1 : i32
      %get3A_305 = arith.index_cast %get3A_304 : i32 to index
      %get3A_306 = arith.constant 96 : index
      %get3A_307 = tpu.vector_load %arg11[%get3A_305, %get3A_306] {strides = array<i32>} : memref<2x128xi32, #tpu.memory_space<vmem>>, vector<16xi32>,
      tpu.vector_store_idx %arg15[%get3A_307], %broadcast_in_dim3A_279 {add = true} : memref<10240xf32, #tpu.memory_space<vmem>>[vector<16xi32>], vector<16xf32>,
      %get3A_308 = arith.constant 1 : i32
      %get3A_309 = arith.index_cast %get3A_308 : i32 to index
      %get3A_310 = arith.constant 112 : index
      %get3A_311 = tpu.vector_load %arg11[%get3A_309, %get3A_310] {strides = array<i32>} : memref<2x128xi32, #tpu.memory_space<vmem>>, vector<16xi32>,
      tpu.vector_store_idx %arg15[%get3A_311], %broadcast_in_dim3A_279 {add = true} : memref<10240xf32, #tpu.memory_space<vmem>>[vector<16xi32>], vector<16xf32>,
      %run_scoped3A_312 = arith.constant 1 : i32
      "tpu.region"() ({
        %run_scoped3A_398 = tpu.sem_alloc : memref<!tpu.dma_semaphore, #tpu.memory_space<semaphore_mem>>
        %dma_start3A_399 = arith.constant 0 : i32
        %dma_start3A_400 = tpu.memref_slice %arg11[%run_scoped3A_312, %dma_start3A_399] : memref<2x128xi32, #tpu.memory_space<vmem>> -> memref<1x128xi32, #tpu.memory_space<vmem>>
        %dma_start3A_401 = tpu.memref_squeeze %dma_start3A_400 : memref<1x128xi32, #tpu.memory_space<vmem>> -> memref<128xi32, #tpu.memory_space<vmem>>
        %dma_start3A_402 = arith.constant 0 : i32
        %dma_start3A_403 = arith.constant 0 : i32
        %dma_start3A_404 = tpu.memref_slice %arg8[%dma_start3A_402, %dma_start3A_403] : memref<10240x128xf32, #tpu.memory_space<vmem_shared>> -> memref<10240x128xf32, #tpu.memory_space<vmem_shared>>
        tpu.enqueue_indirect_dma source(%arg13 : memref<128x128xf32, #tpu.memory_space<vmem>>) target(%dma_start3A_404 : memref<10240x128xf32, #tpu.memory_space<vmem_shared>>) offsets(%dma_start3A_401 : memref<128xi32, #tpu.memory_space<vmem>>) semaphore(%run_scoped3A_398 : memref<!tpu.dma_semaphore, #tpu.memory_space<semaphore_mem>>) {add = true}
        %dma_wait3A_405 = arith.constant 0 : i32
        %dma_wait3A_406 = tpu.memref_slice %arg11[%run_scoped3A_312, %dma_wait3A_405] : memref<2x128xi32, #tpu.memory_space<vmem>> -> memref<1x128xi32, #tpu.memory_space<vmem>>
        %dma_wait3A_407 = tpu.memref_squeeze %dma_wait3A_406 : memref<1x128xi32, #tpu.memory_space<vmem>> -> memref<128xi32, #tpu.memory_space<vmem>>
        %dma_wait3A_408 = arith.constant 0 : i32
        %dma_wait3A_409 = arith.constant 0 : i32
        %dma_wait3A_410 = tpu.memref_slice %arg8[%dma_wait3A_408, %dma_wait3A_409] : memref<10240x128xf32, #tpu.memory_space<vmem_shared>> -> memref<10240x128xf32, #tpu.memory_space<vmem_shared>>
        tpu.wait_indirect_dma semaphore(%run_scoped3A_398 : memref<!tpu.dma_semaphore, #tpu.memory_space<semaphore_mem>>) src(%arg13 : memref<128x128xf32, #tpu.memory_space<vmem>>) dst(%dma_wait3A_410 : memref<10240x128xf32, #tpu.memory_space<vmem_shared>>)
        tpu.yield
      }) : () -> ()
      %dma_wait3A_313 = arith.constant 0 : i32
      %dma_wait3A_314 = arith.constant 0 : i32
      %dma_wait3A_315 = tpu.memref_slice %arg3[%add3A_262, %dma_wait3A_313, %dma_wait3A_314] : memref<2500x2x128xi32, #tpu.memory_space<hbm>> -> memref<1x2x128xi32, #tpu.memory_space<hbm>>
      %dma_wait3A_316 = tpu.memref_squeeze %dma_wait3A_315 : memref<1x2x128xi32, #tpu.memory_space<hbm>> -> memref<2x128xi32, #tpu.memory_space<hbm>>
      %dma_wait3A_317 = arith.constant 0 : i32
      %dma_wait3A_318 = arith.constant 0 : i32
      %dma_wait3A_319 = tpu.memref_slice %arg3[%add3A_262, %dma_wait3A_317, %dma_wait3A_318] : memref<2500x2x128xi32, #tpu.memory_space<hbm>> -> memref<1x2x128xi32, #tpu.memory_space<hbm>>
      %dma_wait3A_320 = tpu.memref_squeeze %dma_wait3A_319 : memref<1x2x128xi32, #tpu.memory_space<hbm>> -> memref<2x128xi32, #tpu.memory_space<hbm>>
      tpu.wait_dma2 semaphore(%arg18 : memref<!tpu.dma_semaphore, #tpu.memory_space<semaphore_mem>>) src(%dma_wait3A_320 : memref<2x128xi32, #tpu.memory_space<hbm>>) dst(%arg9 : memref<2x128xi32, #tpu.memory_space<vmem>>)
      %dma_start3A_321 = arith.constant 0 : i32
      %dma_start3A_322 = arith.constant 0 : i32
      %dma_start3A_323 = tpu.memref_slice %arg9[%dma_start3A_321, %dma_start3A_322] : memref<2x128xi32, #tpu.memory_space<vmem>> -> memref<1x128xi32, #tpu.memory_space<vmem>>
      %dma_start3A_324 = tpu.memref_squeeze %dma_start3A_323 : memref<1x128xi32, #tpu.memory_space<vmem>> -> memref<128xi32, #tpu.memory_space<vmem>>
      %dma_start3A_325 = arith.constant 0 : i32
      %dma_start3A_326 = arith.constant 0 : i32
      %dma_start3A_327 = tpu.memref_slice %arg2[%dma_start3A_325, %dma_start3A_326] : memref<10000x128xf32, #tpu.memory_space<hbm>> -> memref<10000x128xf32, #tpu.memory_space<hbm>>
      tpu.enqueue_indirect_dma source(%dma_start3A_327 : memref<10000x128xf32, #tpu.memory_space<hbm>>) target(%arg13 : memref<128x128xf32, #tpu.memory_space<vmem>>) offsets(%dma_start3A_324 : memref<128xi32, #tpu.memory_space<vmem>>) semaphore(%arg16 : memref<!tpu.dma_semaphore, #tpu.memory_space<semaphore_mem>>)
      %add3A_328 = arith.addi %mul3A_4, %add3A_117 : i32
      %add3A_329 = arith.constant 3 : i32
      %add3A_330 = arith.addi %add3A_328, %add3A_329 : i32
      %add3A_331 = arith.constant 2 : i32
      %add3A_332 = arith.addi %add3A_330, %add3A_331 : i32
      %dma_start3A_333 = arith.constant 0 : i32
      %dma_start3A_334 = arith.constant 0 : i32
      %dma_start3A_335 = tpu.memref_slice %arg3[%add3A_332, %dma_start3A_333, %dma_start3A_334] : memref<2500x2x128xi32, #tpu.memory_space<hbm>> -> memref<1x2x128xi32, #tpu.memory_space<hbm>>
      %dma_start3A_336 = tpu.memref_squeeze %dma_start3A_335 : memref<1x2x128xi32, #tpu.memory_space<hbm>> -> memref<2x128xi32, #tpu.memory_space<hbm>>
      %dma_start3A_337 = arith.constant 0 : i32
      %dma_start3A_338 = arith.constant 0 : i32
      %dma_start3A_339 = tpu.memref_slice %arg3[%add3A_332, %dma_start3A_337, %dma_start3A_338] : memref<2500x2x128xi32, #tpu.memory_space<hbm>> -> memref<1x2x128xi32, #tpu.memory_space<hbm>>
      %dma_start3A_340 = tpu.memref_squeeze %dma_start3A_339 : memref<1x2x128xi32, #tpu.memory_space<hbm>> -> memref<2x128xi32, #tpu.memory_space<hbm>>
      tpu.enqueue_dma source(%dma_start3A_340 : memref<2x128xi32, #tpu.memory_space<hbm>>) target(%arg10 : memref<2x128xi32, #tpu.memory_space<vmem>>) target_semaphore(%arg19 : memref<!tpu.dma_semaphore, #tpu.memory_space<semaphore_mem>>)
      %dma_wait3A_341 = arith.constant 0 : i32
      %dma_wait3A_342 = arith.constant 0 : i32
      %dma_wait3A_343 = tpu.memref_slice %arg12[%dma_wait3A_341, %dma_wait3A_342] : memref<2x128xi32, #tpu.memory_space<vmem>> -> memref<1x128xi32, #tpu.memory_space<vmem>>
      %dma_wait3A_344 = tpu.memref_squeeze %dma_wait3A_343 : memref<1x128xi32, #tpu.memory_space<vmem>> -> memref<128xi32, #tpu.memory_space<vmem>>
      %dma_wait3A_345 = arith.constant 0 : i32
      %dma_wait3A_346 = arith.constant 0 : i32
      %dma_wait3A_347 = tpu.memref_slice %arg2[%dma_wait3A_345, %dma_wait3A_346] : memref<10000x128xf32, #tpu.memory_space<hbm>> -> memref<10000x128xf32, #tpu.memory_space<hbm>>
      tpu.wait_indirect_dma semaphore(%arg17 : memref<!tpu.dma_semaphore, #tpu.memory_space<semaphore_mem>>) src(%dma_wait3A_347 : memref<10000x128xf32, #tpu.memory_space<hbm>>) dst(%arg14 : memref<128x128xf32, #tpu.memory_space<vmem>>)
      %broadcast_in_dim3A_348 = arith.constant 1.000000e+00 : f32
      %broadcast_in_dim3A_349 = vector.broadcast %broadcast_in_dim3A_348 : f32 to vector<16xf32>
      %get3A_350 = arith.constant 1 : i32
      %get3A_351 = arith.index_cast %get3A_350 : i32 to index
      %get3A_352 = arith.constant 0 : index
      %get3A_353 = tpu.vector_load %arg12[%get3A_351, %get3A_352] {strides = array<i32>} : memref<2x128xi32, #tpu.memory_space<vmem>>, vector<16xi32>,
      tpu.vector_store_idx %arg15[%get3A_353], %broadcast_in_dim3A_349 {add = true} : memref<10240xf32, #tpu.memory_space<vmem>>[vector<16xi32>], vector<16xf32>,
      %get3A_354 = arith.constant 1 : i32
      %get3A_355 = arith.index_cast %get3A_354 : i32 to index
      %get3A_356 = arith.constant 16 : index
      %get3A_357 = tpu.vector_load %arg12[%get3A_355, %get3A_356] {strides = array<i32>} : memref<2x128xi32, #tpu.memory_space<vmem>>, vector<16xi32>,
      tpu.vector_store_idx %arg15[%get3A_357], %broadcast_in_dim3A_349 {add = true} : memref<10240xf32, #tpu.memory_space<vmem>>[vector<16xi32>], vector<16xf32>,
      %get3A_358 = arith.constant 1 : i32
      %get3A_359 = arith.index_cast %get3A_358 : i32 to index
      %get3A_360 = arith.constant 32 : index
      %get3A_361 = tpu.vector_load %arg12[%get3A_359, %get3A_360] {strides = array<i32>} : memref<2x128xi32, #tpu.memory_space<vmem>>, vector<16xi32>,
      tpu.vector_store_idx %arg15[%get3A_361], %broadcast_in_dim3A_349 {add = true} : memref<10240xf32, #tpu.memory_space<vmem>>[vector<16xi32>], vector<16xf32>,
      %get3A_362 = arith.constant 1 : i32
      %get3A_363 = arith.index_cast %get3A_362 : i32 to index
      %get3A_364 = arith.constant 48 : index
      %get3A_365 = tpu.vector_load %arg12[%get3A_363, %get3A_364] {strides = array<i32>} : memref<2x128xi32, #tpu.memory_space<vmem>>, vector<16xi32>,
      tpu.vector_store_idx %arg15[%get3A_365], %broadcast_in_dim3A_349 {add = true} : memref<10240xf32, #tpu.memory_space<vmem>>[vector<16xi32>], vector<16xf32>,
      %get3A_366 = arith.constant 1 : i32
      %get3A_367 = arith.index_cast %get3A_366 : i32 to index
      %get3A_368 = arith.constant 64 : index
      %get3A_369 = tpu.vector_load %arg12[%get3A_367, %get3A_368] {strides = array<i32>} : memref<2x128xi32, #tpu.memory_space<vmem>>, vector<16xi32>,
      tpu.vector_store_idx %arg15[%get3A_369], %broadcast_in_dim3A_349 {add = true} : memref<10240xf32, #tpu.memory_space<vmem>>[vector<16xi32>], vector<16xf32>,
      %get3A_370 = arith.constant 1 : i32
      %get3A_371 = arith.index_cast %get3A_370 : i32 to index
      %get3A_372 = arith.constant 80 : index
      %get3A_373 = tpu.vector_load %arg12[%get3A_371, %get3A_372] {strides = array<i32>} : memref<2x128xi32, #tpu.memory_space<vmem>>, vector<16xi32>,
      tpu.vector_store_idx %arg15[%get3A_373], %broadcast_in_dim3A_349 {add = true} : memref<10240xf32, #tpu.memory_space<vmem>>[vector<16xi32>], vector<16xf32>,
      %get3A_374 = arith.constant 1 : i32
      %get3A_375 = arith.index_cast %get3A_374 : i32 to index
      %get3A_376 = arith.constant 96 : index
      %get3A_377 = tpu.vector_load %arg12[%get3A_375, %get3A_376] {strides = array<i32>} : memref<2x128xi32, #tpu.memory_space<vmem>>, vector<16xi32>,
      tpu.vector_store_idx %arg15[%get3A_377], %broadcast_in_dim3A_349 {add = true} : memref<10240xf32, #tpu.memory_space<vmem>>[vector<16xi32>], vector<16xf32>,
      %get3A_378 = arith.constant 1 : i32
      %get3A_379 = arith.index_cast %get3A_378 : i32 to index
      %get3A_380 = arith.constant 112 : index
      %get3A_381 = tpu.vector_load %arg12[%get3A_379, %get3A_380] {strides = array<i32>} : memref<2x128xi32, #tpu.memory_space<vmem>>, vector<16xi32>,
      tpu.vector_store_idx %arg15[%get3A_381], %broadcast_in_dim3A_349 {add = true} : memref<10240xf32, #tpu.memory_space<vmem>>[vector<16xi32>], vector<16xf32>,
      %run_scoped3A_382 = arith.constant 1 : i32
      "tpu.region"() ({
        %run_scoped3A_398 = tpu.sem_alloc : memref<!tpu.dma_semaphore, #tpu.memory_space<semaphore_mem>>
        %dma_start3A_399 = arith.constant 0 : i32
        %dma_start3A_400 = tpu.memref_slice %arg12[%run_scoped3A_382, %dma_start3A_399] : memref<2x128xi32, #tpu.memory_space<vmem>> -> memref<1x128xi32, #tpu.memory_space<vmem>>
        %dma_start3A_401 = tpu.memref_squeeze %dma_start3A_400 : memref<1x128xi32, #tpu.memory_space<vmem>> -> memref<128xi32, #tpu.memory_space<vmem>>
        %dma_start3A_402 = arith.constant 0 : i32
        %dma_start3A_403 = arith.constant 0 : i32
        %dma_start3A_404 = tpu.memref_slice %arg8[%dma_start3A_402, %dma_start3A_403] : memref<10240x128xf32, #tpu.memory_space<vmem_shared>> -> memref<10240x128xf32, #tpu.memory_space<vmem_shared>>
        tpu.enqueue_indirect_dma source(%arg14 : memref<128x128xf32, #tpu.memory_space<vmem>>) target(%dma_start3A_404 : memref<10240x128xf32, #tpu.memory_space<vmem_shared>>) offsets(%dma_start3A_401 : memref<128xi32, #tpu.memory_space<vmem>>) semaphore(%run_scoped3A_398 : memref<!tpu.dma_semaphore, #tpu.memory_space<semaphore_mem>>) {add = true}
        %dma_wait3A_405 = arith.constant 0 : i32
        %dma_wait3A_406 = tpu.memref_slice %arg12[%run_scoped3A_382, %dma_wait3A_405] : memref<2x128xi32, #tpu.memory_space<vmem>> -> memref<1x128xi32, #tpu.memory_space<vmem>>
        %dma_wait3A_407 = tpu.memref_squeeze %dma_wait3A_406 : memref<1x128xi32, #tpu.memory_space<vmem>> -> memref<128xi32, #tpu.memory_space<vmem>>
        %dma_wait3A_408 = arith.constant 0 : i32
        %dma_wait3A_409 = arith.constant 0 : i32
        %dma_wait3A_410 = tpu.memref_slice %arg8[%dma_wait3A_408, %dma_wait3A_409] : memref<10240x128xf32, #tpu.memory_space<vmem_shared>> -> memref<10240x128xf32, #tpu.memory_space<vmem_shared>>
        tpu.wait_indirect_dma semaphore(%run_scoped3A_398 : memref<!tpu.dma_semaphore, #tpu.memory_space<semaphore_mem>>) src(%arg14 : memref<128x128xf32, #tpu.memory_space<vmem>>) dst(%dma_wait3A_410 : memref<10240x128xf32, #tpu.memory_space<vmem_shared>>)
        tpu.yield
      }) : () -> ()
      %dma_wait3A_383 = arith.constant 0 : i32
      %dma_wait3A_384 = arith.constant 0 : i32
      %dma_wait3A_385 = tpu.memref_slice %arg3[%add3A_332, %dma_wait3A_383, %dma_wait3A_384] : memref<2500x2x128xi32, #tpu.memory_space<hbm>> -> memref<1x2x128xi32, #tpu.memory_space<hbm>>
      %dma_wait3A_386 = tpu.memref_squeeze %dma_wait3A_385 : memref<1x2x128xi32, #tpu.memory_space<hbm>> -> memref<2x128xi32, #tpu.memory_space<hbm>>
      %dma_wait3A_387 = arith.constant 0 : i32
      %dma_wait3A_388 = arith.constant 0 : i32
      %dma_wait3A_389 = tpu.memref_slice %arg3[%add3A_332, %dma_wait3A_387, %dma_wait3A_388] : memref<2500x2x128xi32, #tpu.memory_space<hbm>> -> memref<1x2x128xi32, #tpu.memory_space<hbm>>
      %dma_wait3A_390 = tpu.memref_squeeze %dma_wait3A_389 : memref<1x2x128xi32, #tpu.memory_space<hbm>> -> memref<2x128xi32, #tpu.memory_space<hbm>>
      tpu.wait_dma2 semaphore(%arg19 : memref<!tpu.dma_semaphore, #tpu.memory_space<semaphore_mem>>) src(%dma_wait3A_390 : memref<2x128xi32, #tpu.memory_space<hbm>>) dst(%arg10 : memref<2x128xi32, #tpu.memory_space<vmem>>)
      %dma_start3A_391 = arith.constant 0 : i32
      %dma_start3A_392 = arith.constant 0 : i32
      %dma_start3A_393 = tpu.memref_slice %arg10[%dma_start3A_391, %dma_start3A_392] : memref<2x128xi32, #tpu.memory_space<vmem>> -> memref<1x128xi32, #tpu.memory_space<vmem>>
      %dma_start3A_394 = tpu.memref_squeeze %dma_start3A_393 : memref<1x128xi32, #tpu.memory_space<vmem>> -> memref<128xi32, #tpu.memory_space<vmem>>
      %dma_start3A_395 = arith.constant 0 : i32
      %dma_start3A_396 = arith.constant 0 : i32
      %dma_start3A_397 = tpu.memref_slice %arg2[%dma_start3A_395, %dma_start3A_396] : memref<10000x128xf32, #tpu.memory_space<hbm>> -> memref<10000x128xf32, #tpu.memory_space<hbm>>
      tpu.enqueue_indirect_dma source(%dma_start3A_397 : memref<10000x128xf32, #tpu.memory_space<hbm>>) target(%arg14 : memref<128x128xf32, #tpu.memory_space<vmem>>) offsets(%dma_start3A_394 : memref<128xi32, #tpu.memory_space<vmem>>) semaphore(%arg17 : memref<!tpu.dma_semaphore, #tpu.memory_space<semaphore_mem>>)
    }
    %scan3A_29 = arith.constant 19 : i32
    %dma_wait3A = arith.constant 0 : i32
    %dma_wait3A_30 = arith.constant 0 : i32
    %dma_wait3A_31 = tpu.memref_slice %arg9[%dma_wait3A, %dma_wait3A_30] : memref<2x128xi32, #tpu.memory_space<vmem>> -> memref<1x128xi32, #tpu.memory_space<vmem>>
    %dma_wait3A_32 = tpu.memref_squeeze %dma_wait3A_31 : memref<1x128xi32, #tpu.memory_space<vmem>> -> memref<128xi32, #tpu.memory_space<vmem>>
    %dma_wait3A_33 = arith.constant 0 : i32
    %dma_wait3A_34 = arith.constant 0 : i32
    %dma_wait3A_35 = tpu.memref_slice %arg2[%dma_wait3A_33, %dma_wait3A_34] : memref<10000x128xf32, #tpu.memory_space<hbm>> -> memref<10000x128xf32, #tpu.memory_space<hbm>>
    tpu.wait_indirect_dma semaphore(%arg16 : memref<!tpu.dma_semaphore, #tpu.memory_space<semaphore_mem>>) src(%dma_wait3A_35 : memref<10000x128xf32, #tpu.memory_space<hbm>>) dst(%arg13 : memref<128x128xf32, #tpu.memory_space<vmem>>)
    %broadcast_in_dim3A = arith.constant 1.000000e+00 : f32
    %broadcast_in_dim3A_36 = vector.broadcast %broadcast_in_dim3A : f32 to vector<16xf32>
    %get3A = arith.constant 1 : i32
    %get3A_37 = arith.index_cast %get3A : i32 to index
    %get3A_38 = arith.constant 0 : index
    %get3A_39 = tpu.vector_load %arg9[%get3A_37, %get3A_38] {strides = array<i32>} : memref<2x128xi32, #tpu.memory_space<vmem>>, vector<16xi32>,
    tpu.vector_store_idx %arg15[%get3A_39], %broadcast_in_dim3A_36 {add = true} : memref<10240xf32, #tpu.memory_space<vmem>>[vector<16xi32>], vector<16xf32>,
    %get3A_40 = arith.constant 1 : i32
    %get3A_41 = arith.index_cast %get3A_40 : i32 to index
    %get3A_42 = arith.constant 16 : index
    %get3A_43 = tpu.vector_load %arg9[%get3A_41, %get3A_42] {strides = array<i32>} : memref<2x128xi32, #tpu.memory_space<vmem>>, vector<16xi32>,
    tpu.vector_store_idx %arg15[%get3A_43], %broadcast_in_dim3A_36 {add = true} : memref<10240xf32, #tpu.memory_space<vmem>>[vector<16xi32>], vector<16xf32>,
    %get3A_44 = arith.constant 1 : i32
    %get3A_45 = arith.index_cast %get3A_44 : i32 to index
    %get3A_46 = arith.constant 32 : index
    %get3A_47 = tpu.vector_load %arg9[%get3A_45, %get3A_46] {strides = array<i32>} : memref<2x128xi32, #tpu.memory_space<vmem>>, vector<16xi32>,
    tpu.vector_store_idx %arg15[%get3A_47], %broadcast_in_dim3A_36 {add = true} : memref<10240xf32, #tpu.memory_space<vmem>>[vector<16xi32>], vector<16xf32>,
    %get3A_48 = arith.constant 1 : i32
    %get3A_49 = arith.index_cast %get3A_48 : i32 to index
    %get3A_50 = arith.constant 48 : index
    %get3A_51 = tpu.vector_load %arg9[%get3A_49, %get3A_50] {strides = array<i32>} : memref<2x128xi32, #tpu.memory_space<vmem>>, vector<16xi32>,
    tpu.vector_store_idx %arg15[%get3A_51], %broadcast_in_dim3A_36 {add = true} : memref<10240xf32, #tpu.memory_space<vmem>>[vector<16xi32>], vector<16xf32>,
    %get3A_52 = arith.constant 1 : i32
    %get3A_53 = arith.index_cast %get3A_52 : i32 to index
    %get3A_54 = arith.constant 64 : index
    %get3A_55 = tpu.vector_load %arg9[%get3A_53, %get3A_54] {strides = array<i32>} : memref<2x128xi32, #tpu.memory_space<vmem>>, vector<16xi32>,
    tpu.vector_store_idx %arg15[%get3A_55], %broadcast_in_dim3A_36 {add = true} : memref<10240xf32, #tpu.memory_space<vmem>>[vector<16xi32>], vector<16xf32>,
    %get3A_56 = arith.constant 1 : i32
    %get3A_57 = arith.index_cast %get3A_56 : i32 to index
    %get3A_58 = arith.constant 80 : index
    %get3A_59 = tpu.vector_load %arg9[%get3A_57, %get3A_58] {strides = array<i32>} : memref<2x128xi32, #tpu.memory_space<vmem>>, vector<16xi32>,
    tpu.vector_store_idx %arg15[%get3A_59], %broadcast_in_dim3A_36 {add = true} : memref<10240xf32, #tpu.memory_space<vmem>>[vector<16xi32>], vector<16xf32>,
    %get3A_60 = arith.constant 1 : i32
    %get3A_61 = arith.index_cast %get3A_60 : i32 to index
    %get3A_62 = arith.constant 96 : index
    %get3A_63 = tpu.vector_load %arg9[%get3A_61, %get3A_62] {strides = array<i32>} : memref<2x128xi32, #tpu.memory_space<vmem>>, vector<16xi32>,
    tpu.vector_store_idx %arg15[%get3A_63], %broadcast_in_dim3A_36 {add = true} : memref<10240xf32, #tpu.memory_space<vmem>>[vector<16xi32>], vector<16xf32>,
    %get3A_64 = arith.constant 1 : i32
    %get3A_65 = arith.index_cast %get3A_64 : i32 to index
    %get3A_66 = arith.constant 112 : index
    %get3A_67 = tpu.vector_load %arg9[%get3A_65, %get3A_66] {strides = array<i32>} : memref<2x128xi32, #tpu.memory_space<vmem>>, vector<16xi32>,
    tpu.vector_store_idx %arg15[%get3A_67], %broadcast_in_dim3A_36 {add = true} : memref<10240xf32, #tpu.memory_space<vmem>>[vector<16xi32>], vector<16xf32>,
    %run_scoped3A = arith.constant 1 : i32
    "tpu.region"() ({
      %run_scoped3A_113 = tpu.sem_alloc : memref<!tpu.dma_semaphore, #tpu.memory_space<semaphore_mem>>
      %dma_start3A_114 = arith.constant 0 : i32
      %dma_start3A_115 = tpu.memref_slice %arg9[%run_scoped3A, %dma_start3A_114] : memref<2x128xi32, #tpu.memory_space<vmem>> -> memref<1x128xi32, #tpu.memory_space<vmem>>
      %dma_start3A_116 = tpu.memref_squeeze %dma_start3A_115 : memref<1x128xi32, #tpu.memory_space<vmem>> -> memref<128xi32, #tpu.memory_space<vmem>>
      %dma_start3A_117 = arith.constant 0 : i32
      %dma_start3A_118 = arith.constant 0 : i32
      %dma_start3A_119 = tpu.memref_slice %arg8[%dma_start3A_117, %dma_start3A_118] : memref<10240x128xf32, #tpu.memory_space<vmem_shared>> -> memref<10240x128xf32, #tpu.memory_space<vmem_shared>>
      tpu.enqueue_indirect_dma source(%arg13 : memref<128x128xf32, #tpu.memory_space<vmem>>) target(%dma_start3A_119 : memref<10240x128xf32, #tpu.memory_space<vmem_shared>>) offsets(%dma_start3A_116 : memref<128xi32, #tpu.memory_space<vmem>>) semaphore(%run_scoped3A_113 : memref<!tpu.dma_semaphore, #tpu.memory_space<semaphore_mem>>) {add = true}
      %dma_wait3A_120 = arith.constant 0 : i32
      %dma_wait3A_121 = tpu.memref_slice %arg9[%run_scoped3A, %dma_wait3A_120] : memref<2x128xi32, #tpu.memory_space<vmem>> -> memref<1x128xi32, #tpu.memory_space<vmem>>
      %dma_wait3A_122 = tpu.memref_squeeze %dma_wait3A_121 : memref<1x128xi32, #tpu.memory_space<vmem>> -> memref<128xi32, #tpu.memory_space<vmem>>
      %dma_wait3A_123 = arith.constant 0 : i32
      %dma_wait3A_124 = arith.constant 0 : i32
      %dma_wait3A_125 = tpu.memref_slice %arg8[%dma_wait3A_123, %dma_wait3A_124] : memref<10240x128xf32, #tpu.memory_space<vmem_shared>> -> memref<10240x128xf32, #tpu.memory_space<vmem_shared>>
      tpu.wait_indirect_dma semaphore(%run_scoped3A_113 : memref<!tpu.dma_semaphore, #tpu.memory_space<semaphore_mem>>) src(%arg13 : memref<128x128xf32, #tpu.memory_space<vmem>>) dst(%dma_wait3A_125 : memref<10240x128xf32, #tpu.memory_space<vmem_shared>>)
      tpu.yield
    }) : () -> ()
    %dma_wait3A_68 = arith.constant 0 : i32
    %dma_wait3A_69 = arith.constant 0 : i32
    %dma_wait3A_70 = tpu.memref_slice %arg10[%dma_wait3A_68, %dma_wait3A_69] : memref<2x128xi32, #tpu.memory_space<vmem>> -> memref<1x128xi32, #tpu.memory_space<vmem>>
    %dma_wait3A_71 = tpu.memref_squeeze %dma_wait3A_70 : memref<1x128xi32, #tpu.memory_space<vmem>> -> memref<128xi32, #tpu.memory_space<vmem>>
    %dma_wait3A_72 = arith.constant 0 : i32
    %dma_wait3A_73 = arith.constant 0 : i32
    %dma_wait3A_74 = tpu.memref_slice %arg2[%dma_wait3A_72, %dma_wait3A_73] : memref<10000x128xf32, #tpu.memory_space<hbm>> -> memref<10000x128xf32, #tpu.memory_space<hbm>>
    tpu.wait_indirect_dma semaphore(%arg17 : memref<!tpu.dma_semaphore, #tpu.memory_space<semaphore_mem>>) src(%dma_wait3A_74 : memref<10000x128xf32, #tpu.memory_space<hbm>>) dst(%arg14 : memref<128x128xf32, #tpu.memory_space<vmem>>)
    %broadcast_in_dim3A_75 = arith.constant 1.000000e+00 : f32
    %broadcast_in_dim3A_76 = vector.broadcast %broadcast_in_dim3A_75 : f32 to vector<16xf32>
    %get3A_77 = arith.constant 1 : i32
    %get3A_78 = arith.index_cast %get3A_77 : i32 to index
    %get3A_79 = arith.constant 0 : index
    %get3A_80 = tpu.vector_load %arg10[%get3A_78, %get3A_79] {strides = array<i32>} : memref<2x128xi32, #tpu.memory_space<vmem>>, vector<16xi32>,
    tpu.vector_store_idx %arg15[%get3A_80], %broadcast_in_dim3A_76 {add = true} : memref<10240xf32, #tpu.memory_space<vmem>>[vector<16xi32>], vector<16xf32>,
    %get3A_81 = arith.constant 1 : i32
    %get3A_82 = arith.index_cast %get3A_81 : i32 to index
    %get3A_83 = arith.constant 16 : index
    %get3A_84 = tpu.vector_load %arg10[%get3A_82, %get3A_83] {strides = array<i32>} : memref<2x128xi32, #tpu.memory_space<vmem>>, vector<16xi32>,
    tpu.vector_store_idx %arg15[%get3A_84], %broadcast_in_dim3A_76 {add = true} : memref<10240xf32, #tpu.memory_space<vmem>>[vector<16xi32>], vector<16xf32>,
    %get3A_85 = arith.constant 1 : i32
    %get3A_86 = arith.index_cast %get3A_85 : i32 to index
    %get3A_87 = arith.constant 32 : index
    %get3A_88 = tpu.vector_load %arg10[%get3A_86, %get3A_87] {strides = array<i32>} : memref<2x128xi32, #tpu.memory_space<vmem>>, vector<16xi32>,
    tpu.vector_store_idx %arg15[%get3A_88], %broadcast_in_dim3A_76 {add = true} : memref<10240xf32, #tpu.memory_space<vmem>>[vector<16xi32>], vector<16xf32>,
    %get3A_89 = arith.constant 1 : i32
    %get3A_90 = arith.index_cast %get3A_89 : i32 to index
    %get3A_91 = arith.constant 48 : index
    %get3A_92 = tpu.vector_load %arg10[%get3A_90, %get3A_91] {strides = array<i32>} : memref<2x128xi32, #tpu.memory_space<vmem>>, vector<16xi32>,
    tpu.vector_store_idx %arg15[%get3A_92], %broadcast_in_dim3A_76 {add = true} : memref<10240xf32, #tpu.memory_space<vmem>>[vector<16xi32>], vector<16xf32>,
    %get3A_93 = arith.constant 1 : i32
    %get3A_94 = arith.index_cast %get3A_93 : i32 to index
    %get3A_95 = arith.constant 64 : index
    %get3A_96 = tpu.vector_load %arg10[%get3A_94, %get3A_95] {strides = array<i32>} : memref<2x128xi32, #tpu.memory_space<vmem>>, vector<16xi32>,
    tpu.vector_store_idx %arg15[%get3A_96], %broadcast_in_dim3A_76 {add = true} : memref<10240xf32, #tpu.memory_space<vmem>>[vector<16xi32>], vector<16xf32>,
    %get3A_97 = arith.constant 1 : i32
    %get3A_98 = arith.index_cast %get3A_97 : i32 to index
    %get3A_99 = arith.constant 80 : index
    %get3A_100 = tpu.vector_load %arg10[%get3A_98, %get3A_99] {strides = array<i32>} : memref<2x128xi32, #tpu.memory_space<vmem>>, vector<16xi32>,
    tpu.vector_store_idx %arg15[%get3A_100], %broadcast_in_dim3A_76 {add = true} : memref<10240xf32, #tpu.memory_space<vmem>>[vector<16xi32>], vector<16xf32>,
    %get3A_101 = arith.constant 1 : i32
    %get3A_102 = arith.index_cast %get3A_101 : i32 to index
    %get3A_103 = arith.constant 96 : index
    %get3A_104 = tpu.vector_load %arg10[%get3A_102, %get3A_103] {strides = array<i32>} : memref<2x128xi32, #tpu.memory_space<vmem>>, vector<16xi32>,
    tpu.vector_store_idx %arg15[%get3A_104], %broadcast_in_dim3A_76 {add = true} : memref<10240xf32, #tpu.memory_space<vmem>>[vector<16xi32>], vector<16xf32>,
    %get3A_105 = arith.constant 1 : i32
    %get3A_106 = arith.index_cast %get3A_105 : i32 to index
    %get3A_107 = arith.constant 112 : index
    %get3A_108 = tpu.vector_load %arg10[%get3A_106, %get3A_107] {strides = array<i32>} : memref<2x128xi32, #tpu.memory_space<vmem>>, vector<16xi32>,
    tpu.vector_store_idx %arg15[%get3A_108], %broadcast_in_dim3A_76 {add = true} : memref<10240xf32, #tpu.memory_space<vmem>>[vector<16xi32>], vector<16xf32>,
    %run_scoped3A_109 = arith.constant 1 : i32
    "tpu.region"() ({
      %run_scoped3A_113 = tpu.sem_alloc : memref<!tpu.dma_semaphore, #tpu.memory_space<semaphore_mem>>
      %dma_start3A_114 = arith.constant 0 : i32
      %dma_start3A_115 = tpu.memref_slice %arg10[%run_scoped3A_109, %dma_start3A_114] : memref<2x128xi32, #tpu.memory_space<vmem>> -> memref<1x128xi32, #tpu.memory_space<vmem>>
      %dma_start3A_116 = tpu.memref_squeeze %dma_start3A_115 : memref<1x128xi32, #tpu.memory_space<vmem>> -> memref<128xi32, #tpu.memory_space<vmem>>
      %dma_start3A_117 = arith.constant 0 : i32
      %dma_start3A_118 = arith.constant 0 : i32
      %dma_start3A_119 = tpu.memref_slice %arg8[%dma_start3A_117, %dma_start3A_118] : memref<10240x128xf32, #tpu.memory_space<vmem_shared>> -> memref<10240x128xf32, #tpu.memory_space<vmem_shared>>
      tpu.enqueue_indirect_dma source(%arg14 : memref<128x128xf32, #tpu.memory_space<vmem>>) target(%dma_start3A_119 : memref<10240x128xf32, #tpu.memory_space<vmem_shared>>) offsets(%dma_start3A_116 : memref<128xi32, #tpu.memory_space<vmem>>) semaphore(%run_scoped3A_113 : memref<!tpu.dma_semaphore, #tpu.memory_space<semaphore_mem>>) {add = true}
      %dma_wait3A_120 = arith.constant 0 : i32
      %dma_wait3A_121 = tpu.memref_slice %arg10[%run_scoped3A_109, %dma_wait3A_120] : memref<2x128xi32, #tpu.memory_space<vmem>> -> memref<1x128xi32, #tpu.memory_space<vmem>>
      %dma_wait3A_122 = tpu.memref_squeeze %dma_wait3A_121 : memref<1x128xi32, #tpu.memory_space<vmem>> -> memref<128xi32, #tpu.memory_space<vmem>>
      %dma_wait3A_123 = arith.constant 0 : i32
      %dma_wait3A_124 = arith.constant 0 : i32
      %dma_wait3A_125 = tpu.memref_slice %arg8[%dma_wait3A_123, %dma_wait3A_124] : memref<10240x128xf32, #tpu.memory_space<vmem_shared>> -> memref<10240x128xf32, #tpu.memory_space<vmem_shared>>
      tpu.wait_indirect_dma semaphore(%run_scoped3A_113 : memref<!tpu.dma_semaphore, #tpu.memory_space<semaphore_mem>>) src(%arg14 : memref<128x128xf32, #tpu.memory_space<vmem>>) dst(%dma_wait3A_125 : memref<10240x128xf32, #tpu.memory_space<vmem_shared>>)
      tpu.yield
    }) : () -> ()
    %lt3A = arith.constant 4 : i32
    %lt3A_110 = arith.cmpi slt, %add3A, %lt3A : i32
    %convert_element_type3A = arith.extui %lt3A_110 : i1 to i32
    %cond3A = arith.constant 0 : i32
    %cond3A_111 = arith.cmpi ne, %convert_element_type3A, %cond3A : i32
    scf.if %cond3A_111 {
      %add3A_113 = arith.constant 2496 : i32
      %add3A_114 = arith.addi %add3A_113, %add3A : i32
      "tpu.region"() ({
        %run_scoped3A_164 = tpu.sem_alloc : memref<!tpu.dma_semaphore, #tpu.memory_space<semaphore_mem>>
        %dma_start3A_165 = arith.constant 0 : i32
        %dma_start3A_166 = arith.constant 0 : i32
        %dma_start3A_167 = tpu.memref_slice %arg3[%add3A_114, %dma_start3A_165, %dma_start3A_166] : memref<2500x2x128xi32, #tpu.memory_space<hbm>> -> memref<1x2x128xi32, #tpu.memory_space<hbm>>
        %dma_start3A_168 = tpu.memref_squeeze %dma_start3A_167 : memref<1x2x128xi32, #tpu.memory_space<hbm>> -> memref<2x128xi32, #tpu.memory_space<hbm>>
        %dma_start3A_169 = arith.constant 0 : i32
        %dma_start3A_170 = arith.constant 0 : i32
        %dma_start3A_171 = tpu.memref_slice %arg3[%add3A_114, %dma_start3A_169, %dma_start3A_170] : memref<2500x2x128xi32, #tpu.memory_space<hbm>> -> memref<1x2x128xi32, #tpu.memory_space<hbm>>
        %dma_start3A_172 = tpu.memref_squeeze %dma_start3A_171 : memref<1x2x128xi32, #tpu.memory_space<hbm>> -> memref<2x128xi32, #tpu.memory_space<hbm>>
        tpu.enqueue_dma source(%dma_start3A_172 : memref<2x128xi32, #tpu.memory_space<hbm>>) target(%arg9 : memref<2x128xi32, #tpu.memory_space<vmem>>) target_semaphore(%run_scoped3A_164 : memref<!tpu.dma_semaphore, #tpu.memory_space<semaphore_mem>>)
        %dma_wait3A_173 = arith.constant 0 : i32
        %dma_wait3A_174 = arith.constant 0 : i32
        %dma_wait3A_175 = tpu.memref_slice %arg3[%add3A_114, %dma_wait3A_173, %dma_wait3A_174] : memref<2500x2x128xi32, #tpu.memory_space<hbm>> -> memref<1x2x128xi32, #tpu.memory_space<hbm>>
        %dma_wait3A_176 = tpu.memref_squeeze %dma_wait3A_175 : memref<1x2x128xi32, #tpu.memory_space<hbm>> -> memref<2x128xi32, #tpu.memory_space<hbm>>
        %dma_wait3A_177 = arith.constant 0 : i32
        %dma_wait3A_178 = arith.constant 0 : i32
        %dma_wait3A_179 = tpu.memref_slice %arg3[%add3A_114, %dma_wait3A_177, %dma_wait3A_178] : memref<2500x2x128xi32, #tpu.memory_space<hbm>> -> memref<1x2x128xi32, #tpu.memory_space<hbm>>
        %dma_wait3A_180 = tpu.memref_squeeze %dma_wait3A_179 : memref<1x2x128xi32, #tpu.memory_space<hbm>> -> memref<2x128xi32, #tpu.memory_space<hbm>>
        tpu.wait_dma2 semaphore(%run_scoped3A_164 : memref<!tpu.dma_semaphore, #tpu.memory_space<semaphore_mem>>) src(%dma_wait3A_180 : memref<2x128xi32, #tpu.memory_space<hbm>>) dst(%arg9 : memref<2x128xi32, #tpu.memory_space<vmem>>)
        tpu.yield
      }) : () -> ()
      %dma_start3A_115 = arith.constant 0 : i32
      %dma_start3A_116 = arith.constant 0 : i32
      %dma_start3A_117 = tpu.memref_slice %arg9[%dma_start3A_115, %dma_start3A_116] : memref<2x128xi32, #tpu.memory_space<vmem>> -> memref<1x128xi32, #tpu.memory_space<vmem>>
      %dma_start3A_118 = tpu.memref_squeeze %dma_start3A_117 : memref<1x128xi32, #tpu.memory_space<vmem>> -> memref<128xi32, #tpu.memory_space<vmem>>
      %dma_start3A_119 = arith.constant 0 : i32
      %dma_start3A_120 = arith.constant 0 : i32
      %dma_start3A_121 = tpu.memref_slice %arg2[%dma_start3A_119, %dma_start3A_120] : memref<10000x128xf32, #tpu.memory_space<hbm>> -> memref<10000x128xf32, #tpu.memory_space<hbm>>
      tpu.enqueue_indirect_dma source(%dma_start3A_121 : memref<10000x128xf32, #tpu.memory_space<hbm>>) target(%arg13 : memref<128x128xf32, #tpu.memory_space<vmem>>) offsets(%dma_start3A_118 : memref<128xi32, #tpu.memory_space<vmem>>) semaphore(%arg16 : memref<!tpu.dma_semaphore, #tpu.memory_space<semaphore_mem>>)
      %dma_wait3A_122 = arith.constant 0 : i32
      %dma_wait3A_123 = arith.constant 0 : i32
      %dma_wait3A_124 = tpu.memref_slice %arg9[%dma_wait3A_122, %dma_wait3A_123] : memref<2x128xi32, #tpu.memory_space<vmem>> -> memref<1x128xi32, #tpu.memory_space<vmem>>
      %dma_wait3A_125 = tpu.memref_squeeze %dma_wait3A_124 : memref<1x128xi32, #tpu.memory_space<vmem>> -> memref<128xi32, #tpu.memory_space<vmem>>
      %dma_wait3A_126 = arith.constant 0 : i32
      %dma_wait3A_127 = arith.constant 0 : i32
      %dma_wait3A_128 = tpu.memref_slice %arg2[%dma_wait3A_126, %dma_wait3A_127] : memref<10000x128xf32, #tpu.memory_space<hbm>> -> memref<10000x128xf32, #tpu.memory_space<hbm>>
      tpu.wait_indirect_dma semaphore(%arg16 : memref<!tpu.dma_semaphore, #tpu.memory_space<semaphore_mem>>) src(%dma_wait3A_128 : memref<10000x128xf32, #tpu.memory_space<hbm>>) dst(%arg13 : memref<128x128xf32, #tpu.memory_space<vmem>>)
      %broadcast_in_dim3A_129 = arith.constant 1.000000e+00 : f32
      %broadcast_in_dim3A_130 = vector.broadcast %broadcast_in_dim3A_129 : f32 to vector<16xf32>
      %get3A_131 = arith.constant 1 : i32
      %get3A_132 = arith.index_cast %get3A_131 : i32 to index
      %get3A_133 = arith.constant 0 : index
      %get3A_134 = tpu.vector_load %arg9[%get3A_132, %get3A_133] {strides = array<i32>} : memref<2x128xi32, #tpu.memory_space<vmem>>, vector<16xi32>,
      tpu.vector_store_idx %arg15[%get3A_134], %broadcast_in_dim3A_130 {add = true} : memref<10240xf32, #tpu.memory_space<vmem>>[vector<16xi32>], vector<16xf32>,
      %get3A_135 = arith.constant 1 : i32
      %get3A_136 = arith.index_cast %get3A_135 : i32 to index
      %get3A_137 = arith.constant 16 : index
      %get3A_138 = tpu.vector_load %arg9[%get3A_136, %get3A_137] {strides = array<i32>} : memref<2x128xi32, #tpu.memory_space<vmem>>, vector<16xi32>,
      tpu.vector_store_idx %arg15[%get3A_138], %broadcast_in_dim3A_130 {add = true} : memref<10240xf32, #tpu.memory_space<vmem>>[vector<16xi32>], vector<16xf32>,
      %get3A_139 = arith.constant 1 : i32
      %get3A_140 = arith.index_cast %get3A_139 : i32 to index
      %get3A_141 = arith.constant 32 : index
      %get3A_142 = tpu.vector_load %arg9[%get3A_140, %get3A_141] {strides = array<i32>} : memref<2x128xi32, #tpu.memory_space<vmem>>, vector<16xi32>,
      tpu.vector_store_idx %arg15[%get3A_142], %broadcast_in_dim3A_130 {add = true} : memref<10240xf32, #tpu.memory_space<vmem>>[vector<16xi32>], vector<16xf32>,
      %get3A_143 = arith.constant 1 : i32
      %get3A_144 = arith.index_cast %get3A_143 : i32 to index
      %get3A_145 = arith.constant 48 : index
      %get3A_146 = tpu.vector_load %arg9[%get3A_144, %get3A_145] {strides = array<i32>} : memref<2x128xi32, #tpu.memory_space<vmem>>, vector<16xi32>,
      tpu.vector_store_idx %arg15[%get3A_146], %broadcast_in_dim3A_130 {add = true} : memref<10240xf32, #tpu.memory_space<vmem>>[vector<16xi32>], vector<16xf32>,
      %get3A_147 = arith.constant 1 : i32
      %get3A_148 = arith.index_cast %get3A_147 : i32 to index
      %get3A_149 = arith.constant 64 : index
      %get3A_150 = tpu.vector_load %arg9[%get3A_148, %get3A_149] {strides = array<i32>} : memref<2x128xi32, #tpu.memory_space<vmem>>, vector<16xi32>,
      tpu.vector_store_idx %arg15[%get3A_150], %broadcast_in_dim3A_130 {add = true} : memref<10240xf32, #tpu.memory_space<vmem>>[vector<16xi32>], vector<16xf32>,
      %get3A_151 = arith.constant 1 : i32
      %get3A_152 = arith.index_cast %get3A_151 : i32 to index
      %get3A_153 = arith.constant 80 : index
      %get3A_154 = tpu.vector_load %arg9[%get3A_152, %get3A_153] {strides = array<i32>} : memref<2x128xi32, #tpu.memory_space<vmem>>, vector<16xi32>,
      tpu.vector_store_idx %arg15[%get3A_154], %broadcast_in_dim3A_130 {add = true} : memref<10240xf32, #tpu.memory_space<vmem>>[vector<16xi32>], vector<16xf32>,
      %get3A_155 = arith.constant 1 : i32
      %get3A_156 = arith.index_cast %get3A_155 : i32 to index
      %get3A_157 = arith.constant 96 : index
      %get3A_158 = tpu.vector_load %arg9[%get3A_156, %get3A_157] {strides = array<i32>} : memref<2x128xi32, #tpu.memory_space<vmem>>, vector<16xi32>,
      tpu.vector_store_idx %arg15[%get3A_158], %broadcast_in_dim3A_130 {add = true} : memref<10240xf32, #tpu.memory_space<vmem>>[vector<16xi32>], vector<16xf32>,
      %get3A_159 = arith.constant 1 : i32
      %get3A_160 = arith.index_cast %get3A_159 : i32 to index
      %get3A_161 = arith.constant 112 : index
      %get3A_162 = tpu.vector_load %arg9[%get3A_160, %get3A_161] {strides = array<i32>} : memref<2x128xi32, #tpu.memory_space<vmem>>, vector<16xi32>,
      tpu.vector_store_idx %arg15[%get3A_162], %broadcast_in_dim3A_130 {add = true} : memref<10240xf32, #tpu.memory_space<vmem>>[vector<16xi32>], vector<16xf32>,
      %run_scoped3A_163 = arith.constant 1 : i32
      "tpu.region"() ({
        %run_scoped3A_164 = tpu.sem_alloc : memref<!tpu.dma_semaphore, #tpu.memory_space<semaphore_mem>>
        %dma_start3A_165 = arith.constant 0 : i32
        %dma_start3A_166 = tpu.memref_slice %arg9[%run_scoped3A_163, %dma_start3A_165] : memref<2x128xi32, #tpu.memory_space<vmem>> -> memref<1x128xi32, #tpu.memory_space<vmem>>
        %dma_start3A_167 = tpu.memref_squeeze %dma_start3A_166 : memref<1x128xi32, #tpu.memory_space<vmem>> -> memref<128xi32, #tpu.memory_space<vmem>>
        %dma_start3A_168 = arith.constant 0 : i32
        %dma_start3A_169 = arith.constant 0 : i32
        %dma_start3A_170 = tpu.memref_slice %arg8[%dma_start3A_168, %dma_start3A_169] : memref<10240x128xf32, #tpu.memory_space<vmem_shared>> -> memref<10240x128xf32, #tpu.memory_space<vmem_shared>>
        tpu.enqueue_indirect_dma source(%arg13 : memref<128x128xf32, #tpu.memory_space<vmem>>) target(%dma_start3A_170 : memref<10240x128xf32, #tpu.memory_space<vmem_shared>>) offsets(%dma_start3A_167 : memref<128xi32, #tpu.memory_space<vmem>>) semaphore(%run_scoped3A_164 : memref<!tpu.dma_semaphore, #tpu.memory_space<semaphore_mem>>) {add = true}
        %dma_wait3A_171 = arith.constant 0 : i32
        %dma_wait3A_172 = tpu.memref_slice %arg9[%run_scoped3A_163, %dma_wait3A_171] : memref<2x128xi32, #tpu.memory_space<vmem>> -> memref<1x128xi32, #tpu.memory_space<vmem>>
        %dma_wait3A_173 = tpu.memref_squeeze %dma_wait3A_172 : memref<1x128xi32, #tpu.memory_space<vmem>> -> memref<128xi32, #tpu.memory_space<vmem>>
        %dma_wait3A_174 = arith.constant 0 : i32
        %dma_wait3A_175 = arith.constant 0 : i32
        %dma_wait3A_176 = tpu.memref_slice %arg8[%dma_wait3A_174, %dma_wait3A_175] : memref<10240x128xf32, #tpu.memory_space<vmem_shared>> -> memref<10240x128xf32, #tpu.memory_space<vmem_shared>>
        tpu.wait_indirect_dma semaphore(%run_scoped3A_164 : memref<!tpu.dma_semaphore, #tpu.memory_space<semaphore_mem>>) src(%arg13 : memref<128x128xf32, #tpu.memory_space<vmem>>) dst(%dma_wait3A_176 : memref<10240x128xf32, #tpu.memory_space<vmem_shared>>)
        tpu.yield
      }) : () -> ()
    } else {
    }
    %barrier3A_112 = arith.constant 0 : index
    tpu.barrier barrier_id(%barrier3A_112)
    "tpu.region"() ({
      %run_scoped3A_113 = tpu.sem_alloc : memref<!tpu.dma_semaphore, #tpu.memory_space<semaphore_mem>>
      %dma_start3A_114 = arith.constant 0 : i32
      %dma_start3A_115 = tpu.memref_slice %arg6[%arg0, %mul3A_2, %dma_start3A_114] : memref<2x10240x128xf32, #tpu.memory_space<hbm>> -> memref<1x640x128xf32, #tpu.memory_space<hbm>>
      %dma_start3A_116 = tpu.memref_squeeze %dma_start3A_115 : memref<1x640x128xf32, #tpu.memory_space<hbm>> -> memref<640x128xf32, #tpu.memory_space<hbm>>
      %dma_start3A_117 = arith.constant 0 : i32
      %dma_start3A_118 = tpu.memref_slice %arg8[%mul3A_2, %dma_start3A_117] : memref<10240x128xf32, #tpu.memory_space<vmem_shared>> -> memref<640x128xf32, #tpu.memory_space<vmem_shared>>
      tpu.enqueue_dma source(%dma_start3A_118 : memref<640x128xf32, #tpu.memory_space<vmem_shared>>) target(%dma_start3A_116 : memref<640x128xf32, #tpu.memory_space<hbm>>) target_semaphore(%run_scoped3A_113 : memref<!tpu.dma_semaphore, #tpu.memory_space<semaphore_mem>>)
      %dma_wait3A_119 = arith.constant 0 : i32
      %dma_wait3A_120 = tpu.memref_slice %arg6[%arg0, %mul3A_2, %dma_wait3A_119] : memref<2x10240x128xf32, #tpu.memory_space<hbm>> -> memref<1x640x128xf32, #tpu.memory_space<hbm>>
      %dma_wait3A_121 = tpu.memref_squeeze %dma_wait3A_120 : memref<1x640x128xf32, #tpu.memory_space<hbm>> -> memref<640x128xf32, #tpu.memory_space<hbm>>
      %dma_wait3A_122 = arith.constant 0 : i32
      %dma_wait3A_123 = tpu.memref_slice %arg8[%mul3A_2, %dma_wait3A_122] : memref<10240x128xf32, #tpu.memory_space<vmem_shared>> -> memref<640x128xf32, #tpu.memory_space<vmem_shared>>
      tpu.wait_dma2 semaphore(%run_scoped3A_113 : memref<!tpu.dma_semaphore, #tpu.memory_space<semaphore_mem>>) src(%dma_wait3A_123 : memref<640x128xf32, #tpu.memory_space<vmem_shared>>) dst(%dma_wait3A_121 : memref<640x128xf32, #tpu.memory_space<hbm>>)
      tpu.yield
    }) : () -> ()
    "tpu.region"() ({
      %run_scoped3A_113 = tpu.sem_alloc : memref<!tpu.dma_semaphore, #tpu.memory_space<semaphore_mem>>
      %dma_start3A_114 = arith.constant 0 : i32
      %dma_start3A_115 = tpu.memref_slice %arg7[%arg0, %arg1, %dma_start3A_114] : memref<2x16x10240xf32, #tpu.memory_space<hbm>> -> memref<1x1x10240xf32, #tpu.memory_space<hbm>>
      %dma_start3A_116 = tpu.memref_squeeze %dma_start3A_115 : memref<1x1x10240xf32, #tpu.memory_space<hbm>> -> memref<10240xf32, #tpu.memory_space<hbm>>
      %dma_start3A_117 = arith.constant 0 : i32
      %dma_start3A_118 = tpu.memref_slice %arg7[%arg0, %arg1, %dma_start3A_117] : memref<2x16x10240xf32, #tpu.memory_space<hbm>> -> memref<1x1x10240xf32, #tpu.memory_space<hbm>>
      %dma_start3A_119 = tpu.memref_squeeze %dma_start3A_118 : memref<1x1x10240xf32, #tpu.memory_space<hbm>> -> memref<10240xf32, #tpu.memory_space<hbm>>
      tpu.enqueue_dma source(%arg15 : memref<10240xf32, #tpu.memory_space<vmem>>) target(%dma_start3A_119 : memref<10240xf32, #tpu.memory_space<hbm>>) target_semaphore(%run_scoped3A_113 : memref<!tpu.dma_semaphore, #tpu.memory_space<semaphore_mem>>)
      %dma_wait3A_120 = arith.constant 0 : i32
      %dma_wait3A_121 = tpu.memref_slice %arg7[%arg0, %arg1, %dma_wait3A_120] : memref<2x16x10240xf32, #tpu.memory_space<hbm>> -> memref<1x1x10240xf32, #tpu.memory_space<hbm>>
      %dma_wait3A_122 = tpu.memref_squeeze %dma_wait3A_121 : memref<1x1x10240xf32, #tpu.memory_space<hbm>> -> memref<10240xf32, #tpu.memory_space<hbm>>
      %dma_wait3A_123 = arith.constant 0 : i32
      %dma_wait3A_124 = tpu.memref_slice %arg7[%arg0, %arg1, %dma_wait3A_123] : memref<2x16x10240xf32, #tpu.memory_space<hbm>> -> memref<1x1x10240xf32, #tpu.memory_space<hbm>>
      %dma_wait3A_125 = tpu.memref_squeeze %dma_wait3A_124 : memref<1x1x10240xf32, #tpu.memory_space<hbm>> -> memref<10240xf32, #tpu.memory_space<hbm>>
      tpu.wait_dma2 semaphore(%run_scoped3A_113 : memref<!tpu.dma_semaphore, #tpu.memory_space<semaphore_mem>>) src(%arg15 : memref<10240xf32, #tpu.memory_space<vmem>>) dst(%dma_wait3A_125 : memref<10240xf32, #tpu.memory_space<hbm>>)
      tpu.yield
    }) : () -> ()
    return
  }
}

#map = affine_map<(d0, d1) -> (0, 0)>
#map1 = affine_map<(d0, d1) -> (0, 0, 0)>
module attributes {stable_mosaic.version = 14 : i64} {
  func.func @body(%arg0: i32, %arg1: i32, %arg2: memref<10000x128xf32, #tpu.memory_space<hbm>>, %arg3: memref<2500x2x128xi32, #tpu.memory_space<hbm>>, %arg4: memref<10240x128xf32, #tpu.memory_space<hbm>>, %arg5: memref<2x10240x128xf32, #tpu.memory_space<hbm>>, %arg6: memref<10240x128xf32, #tpu.memory_space<vmem_shared>>, %arg7: memref<2x128xi32, #tpu.memory_space<vmem>>, %arg8: memref<2x128xi32, #tpu.memory_space<vmem>>, %arg9: memref<2x128xi32, #tpu.memory_space<vmem>>, %arg10: memref<2x128xi32, #tpu.memory_space<vmem>>, %arg11: memref<128x128xf32, #tpu.memory_space<vmem>>, %arg12: memref<128x128xf32, #tpu.memory_space<vmem>>, %arg13: memref<!tpu.dma_semaphore, #tpu.memory_space<semaphore_mem>>, %arg14: memref<!tpu.dma_semaphore, #tpu.memory_space<semaphore_mem>>, %arg15: memref<!tpu.dma_semaphore, #tpu.memory_space<semaphore_mem>>, %arg16: memref<!tpu.dma_semaphore, #tpu.memory_space<semaphore_mem>>, %arg17: memref<!tpu.dma_semaphore, #tpu.memory_space<semaphore_mem>>, %arg18: memref<!tpu.dma_semaphore, #tpu.memory_space<semaphore_mem>>) attributes {dimension_semantics = [#tpu.dimension_semantics<core_parallel>, #tpu.dimension_semantics<subcore_parallel>], iteration_bounds = array<i64: 2, 16>, scalar_prefetch = 0 : i64, scratch_operands = 13 : i64, tpu.core_type = #tpu.core_type<sc_vector_subcore>, window_params = [{transform_indices = #map}, {transform_indices = #map1}, {transform_indices = #map}, {transform_indices = #map1}]} {
    %mul3A = arith.constant 2 : i32
    %mul3A_0 = arith.muli %arg1, %mul3A : i32
    %add3A = arith.addi %mul3A_0, %arg0 : i32
    %mul3A_1 = arith.constant 640 : i32
    %mul3A_2 = arith.muli %arg1, %mul3A_1 : i32
    "tpu.region"() ({
      %run_scoped3A_47 = tpu.sem_alloc : memref<!tpu.dma_semaphore, #tpu.memory_space<semaphore_mem>>
      %dma_start3A_48 = arith.constant 0 : i32
      %dma_start3A_49 = tpu.memref_slice %arg6[%mul3A_2, %dma_start3A_48] : memref<10240x128xf32, #tpu.memory_space<vmem_shared>> -> memref<640x128xf32, #tpu.memory_space<vmem_shared>>
      %dma_start3A_50 = arith.constant 0 : i32
      %dma_start3A_51 = tpu.memref_slice %arg4[%mul3A_2, %dma_start3A_50] : memref<10240x128xf32, #tpu.memory_space<hbm>> -> memref<640x128xf32, #tpu.memory_space<hbm>>
      tpu.enqueue_dma source(%dma_start3A_51 : memref<640x128xf32, #tpu.memory_space<hbm>>) target(%dma_start3A_49 : memref<640x128xf32, #tpu.memory_space<vmem_shared>>) target_semaphore(%run_scoped3A_47 : memref<!tpu.dma_semaphore, #tpu.memory_space<semaphore_mem>>)
      %dma_wait3A_52 = arith.constant 0 : i32
      %dma_wait3A_53 = tpu.memref_slice %arg6[%mul3A_2, %dma_wait3A_52] : memref<10240x128xf32, #tpu.memory_space<vmem_shared>> -> memref<640x128xf32, #tpu.memory_space<vmem_shared>>
      %dma_wait3A_54 = arith.constant 0 : i32
      %dma_wait3A_55 = tpu.memref_slice %arg4[%mul3A_2, %dma_wait3A_54] : memref<10240x128xf32, #tpu.memory_space<hbm>> -> memref<640x128xf32, #tpu.memory_space<hbm>>
      tpu.wait_dma2 semaphore(%run_scoped3A_47 : memref<!tpu.dma_semaphore, #tpu.memory_space<semaphore_mem>>) src(%dma_wait3A_55 : memref<640x128xf32, #tpu.memory_space<hbm>>) dst(%dma_wait3A_53 : memref<640x128xf32, #tpu.memory_space<vmem_shared>>)
      tpu.yield
    }) : () -> ()
    %barrier3A = arith.constant 0 : index
    tpu.barrier barrier_id(%barrier3A)
    %mul3A_3 = arith.constant 78 : i32
    %mul3A_4 = arith.muli %add3A, %mul3A_3 : i32
    %add3A_5 = arith.constant 0 : i32
    %add3A_6 = arith.addi %mul3A_4, %add3A_5 : i32
    "tpu.region"() ({
      %run_scoped3A_47 = tpu.sem_alloc : memref<!tpu.dma_semaphore, #tpu.memory_space<semaphore_mem>>
      %dma_start3A_48 = arith.constant 0 : i32
      %dma_start3A_49 = arith.constant 0 : i32
      %dma_start3A_50 = tpu.memref_slice %arg3[%add3A_6, %dma_start3A_48, %dma_start3A_49] : memref<2500x2x128xi32, #tpu.memory_space<hbm>> -> memref<1x2x128xi32, #tpu.memory_space<hbm>>
      %dma_start3A_51 = tpu.memref_squeeze %dma_start3A_50 : memref<1x2x128xi32, #tpu.memory_space<hbm>> -> memref<2x128xi32, #tpu.memory_space<hbm>>
      %dma_start3A_52 = arith.constant 0 : i32
      %dma_start3A_53 = arith.constant 0 : i32
      %dma_start3A_54 = tpu.memref_slice %arg3[%add3A_6, %dma_start3A_52, %dma_start3A_53] : memref<2500x2x128xi32, #tpu.memory_space<hbm>> -> memref<1x2x128xi32, #tpu.memory_space<hbm>>
      %dma_start3A_55 = tpu.memref_squeeze %dma_start3A_54 : memref<1x2x128xi32, #tpu.memory_space<hbm>> -> memref<2x128xi32, #tpu.memory_space<hbm>>
      tpu.enqueue_dma source(%dma_start3A_55 : memref<2x128xi32, #tpu.memory_space<hbm>>) target(%arg7 : memref<2x128xi32, #tpu.memory_space<vmem>>) target_semaphore(%run_scoped3A_47 : memref<!tpu.dma_semaphore, #tpu.memory_space<semaphore_mem>>)
      %dma_wait3A_56 = arith.constant 0 : i32
      %dma_wait3A_57 = arith.constant 0 : i32
      %dma_wait3A_58 = tpu.memref_slice %arg3[%add3A_6, %dma_wait3A_56, %dma_wait3A_57] : memref<2500x2x128xi32, #tpu.memory_space<hbm>> -> memref<1x2x128xi32, #tpu.memory_space<hbm>>
      %dma_wait3A_59 = tpu.memref_squeeze %dma_wait3A_58 : memref<1x2x128xi32, #tpu.memory_space<hbm>> -> memref<2x128xi32, #tpu.memory_space<hbm>>
      %dma_wait3A_60 = arith.constant 0 : i32
      %dma_wait3A_61 = arith.constant 0 : i32
      %dma_wait3A_62 = tpu.memref_slice %arg3[%add3A_6, %dma_wait3A_60, %dma_wait3A_61] : memref<2500x2x128xi32, #tpu.memory_space<hbm>> -> memref<1x2x128xi32, #tpu.memory_space<hbm>>
      %dma_wait3A_63 = tpu.memref_squeeze %dma_wait3A_62 : memref<1x2x128xi32, #tpu.memory_space<hbm>> -> memref<2x128xi32, #tpu.memory_space<hbm>>
      tpu.wait_dma2 semaphore(%run_scoped3A_47 : memref<!tpu.dma_semaphore, #tpu.memory_space<semaphore_mem>>) src(%dma_wait3A_63 : memref<2x128xi32, #tpu.memory_space<hbm>>) dst(%arg7 : memref<2x128xi32, #tpu.memory_space<vmem>>)
      tpu.yield
    }) : () -> ()
    %add3A_7 = arith.constant 0 : i32
    %add3A_8 = arith.addi %mul3A_4, %add3A_7 : i32
    %dma_start3A = arith.constant 0 : i32
    %dma_start3A_9 = arith.constant 0 : i32
    %dma_start3A_10 = tpu.memref_slice %arg7[%dma_start3A, %dma_start3A_9] : memref<2x128xi32, #tpu.memory_space<vmem>> -> memref<1x128xi32, #tpu.memory_space<vmem>>
    %dma_start3A_11 = tpu.memref_squeeze %dma_start3A_10 : memref<1x128xi32, #tpu.memory_space<vmem>> -> memref<128xi32, #tpu.memory_space<vmem>>
    %dma_start3A_12 = arith.constant 0 : i32
    %dma_start3A_13 = arith.constant 0 : i32
    %dma_start3A_14 = tpu.memref_slice %arg2[%dma_start3A_12, %dma_start3A_13] : memref<10000x128xf32, #tpu.memory_space<hbm>> -> memref<10000x128xf32, #tpu.memory_space<hbm>>
    tpu.enqueue_indirect_dma source(%dma_start3A_14 : memref<10000x128xf32, #tpu.memory_space<hbm>>) target(%arg11 : memref<128x128xf32, #tpu.memory_space<vmem>>) offsets(%dma_start3A_11 : memref<128xi32, #tpu.memory_space<vmem>>) semaphore(%arg13 : memref<!tpu.dma_semaphore, #tpu.memory_space<semaphore_mem>>)
    %add3A_15 = arith.constant 1 : i32
    %add3A_16 = arith.addi %mul3A_4, %add3A_15 : i32
    "tpu.region"() ({
      %run_scoped3A_47 = tpu.sem_alloc : memref<!tpu.dma_semaphore, #tpu.memory_space<semaphore_mem>>
      %dma_start3A_48 = arith.constant 0 : i32
      %dma_start3A_49 = arith.constant 0 : i32
      %dma_start3A_50 = tpu.memref_slice %arg3[%add3A_16, %dma_start3A_48, %dma_start3A_49] : memref<2500x2x128xi32, #tpu.memory_space<hbm>> -> memref<1x2x128xi32, #tpu.memory_space<hbm>>
      %dma_start3A_51 = tpu.memref_squeeze %dma_start3A_50 : memref<1x2x128xi32, #tpu.memory_space<hbm>> -> memref<2x128xi32, #tpu.memory_space<hbm>>
      %dma_start3A_52 = arith.constant 0 : i32
      %dma_start3A_53 = arith.constant 0 : i32
      %dma_start3A_54 = tpu.memref_slice %arg3[%add3A_16, %dma_start3A_52, %dma_start3A_53] : memref<2500x2x128xi32, #tpu.memory_space<hbm>> -> memref<1x2x128xi32, #tpu.memory_space<hbm>>
      %dma_start3A_55 = tpu.memref_squeeze %dma_start3A_54 : memref<1x2x128xi32, #tpu.memory_space<hbm>> -> memref<2x128xi32, #tpu.memory_space<hbm>>
      tpu.enqueue_dma source(%dma_start3A_55 : memref<2x128xi32, #tpu.memory_space<hbm>>) target(%arg8 : memref<2x128xi32, #tpu.memory_space<vmem>>) target_semaphore(%run_scoped3A_47 : memref<!tpu.dma_semaphore, #tpu.memory_space<semaphore_mem>>)
      %dma_wait3A_56 = arith.constant 0 : i32
      %dma_wait3A_57 = arith.constant 0 : i32
      %dma_wait3A_58 = tpu.memref_slice %arg3[%add3A_16, %dma_wait3A_56, %dma_wait3A_57] : memref<2500x2x128xi32, #tpu.memory_space<hbm>> -> memref<1x2x128xi32, #tpu.memory_space<hbm>>
      %dma_wait3A_59 = tpu.memref_squeeze %dma_wait3A_58 : memref<1x2x128xi32, #tpu.memory_space<hbm>> -> memref<2x128xi32, #tpu.memory_space<hbm>>
      %dma_wait3A_60 = arith.constant 0 : i32
      %dma_wait3A_61 = arith.constant 0 : i32
      %dma_wait3A_62 = tpu.memref_slice %arg3[%add3A_16, %dma_wait3A_60, %dma_wait3A_61] : memref<2500x2x128xi32, #tpu.memory_space<hbm>> -> memref<1x2x128xi32, #tpu.memory_space<hbm>>
      %dma_wait3A_63 = tpu.memref_squeeze %dma_wait3A_62 : memref<1x2x128xi32, #tpu.memory_space<hbm>> -> memref<2x128xi32, #tpu.memory_space<hbm>>
      tpu.wait_dma2 semaphore(%run_scoped3A_47 : memref<!tpu.dma_semaphore, #tpu.memory_space<semaphore_mem>>) src(%dma_wait3A_63 : memref<2x128xi32, #tpu.memory_space<hbm>>) dst(%arg8 : memref<2x128xi32, #tpu.memory_space<vmem>>)
      tpu.yield
    }) : () -> ()
    %add3A_17 = arith.constant 1 : i32
    %add3A_18 = arith.addi %mul3A_4, %add3A_17 : i32
    %dma_start3A_19 = arith.constant 0 : i32
    %dma_start3A_20 = arith.constant 0 : i32
    %dma_start3A_21 = tpu.memref_slice %arg8[%dma_start3A_19, %dma_start3A_20] : memref<2x128xi32, #tpu.memory_space<vmem>> -> memref<1x128xi32, #tpu.memory_space<vmem>>
    %dma_start3A_22 = tpu.memref_squeeze %dma_start3A_21 : memref<1x128xi32, #tpu.memory_space<vmem>> -> memref<128xi32, #tpu.memory_space<vmem>>
    %dma_start3A_23 = arith.constant 0 : i32
    %dma_start3A_24 = arith.constant 0 : i32
    %dma_start3A_25 = tpu.memref_slice %arg2[%dma_start3A_23, %dma_start3A_24] : memref<10000x128xf32, #tpu.memory_space<hbm>> -> memref<10000x128xf32, #tpu.memory_space<hbm>>
    tpu.enqueue_indirect_dma source(%dma_start3A_25 : memref<10000x128xf32, #tpu.memory_space<hbm>>) target(%arg12 : memref<128x128xf32, #tpu.memory_space<vmem>>) offsets(%dma_start3A_22 : memref<128xi32, #tpu.memory_space<vmem>>) semaphore(%arg14 : memref<!tpu.dma_semaphore, #tpu.memory_space<semaphore_mem>>)
    %scan3A = arith.constant 0 : i32
    %scan3A_26 = arith.constant 19 : i32
    %scan3A_27 = arith.addi %scan3A, %scan3A_26 : i32
    %scan3A_28 = arith.constant 1 : i32
    scf.for %scan3A_47 = %scan3A to %scan3A_27 step %scan3A_28  : i32 {
      %mul3A_48 = arith.constant 4 : i32
      %mul3A_49 = arith.muli %scan3A_47, %mul3A_48 : i32
      %add3A_50 = arith.constant 0 : i32
      %add3A_51 = arith.addi %add3A_50, %mul3A_49 : i32
      %add3A_52 = arith.addi %mul3A_4, %add3A_51 : i32
      %add3A_53 = arith.constant 0 : i32
      %add3A_54 = arith.addi %add3A_52, %add3A_53 : i32
      %add3A_55 = arith.constant 2 : i32
      %add3A_56 = arith.addi %add3A_54, %add3A_55 : i32
      %dma_start3A_57 = arith.constant 0 : i32
      %dma_start3A_58 = arith.constant 0 : i32
      %dma_start3A_59 = tpu.memref_slice %arg3[%add3A_56, %dma_start3A_57, %dma_start3A_58] : memref<2500x2x128xi32, #tpu.memory_space<hbm>> -> memref<1x2x128xi32, #tpu.memory_space<hbm>>
      %dma_start3A_60 = tpu.memref_squeeze %dma_start3A_59 : memref<1x2x128xi32, #tpu.memory_space<hbm>> -> memref<2x128xi32, #tpu.memory_space<hbm>>
      %dma_start3A_61 = arith.constant 0 : i32
      %dma_start3A_62 = arith.constant 0 : i32
      %dma_start3A_63 = tpu.memref_slice %arg3[%add3A_56, %dma_start3A_61, %dma_start3A_62] : memref<2500x2x128xi32, #tpu.memory_space<hbm>> -> memref<1x2x128xi32, #tpu.memory_space<hbm>>
      %dma_start3A_64 = tpu.memref_squeeze %dma_start3A_63 : memref<1x2x128xi32, #tpu.memory_space<hbm>> -> memref<2x128xi32, #tpu.memory_space<hbm>>
      tpu.enqueue_dma source(%dma_start3A_64 : memref<2x128xi32, #tpu.memory_space<hbm>>) target(%arg9 : memref<2x128xi32, #tpu.memory_space<vmem>>) target_semaphore(%arg17 : memref<!tpu.dma_semaphore, #tpu.memory_space<semaphore_mem>>)
      %dma_wait3A_65 = arith.constant 0 : i32
      %dma_wait3A_66 = arith.constant 0 : i32
      %dma_wait3A_67 = tpu.memref_slice %arg7[%dma_wait3A_65, %dma_wait3A_66] : memref<2x128xi32, #tpu.memory_space<vmem>> -> memref<1x128xi32, #tpu.memory_space<vmem>>
      %dma_wait3A_68 = tpu.memref_squeeze %dma_wait3A_67 : memref<1x128xi32, #tpu.memory_space<vmem>> -> memref<128xi32, #tpu.memory_space<vmem>>
      %dma_wait3A_69 = arith.constant 0 : i32
      %dma_wait3A_70 = arith.constant 0 : i32
      %dma_wait3A_71 = tpu.memref_slice %arg2[%dma_wait3A_69, %dma_wait3A_70] : memref<10000x128xf32, #tpu.memory_space<hbm>> -> memref<10000x128xf32, #tpu.memory_space<hbm>>
      tpu.wait_indirect_dma semaphore(%arg13 : memref<!tpu.dma_semaphore, #tpu.memory_space<semaphore_mem>>) src(%dma_wait3A_71 : memref<10000x128xf32, #tpu.memory_space<hbm>>) dst(%arg11 : memref<128x128xf32, #tpu.memory_space<vmem>>)
      %run_scoped3A_72 = arith.constant 1 : i32
      "tpu.region"() ({
        %run_scoped3A_196 = tpu.sem_alloc : memref<!tpu.dma_semaphore, #tpu.memory_space<semaphore_mem>>
        %dma_start3A_197 = arith.constant 0 : i32
        %dma_start3A_198 = tpu.memref_slice %arg7[%run_scoped3A_72, %dma_start3A_197] : memref<2x128xi32, #tpu.memory_space<vmem>> -> memref<1x128xi32, #tpu.memory_space<vmem>>
        %dma_start3A_199 = tpu.memref_squeeze %dma_start3A_198 : memref<1x128xi32, #tpu.memory_space<vmem>> -> memref<128xi32, #tpu.memory_space<vmem>>
        %dma_start3A_200 = arith.constant 0 : i32
        %dma_start3A_201 = arith.constant 0 : i32
        %dma_start3A_202 = tpu.memref_slice %arg6[%dma_start3A_200, %dma_start3A_201] : memref<10240x128xf32, #tpu.memory_space<vmem_shared>> -> memref<10240x128xf32, #tpu.memory_space<vmem_shared>>
        tpu.enqueue_indirect_dma source(%arg11 : memref<128x128xf32, #tpu.memory_space<vmem>>) target(%dma_start3A_202 : memref<10240x128xf32, #tpu.memory_space<vmem_shared>>) offsets(%dma_start3A_199 : memref<128xi32, #tpu.memory_space<vmem>>) semaphore(%run_scoped3A_196 : memref<!tpu.dma_semaphore, #tpu.memory_space<semaphore_mem>>) {add = true}
        %dma_wait3A_203 = arith.constant 0 : i32
        %dma_wait3A_204 = tpu.memref_slice %arg7[%run_scoped3A_72, %dma_wait3A_203] : memref<2x128xi32, #tpu.memory_space<vmem>> -> memref<1x128xi32, #tpu.memory_space<vmem>>
        %dma_wait3A_205 = tpu.memref_squeeze %dma_wait3A_204 : memref<1x128xi32, #tpu.memory_space<vmem>> -> memref<128xi32, #tpu.memory_space<vmem>>
        %dma_wait3A_206 = arith.constant 0 : i32
        %dma_wait3A_207 = arith.constant 0 : i32
        %dma_wait3A_208 = tpu.memref_slice %arg6[%dma_wait3A_206, %dma_wait3A_207] : memref<10240x128xf32, #tpu.memory_space<vmem_shared>> -> memref<10240x128xf32, #tpu.memory_space<vmem_shared>>
        tpu.wait_indirect_dma semaphore(%run_scoped3A_196 : memref<!tpu.dma_semaphore, #tpu.memory_space<semaphore_mem>>) src(%arg11 : memref<128x128xf32, #tpu.memory_space<vmem>>) dst(%dma_wait3A_208 : memref<10240x128xf32, #tpu.memory_space<vmem_shared>>)
        tpu.yield
      }) : () -> ()
      %dma_wait3A_73 = arith.constant 0 : i32
      %dma_wait3A_74 = arith.constant 0 : i32
      %dma_wait3A_75 = tpu.memref_slice %arg3[%add3A_56, %dma_wait3A_73, %dma_wait3A_74] : memref<2500x2x128xi32, #tpu.memory_space<hbm>> -> memref<1x2x128xi32, #tpu.memory_space<hbm>>
      %dma_wait3A_76 = tpu.memref_squeeze %dma_wait3A_75 : memref<1x2x128xi32, #tpu.memory_space<hbm>> -> memref<2x128xi32, #tpu.memory_space<hbm>>
      %dma_wait3A_77 = arith.constant 0 : i32
      %dma_wait3A_78 = arith.constant 0 : i32
      %dma_wait3A_79 = tpu.memref_slice %arg3[%add3A_56, %dma_wait3A_77, %dma_wait3A_78] : memref<2500x2x128xi32, #tpu.memory_space<hbm>> -> memref<1x2x128xi32, #tpu.memory_space<hbm>>
      %dma_wait3A_80 = tpu.memref_squeeze %dma_wait3A_79 : memref<1x2x128xi32, #tpu.memory_space<hbm>> -> memref<2x128xi32, #tpu.memory_space<hbm>>
      tpu.wait_dma2 semaphore(%arg17 : memref<!tpu.dma_semaphore, #tpu.memory_space<semaphore_mem>>) src(%dma_wait3A_80 : memref<2x128xi32, #tpu.memory_space<hbm>>) dst(%arg9 : memref<2x128xi32, #tpu.memory_space<vmem>>)
      %dma_start3A_81 = arith.constant 0 : i32
      %dma_start3A_82 = arith.constant 0 : i32
      %dma_start3A_83 = tpu.memref_slice %arg9[%dma_start3A_81, %dma_start3A_82] : memref<2x128xi32, #tpu.memory_space<vmem>> -> memref<1x128xi32, #tpu.memory_space<vmem>>
      %dma_start3A_84 = tpu.memref_squeeze %dma_start3A_83 : memref<1x128xi32, #tpu.memory_space<vmem>> -> memref<128xi32, #tpu.memory_space<vmem>>
      %dma_start3A_85 = arith.constant 0 : i32
      %dma_start3A_86 = arith.constant 0 : i32
      %dma_start3A_87 = tpu.memref_slice %arg2[%dma_start3A_85, %dma_start3A_86] : memref<10000x128xf32, #tpu.memory_space<hbm>> -> memref<10000x128xf32, #tpu.memory_space<hbm>>
      tpu.enqueue_indirect_dma source(%dma_start3A_87 : memref<10000x128xf32, #tpu.memory_space<hbm>>) target(%arg11 : memref<128x128xf32, #tpu.memory_space<vmem>>) offsets(%dma_start3A_84 : memref<128xi32, #tpu.memory_space<vmem>>) semaphore(%arg13 : memref<!tpu.dma_semaphore, #tpu.memory_space<semaphore_mem>>)
      %add3A_88 = arith.addi %mul3A_4, %add3A_51 : i32
      %add3A_89 = arith.constant 1 : i32
      %add3A_90 = arith.addi %add3A_88, %add3A_89 : i32
      %add3A_91 = arith.constant 2 : i32
      %add3A_92 = arith.addi %add3A_90, %add3A_91 : i32
      %dma_start3A_93 = arith.constant 0 : i32
      %dma_start3A_94 = arith.constant 0 : i32
      %dma_start3A_95 = tpu.memref_slice %arg3[%add3A_92, %dma_start3A_93, %dma_start3A_94] : memref<2500x2x128xi32, #tpu.memory_space<hbm>> -> memref<1x2x128xi32, #tpu.memory_space<hbm>>
      %dma_start3A_96 = tpu.memref_squeeze %dma_start3A_95 : memref<1x2x128xi32, #tpu.memory_space<hbm>> -> memref<2x128xi32, #tpu.memory_space<hbm>>
      %dma_start3A_97 = arith.constant 0 : i32
      %dma_start3A_98 = arith.constant 0 : i32
      %dma_start3A_99 = tpu.memref_slice %arg3[%add3A_92, %dma_start3A_97, %dma_start3A_98] : memref<2500x2x128xi32, #tpu.memory_space<hbm>> -> memref<1x2x128xi32, #tpu.memory_space<hbm>>
      %dma_start3A_100 = tpu.memref_squeeze %dma_start3A_99 : memref<1x2x128xi32, #tpu.memory_space<hbm>> -> memref<2x128xi32, #tpu.memory_space<hbm>>
      tpu.enqueue_dma source(%dma_start3A_100 : memref<2x128xi32, #tpu.memory_space<hbm>>) target(%arg10 : memref<2x128xi32, #tpu.memory_space<vmem>>) target_semaphore(%arg18 : memref<!tpu.dma_semaphore, #tpu.memory_space<semaphore_mem>>)
      %dma_wait3A_101 = arith.constant 0 : i32
      %dma_wait3A_102 = arith.constant 0 : i32
      %dma_wait3A_103 = tpu.memref_slice %arg8[%dma_wait3A_101, %dma_wait3A_102] : memref<2x128xi32, #tpu.memory_space<vmem>> -> memref<1x128xi32, #tpu.memory_space<vmem>>
      %dma_wait3A_104 = tpu.memref_squeeze %dma_wait3A_103 : memref<1x128xi32, #tpu.memory_space<vmem>> -> memref<128xi32, #tpu.memory_space<vmem>>
      %dma_wait3A_105 = arith.constant 0 : i32
      %dma_wait3A_106 = arith.constant 0 : i32
      %dma_wait3A_107 = tpu.memref_slice %arg2[%dma_wait3A_105, %dma_wait3A_106] : memref<10000x128xf32, #tpu.memory_space<hbm>> -> memref<10000x128xf32, #tpu.memory_space<hbm>>
      tpu.wait_indirect_dma semaphore(%arg14 : memref<!tpu.dma_semaphore, #tpu.memory_space<semaphore_mem>>) src(%dma_wait3A_107 : memref<10000x128xf32, #tpu.memory_space<hbm>>) dst(%arg12 : memref<128x128xf32, #tpu.memory_space<vmem>>)
      %run_scoped3A_108 = arith.constant 1 : i32
      "tpu.region"() ({
        %run_scoped3A_196 = tpu.sem_alloc : memref<!tpu.dma_semaphore, #tpu.memory_space<semaphore_mem>>
        %dma_start3A_197 = arith.constant 0 : i32
        %dma_start3A_198 = tpu.memref_slice %arg8[%run_scoped3A_108, %dma_start3A_197] : memref<2x128xi32, #tpu.memory_space<vmem>> -> memref<1x128xi32, #tpu.memory_space<vmem>>
        %dma_start3A_199 = tpu.memref_squeeze %dma_start3A_198 : memref<1x128xi32, #tpu.memory_space<vmem>> -> memref<128xi32, #tpu.memory_space<vmem>>
        %dma_start3A_200 = arith.constant 0 : i32
        %dma_start3A_201 = arith.constant 0 : i32
        %dma_start3A_202 = tpu.memref_slice %arg6[%dma_start3A_200, %dma_start3A_201] : memref<10240x128xf32, #tpu.memory_space<vmem_shared>> -> memref<10240x128xf32, #tpu.memory_space<vmem_shared>>
        tpu.enqueue_indirect_dma source(%arg12 : memref<128x128xf32, #tpu.memory_space<vmem>>) target(%dma_start3A_202 : memref<10240x128xf32, #tpu.memory_space<vmem_shared>>) offsets(%dma_start3A_199 : memref<128xi32, #tpu.memory_space<vmem>>) semaphore(%run_scoped3A_196 : memref<!tpu.dma_semaphore, #tpu.memory_space<semaphore_mem>>) {add = true}
        %dma_wait3A_203 = arith.constant 0 : i32
        %dma_wait3A_204 = tpu.memref_slice %arg8[%run_scoped3A_108, %dma_wait3A_203] : memref<2x128xi32, #tpu.memory_space<vmem>> -> memref<1x128xi32, #tpu.memory_space<vmem>>
        %dma_wait3A_205 = tpu.memref_squeeze %dma_wait3A_204 : memref<1x128xi32, #tpu.memory_space<vmem>> -> memref<128xi32, #tpu.memory_space<vmem>>
        %dma_wait3A_206 = arith.constant 0 : i32
        %dma_wait3A_207 = arith.constant 0 : i32
        %dma_wait3A_208 = tpu.memref_slice %arg6[%dma_wait3A_206, %dma_wait3A_207] : memref<10240x128xf32, #tpu.memory_space<vmem_shared>> -> memref<10240x128xf32, #tpu.memory_space<vmem_shared>>
        tpu.wait_indirect_dma semaphore(%run_scoped3A_196 : memref<!tpu.dma_semaphore, #tpu.memory_space<semaphore_mem>>) src(%arg12 : memref<128x128xf32, #tpu.memory_space<vmem>>) dst(%dma_wait3A_208 : memref<10240x128xf32, #tpu.memory_space<vmem_shared>>)
        tpu.yield
      }) : () -> ()
      %dma_wait3A_109 = arith.constant 0 : i32
      %dma_wait3A_110 = arith.constant 0 : i32
      %dma_wait3A_111 = tpu.memref_slice %arg3[%add3A_92, %dma_wait3A_109, %dma_wait3A_110] : memref<2500x2x128xi32, #tpu.memory_space<hbm>> -> memref<1x2x128xi32, #tpu.memory_space<hbm>>
      %dma_wait3A_112 = tpu.memref_squeeze %dma_wait3A_111 : memref<1x2x128xi32, #tpu.memory_space<hbm>> -> memref<2x128xi32, #tpu.memory_space<hbm>>
      %dma_wait3A_113 = arith.constant 0 : i32
      %dma_wait3A_114 = arith.constant 0 : i32
      %dma_wait3A_115 = tpu.memref_slice %arg3[%add3A_92, %dma_wait3A_113, %dma_wait3A_114] : memref<2500x2x128xi32, #tpu.memory_space<hbm>> -> memref<1x2x128xi32, #tpu.memory_space<hbm>>
      %dma_wait3A_116 = tpu.memref_squeeze %dma_wait3A_115 : memref<1x2x128xi32, #tpu.memory_space<hbm>> -> memref<2x128xi32, #tpu.memory_space<hbm>>
      tpu.wait_dma2 semaphore(%arg18 : memref<!tpu.dma_semaphore, #tpu.memory_space<semaphore_mem>>) src(%dma_wait3A_116 : memref<2x128xi32, #tpu.memory_space<hbm>>) dst(%arg10 : memref<2x128xi32, #tpu.memory_space<vmem>>)
      %dma_start3A_117 = arith.constant 0 : i32
      %dma_start3A_118 = arith.constant 0 : i32
      %dma_start3A_119 = tpu.memref_slice %arg10[%dma_start3A_117, %dma_start3A_118] : memref<2x128xi32, #tpu.memory_space<vmem>> -> memref<1x128xi32, #tpu.memory_space<vmem>>
      %dma_start3A_120 = tpu.memref_squeeze %dma_start3A_119 : memref<1x128xi32, #tpu.memory_space<vmem>> -> memref<128xi32, #tpu.memory_space<vmem>>
      %dma_start3A_121 = arith.constant 0 : i32
      %dma_start3A_122 = arith.constant 0 : i32
      %dma_start3A_123 = tpu.memref_slice %arg2[%dma_start3A_121, %dma_start3A_122] : memref<10000x128xf32, #tpu.memory_space<hbm>> -> memref<10000x128xf32, #tpu.memory_space<hbm>>
      tpu.enqueue_indirect_dma source(%dma_start3A_123 : memref<10000x128xf32, #tpu.memory_space<hbm>>) target(%arg12 : memref<128x128xf32, #tpu.memory_space<vmem>>) offsets(%dma_start3A_120 : memref<128xi32, #tpu.memory_space<vmem>>) semaphore(%arg14 : memref<!tpu.dma_semaphore, #tpu.memory_space<semaphore_mem>>)
      %add3A_124 = arith.addi %mul3A_4, %add3A_51 : i32
      %add3A_125 = arith.constant 2 : i32
      %add3A_126 = arith.addi %add3A_124, %add3A_125 : i32
      %add3A_127 = arith.constant 2 : i32
      %add3A_128 = arith.addi %add3A_126, %add3A_127 : i32
      %dma_start3A_129 = arith.constant 0 : i32
      %dma_start3A_130 = arith.constant 0 : i32
      %dma_start3A_131 = tpu.memref_slice %arg3[%add3A_128, %dma_start3A_129, %dma_start3A_130] : memref<2500x2x128xi32, #tpu.memory_space<hbm>> -> memref<1x2x128xi32, #tpu.memory_space<hbm>>
      %dma_start3A_132 = tpu.memref_squeeze %dma_start3A_131 : memref<1x2x128xi32, #tpu.memory_space<hbm>> -> memref<2x128xi32, #tpu.memory_space<hbm>>
      %dma_start3A_133 = arith.constant 0 : i32
      %dma_start3A_134 = arith.constant 0 : i32
      %dma_start3A_135 = tpu.memref_slice %arg3[%add3A_128, %dma_start3A_133, %dma_start3A_134] : memref<2500x2x128xi32, #tpu.memory_space<hbm>> -> memref<1x2x128xi32, #tpu.memory_space<hbm>>
      %dma_start3A_136 = tpu.memref_squeeze %dma_start3A_135 : memref<1x2x128xi32, #tpu.memory_space<hbm>> -> memref<2x128xi32, #tpu.memory_space<hbm>>
      tpu.enqueue_dma source(%dma_start3A_136 : memref<2x128xi32, #tpu.memory_space<hbm>>) target(%arg7 : memref<2x128xi32, #tpu.memory_space<vmem>>) target_semaphore(%arg15 : memref<!tpu.dma_semaphore, #tpu.memory_space<semaphore_mem>>)
      %dma_wait3A_137 = arith.constant 0 : i32
      %dma_wait3A_138 = arith.constant 0 : i32
      %dma_wait3A_139 = tpu.memref_slice %arg9[%dma_wait3A_137, %dma_wait3A_138] : memref<2x128xi32, #tpu.memory_space<vmem>> -> memref<1x128xi32, #tpu.memory_space<vmem>>
      %dma_wait3A_140 = tpu.memref_squeeze %dma_wait3A_139 : memref<1x128xi32, #tpu.memory_space<vmem>> -> memref<128xi32, #tpu.memory_space<vmem>>
      %dma_wait3A_141 = arith.constant 0 : i32
      %dma_wait3A_142 = arith.constant 0 : i32
      %dma_wait3A_143 = tpu.memref_slice %arg2[%dma_wait3A_141, %dma_wait3A_142] : memref<10000x128xf32, #tpu.memory_space<hbm>> -> memref<10000x128xf32, #tpu.memory_space<hbm>>
      tpu.wait_indirect_dma semaphore(%arg13 : memref<!tpu.dma_semaphore, #tpu.memory_space<semaphore_mem>>) src(%dma_wait3A_143 : memref<10000x128xf32, #tpu.memory_space<hbm>>) dst(%arg11 : memref<128x128xf32, #tpu.memory_space<vmem>>)
      %run_scoped3A_144 = arith.constant 1 : i32
      "tpu.region"() ({
        %run_scoped3A_196 = tpu.sem_alloc : memref<!tpu.dma_semaphore, #tpu.memory_space<semaphore_mem>>
        %dma_start3A_197 = arith.constant 0 : i32
        %dma_start3A_198 = tpu.memref_slice %arg9[%run_scoped3A_144, %dma_start3A_197] : memref<2x128xi32, #tpu.memory_space<vmem>> -> memref<1x128xi32, #tpu.memory_space<vmem>>
        %dma_start3A_199 = tpu.memref_squeeze %dma_start3A_198 : memref<1x128xi32, #tpu.memory_space<vmem>> -> memref<128xi32, #tpu.memory_space<vmem>>
        %dma_start3A_200 = arith.constant 0 : i32
        %dma_start3A_201 = arith.constant 0 : i32
        %dma_start3A_202 = tpu.memref_slice %arg6[%dma_start3A_200, %dma_start3A_201] : memref<10240x128xf32, #tpu.memory_space<vmem_shared>> -> memref<10240x128xf32, #tpu.memory_space<vmem_shared>>
        tpu.enqueue_indirect_dma source(%arg11 : memref<128x128xf32, #tpu.memory_space<vmem>>) target(%dma_start3A_202 : memref<10240x128xf32, #tpu.memory_space<vmem_shared>>) offsets(%dma_start3A_199 : memref<128xi32, #tpu.memory_space<vmem>>) semaphore(%run_scoped3A_196 : memref<!tpu.dma_semaphore, #tpu.memory_space<semaphore_mem>>) {add = true}
        %dma_wait3A_203 = arith.constant 0 : i32
        %dma_wait3A_204 = tpu.memref_slice %arg9[%run_scoped3A_144, %dma_wait3A_203] : memref<2x128xi32, #tpu.memory_space<vmem>> -> memref<1x128xi32, #tpu.memory_space<vmem>>
        %dma_wait3A_205 = tpu.memref_squeeze %dma_wait3A_204 : memref<1x128xi32, #tpu.memory_space<vmem>> -> memref<128xi32, #tpu.memory_space<vmem>>
        %dma_wait3A_206 = arith.constant 0 : i32
        %dma_wait3A_207 = arith.constant 0 : i32
        %dma_wait3A_208 = tpu.memref_slice %arg6[%dma_wait3A_206, %dma_wait3A_207] : memref<10240x128xf32, #tpu.memory_space<vmem_shared>> -> memref<10240x128xf32, #tpu.memory_space<vmem_shared>>
        tpu.wait_indirect_dma semaphore(%run_scoped3A_196 : memref<!tpu.dma_semaphore, #tpu.memory_space<semaphore_mem>>) src(%arg11 : memref<128x128xf32, #tpu.memory_space<vmem>>) dst(%dma_wait3A_208 : memref<10240x128xf32, #tpu.memory_space<vmem_shared>>)
        tpu.yield
      }) : () -> ()
      %dma_wait3A_145 = arith.constant 0 : i32
      %dma_wait3A_146 = arith.constant 0 : i32
      %dma_wait3A_147 = tpu.memref_slice %arg3[%add3A_128, %dma_wait3A_145, %dma_wait3A_146] : memref<2500x2x128xi32, #tpu.memory_space<hbm>> -> memref<1x2x128xi32, #tpu.memory_space<hbm>>
      %dma_wait3A_148 = tpu.memref_squeeze %dma_wait3A_147 : memref<1x2x128xi32, #tpu.memory_space<hbm>> -> memref<2x128xi32, #tpu.memory_space<hbm>>
      %dma_wait3A_149 = arith.constant 0 : i32
      %dma_wait3A_150 = arith.constant 0 : i32
      %dma_wait3A_151 = tpu.memref_slice %arg3[%add3A_128, %dma_wait3A_149, %dma_wait3A_150] : memref<2500x2x128xi32, #tpu.memory_space<hbm>> -> memref<1x2x128xi32, #tpu.memory_space<hbm>>
      %dma_wait3A_152 = tpu.memref_squeeze %dma_wait3A_151 : memref<1x2x128xi32, #tpu.memory_space<hbm>> -> memref<2x128xi32, #tpu.memory_space<hbm>>
      tpu.wait_dma2 semaphore(%arg15 : memref<!tpu.dma_semaphore, #tpu.memory_space<semaphore_mem>>) src(%dma_wait3A_152 : memref<2x128xi32, #tpu.memory_space<hbm>>) dst(%arg7 : memref<2x128xi32, #tpu.memory_space<vmem>>)
      %dma_start3A_153 = arith.constant 0 : i32
      %dma_start3A_154 = arith.constant 0 : i32
      %dma_start3A_155 = tpu.memref_slice %arg7[%dma_start3A_153, %dma_start3A_154] : memref<2x128xi32, #tpu.memory_space<vmem>> -> memref<1x128xi32, #tpu.memory_space<vmem>>
      %dma_start3A_156 = tpu.memref_squeeze %dma_start3A_155 : memref<1x128xi32, #tpu.memory_space<vmem>> -> memref<128xi32, #tpu.memory_space<vmem>>
      %dma_start3A_157 = arith.constant 0 : i32
      %dma_start3A_158 = arith.constant 0 : i32
      %dma_start3A_159 = tpu.memref_slice %arg2[%dma_start3A_157, %dma_start3A_158] : memref<10000x128xf32, #tpu.memory_space<hbm>> -> memref<10000x128xf32, #tpu.memory_space<hbm>>
      tpu.enqueue_indirect_dma source(%dma_start3A_159 : memref<10000x128xf32, #tpu.memory_space<hbm>>) target(%arg11 : memref<128x128xf32, #tpu.memory_space<vmem>>) offsets(%dma_start3A_156 : memref<128xi32, #tpu.memory_space<vmem>>) semaphore(%arg13 : memref<!tpu.dma_semaphore, #tpu.memory_space<semaphore_mem>>)
      %add3A_160 = arith.addi %mul3A_4, %add3A_51 : i32
      %add3A_161 = arith.constant 3 : i32
      %add3A_162 = arith.addi %add3A_160, %add3A_161 : i32
      %add3A_163 = arith.constant 2 : i32
      %add3A_164 = arith.addi %add3A_162, %add3A_163 : i32
      %dma_start3A_165 = arith.constant 0 : i32
      %dma_start3A_166 = arith.constant 0 : i32
      %dma_start3A_167 = tpu.memref_slice %arg3[%add3A_164, %dma_start3A_165, %dma_start3A_166] : memref<2500x2x128xi32, #tpu.memory_space<hbm>> -> memref<1x2x128xi32, #tpu.memory_space<hbm>>
      %dma_start3A_168 = tpu.memref_squeeze %dma_start3A_167 : memref<1x2x128xi32, #tpu.memory_space<hbm>> -> memref<2x128xi32, #tpu.memory_space<hbm>>
      %dma_start3A_169 = arith.constant 0 : i32
      %dma_start3A_170 = arith.constant 0 : i32
      %dma_start3A_171 = tpu.memref_slice %arg3[%add3A_164, %dma_start3A_169, %dma_start3A_170] : memref<2500x2x128xi32, #tpu.memory_space<hbm>> -> memref<1x2x128xi32, #tpu.memory_space<hbm>>
      %dma_start3A_172 = tpu.memref_squeeze %dma_start3A_171 : memref<1x2x128xi32, #tpu.memory_space<hbm>> -> memref<2x128xi32, #tpu.memory_space<hbm>>
      tpu.enqueue_dma source(%dma_start3A_172 : memref<2x128xi32, #tpu.memory_space<hbm>>) target(%arg8 : memref<2x128xi32, #tpu.memory_space<vmem>>) target_semaphore(%arg16 : memref<!tpu.dma_semaphore, #tpu.memory_space<semaphore_mem>>)
      %dma_wait3A_173 = arith.constant 0 : i32
      %dma_wait3A_174 = arith.constant 0 : i32
      %dma_wait3A_175 = tpu.memref_slice %arg10[%dma_wait3A_173, %dma_wait3A_174] : memref<2x128xi32, #tpu.memory_space<vmem>> -> memref<1x128xi32, #tpu.memory_space<vmem>>
      %dma_wait3A_176 = tpu.memref_squeeze %dma_wait3A_175 : memref<1x128xi32, #tpu.memory_space<vmem>> -> memref<128xi32, #tpu.memory_space<vmem>>
      %dma_wait3A_177 = arith.constant 0 : i32
      %dma_wait3A_178 = arith.constant 0 : i32
      %dma_wait3A_179 = tpu.memref_slice %arg2[%dma_wait3A_177, %dma_wait3A_178] : memref<10000x128xf32, #tpu.memory_space<hbm>> -> memref<10000x128xf32, #tpu.memory_space<hbm>>
      tpu.wait_indirect_dma semaphore(%arg14 : memref<!tpu.dma_semaphore, #tpu.memory_space<semaphore_mem>>) src(%dma_wait3A_179 : memref<10000x128xf32, #tpu.memory_space<hbm>>) dst(%arg12 : memref<128x128xf32, #tpu.memory_space<vmem>>)
      %run_scoped3A_180 = arith.constant 1 : i32
      "tpu.region"() ({
        %run_scoped3A_196 = tpu.sem_alloc : memref<!tpu.dma_semaphore, #tpu.memory_space<semaphore_mem>>
        %dma_start3A_197 = arith.constant 0 : i32
        %dma_start3A_198 = tpu.memref_slice %arg10[%run_scoped3A_180, %dma_start3A_197] : memref<2x128xi32, #tpu.memory_space<vmem>> -> memref<1x128xi32, #tpu.memory_space<vmem>>
        %dma_start3A_199 = tpu.memref_squeeze %dma_start3A_198 : memref<1x128xi32, #tpu.memory_space<vmem>> -> memref<128xi32, #tpu.memory_space<vmem>>
        %dma_start3A_200 = arith.constant 0 : i32
        %dma_start3A_201 = arith.constant 0 : i32
        %dma_start3A_202 = tpu.memref_slice %arg6[%dma_start3A_200, %dma_start3A_201] : memref<10240x128xf32, #tpu.memory_space<vmem_shared>> -> memref<10240x128xf32, #tpu.memory_space<vmem_shared>>
        tpu.enqueue_indirect_dma source(%arg12 : memref<128x128xf32, #tpu.memory_space<vmem>>) target(%dma_start3A_202 : memref<10240x128xf32, #tpu.memory_space<vmem_shared>>) offsets(%dma_start3A_199 : memref<128xi32, #tpu.memory_space<vmem>>) semaphore(%run_scoped3A_196 : memref<!tpu.dma_semaphore, #tpu.memory_space<semaphore_mem>>) {add = true}
        %dma_wait3A_203 = arith.constant 0 : i32
        %dma_wait3A_204 = tpu.memref_slice %arg10[%run_scoped3A_180, %dma_wait3A_203] : memref<2x128xi32, #tpu.memory_space<vmem>> -> memref<1x128xi32, #tpu.memory_space<vmem>>
        %dma_wait3A_205 = tpu.memref_squeeze %dma_wait3A_204 : memref<1x128xi32, #tpu.memory_space<vmem>> -> memref<128xi32, #tpu.memory_space<vmem>>
        %dma_wait3A_206 = arith.constant 0 : i32
        %dma_wait3A_207 = arith.constant 0 : i32
        %dma_wait3A_208 = tpu.memref_slice %arg6[%dma_wait3A_206, %dma_wait3A_207] : memref<10240x128xf32, #tpu.memory_space<vmem_shared>> -> memref<10240x128xf32, #tpu.memory_space<vmem_shared>>
        tpu.wait_indirect_dma semaphore(%run_scoped3A_196 : memref<!tpu.dma_semaphore, #tpu.memory_space<semaphore_mem>>) src(%arg12 : memref<128x128xf32, #tpu.memory_space<vmem>>) dst(%dma_wait3A_208 : memref<10240x128xf32, #tpu.memory_space<vmem_shared>>)
        tpu.yield
      }) : () -> ()
      %dma_wait3A_181 = arith.constant 0 : i32
      %dma_wait3A_182 = arith.constant 0 : i32
      %dma_wait3A_183 = tpu.memref_slice %arg3[%add3A_164, %dma_wait3A_181, %dma_wait3A_182] : memref<2500x2x128xi32, #tpu.memory_space<hbm>> -> memref<1x2x128xi32, #tpu.memory_space<hbm>>
      %dma_wait3A_184 = tpu.memref_squeeze %dma_wait3A_183 : memref<1x2x128xi32, #tpu.memory_space<hbm>> -> memref<2x128xi32, #tpu.memory_space<hbm>>
      %dma_wait3A_185 = arith.constant 0 : i32
      %dma_wait3A_186 = arith.constant 0 : i32
      %dma_wait3A_187 = tpu.memref_slice %arg3[%add3A_164, %dma_wait3A_185, %dma_wait3A_186] : memref<2500x2x128xi32, #tpu.memory_space<hbm>> -> memref<1x2x128xi32, #tpu.memory_space<hbm>>
      %dma_wait3A_188 = tpu.memref_squeeze %dma_wait3A_187 : memref<1x2x128xi32, #tpu.memory_space<hbm>> -> memref<2x128xi32, #tpu.memory_space<hbm>>
      tpu.wait_dma2 semaphore(%arg16 : memref<!tpu.dma_semaphore, #tpu.memory_space<semaphore_mem>>) src(%dma_wait3A_188 : memref<2x128xi32, #tpu.memory_space<hbm>>) dst(%arg8 : memref<2x128xi32, #tpu.memory_space<vmem>>)
      %dma_start3A_189 = arith.constant 0 : i32
      %dma_start3A_190 = arith.constant 0 : i32
      %dma_start3A_191 = tpu.memref_slice %arg8[%dma_start3A_189, %dma_start3A_190] : memref<2x128xi32, #tpu.memory_space<vmem>> -> memref<1x128xi32, #tpu.memory_space<vmem>>
      %dma_start3A_192 = tpu.memref_squeeze %dma_start3A_191 : memref<1x128xi32, #tpu.memory_space<vmem>> -> memref<128xi32, #tpu.memory_space<vmem>>
      %dma_start3A_193 = arith.constant 0 : i32
      %dma_start3A_194 = arith.constant 0 : i32
      %dma_start3A_195 = tpu.memref_slice %arg2[%dma_start3A_193, %dma_start3A_194] : memref<10000x128xf32, #tpu.memory_space<hbm>> -> memref<10000x128xf32, #tpu.memory_space<hbm>>
      tpu.enqueue_indirect_dma source(%dma_start3A_195 : memref<10000x128xf32, #tpu.memory_space<hbm>>) target(%arg12 : memref<128x128xf32, #tpu.memory_space<vmem>>) offsets(%dma_start3A_192 : memref<128xi32, #tpu.memory_space<vmem>>) semaphore(%arg14 : memref<!tpu.dma_semaphore, #tpu.memory_space<semaphore_mem>>)
    }
    %scan3A_29 = arith.constant 19 : i32
    %dma_wait3A = arith.constant 0 : i32
    %dma_wait3A_30 = arith.constant 0 : i32
    %dma_wait3A_31 = tpu.memref_slice %arg7[%dma_wait3A, %dma_wait3A_30] : memref<2x128xi32, #tpu.memory_space<vmem>> -> memref<1x128xi32, #tpu.memory_space<vmem>>
    %dma_wait3A_32 = tpu.memref_squeeze %dma_wait3A_31 : memref<1x128xi32, #tpu.memory_space<vmem>> -> memref<128xi32, #tpu.memory_space<vmem>>
    %dma_wait3A_33 = arith.constant 0 : i32
    %dma_wait3A_34 = arith.constant 0 : i32
    %dma_wait3A_35 = tpu.memref_slice %arg2[%dma_wait3A_33, %dma_wait3A_34] : memref<10000x128xf32, #tpu.memory_space<hbm>> -> memref<10000x128xf32, #tpu.memory_space<hbm>>
    tpu.wait_indirect_dma semaphore(%arg13 : memref<!tpu.dma_semaphore, #tpu.memory_space<semaphore_mem>>) src(%dma_wait3A_35 : memref<10000x128xf32, #tpu.memory_space<hbm>>) dst(%arg11 : memref<128x128xf32, #tpu.memory_space<vmem>>)
    %run_scoped3A = arith.constant 1 : i32
    "tpu.region"() ({
      %run_scoped3A_47 = tpu.sem_alloc : memref<!tpu.dma_semaphore, #tpu.memory_space<semaphore_mem>>
      %dma_start3A_48 = arith.constant 0 : i32
      %dma_start3A_49 = tpu.memref_slice %arg7[%run_scoped3A, %dma_start3A_48] : memref<2x128xi32, #tpu.memory_space<vmem>> -> memref<1x128xi32, #tpu.memory_space<vmem>>
      %dma_start3A_50 = tpu.memref_squeeze %dma_start3A_49 : memref<1x128xi32, #tpu.memory_space<vmem>> -> memref<128xi32, #tpu.memory_space<vmem>>
      %dma_start3A_51 = arith.constant 0 : i32
      %dma_start3A_52 = arith.constant 0 : i32
      %dma_start3A_53 = tpu.memref_slice %arg6[%dma_start3A_51, %dma_start3A_52] : memref<10240x128xf32, #tpu.memory_space<vmem_shared>> -> memref<10240x128xf32, #tpu.memory_space<vmem_shared>>
      tpu.enqueue_indirect_dma source(%arg11 : memref<128x128xf32, #tpu.memory_space<vmem>>) target(%dma_start3A_53 : memref<10240x128xf32, #tpu.memory_space<vmem_shared>>) offsets(%dma_start3A_50 : memref<128xi32, #tpu.memory_space<vmem>>) semaphore(%run_scoped3A_47 : memref<!tpu.dma_semaphore, #tpu.memory_space<semaphore_mem>>) {add = true}
      %dma_wait3A_54 = arith.constant 0 : i32
      %dma_wait3A_55 = tpu.memref_slice %arg7[%run_scoped3A, %dma_wait3A_54] : memref<2x128xi32, #tpu.memory_space<vmem>> -> memref<1x128xi32, #tpu.memory_space<vmem>>
      %dma_wait3A_56 = tpu.memref_squeeze %dma_wait3A_55 : memref<1x128xi32, #tpu.memory_space<vmem>> -> memref<128xi32, #tpu.memory_space<vmem>>
      %dma_wait3A_57 = arith.constant 0 : i32
      %dma_wait3A_58 = arith.constant 0 : i32
      %dma_wait3A_59 = tpu.memref_slice %arg6[%dma_wait3A_57, %dma_wait3A_58] : memref<10240x128xf32, #tpu.memory_space<vmem_shared>> -> memref<10240x128xf32, #tpu.memory_space<vmem_shared>>
      tpu.wait_indirect_dma semaphore(%run_scoped3A_47 : memref<!tpu.dma_semaphore, #tpu.memory_space<semaphore_mem>>) src(%arg11 : memref<128x128xf32, #tpu.memory_space<vmem>>) dst(%dma_wait3A_59 : memref<10240x128xf32, #tpu.memory_space<vmem_shared>>)
      tpu.yield
    }) : () -> ()
    %dma_wait3A_36 = arith.constant 0 : i32
    %dma_wait3A_37 = arith.constant 0 : i32
    %dma_wait3A_38 = tpu.memref_slice %arg8[%dma_wait3A_36, %dma_wait3A_37] : memref<2x128xi32, #tpu.memory_space<vmem>> -> memref<1x128xi32, #tpu.memory_space<vmem>>
    %dma_wait3A_39 = tpu.memref_squeeze %dma_wait3A_38 : memref<1x128xi32, #tpu.memory_space<vmem>> -> memref<128xi32, #tpu.memory_space<vmem>>
    %dma_wait3A_40 = arith.constant 0 : i32
    %dma_wait3A_41 = arith.constant 0 : i32
    %dma_wait3A_42 = tpu.memref_slice %arg2[%dma_wait3A_40, %dma_wait3A_41] : memref<10000x128xf32, #tpu.memory_space<hbm>> -> memref<10000x128xf32, #tpu.memory_space<hbm>>
    tpu.wait_indirect_dma semaphore(%arg14 : memref<!tpu.dma_semaphore, #tpu.memory_space<semaphore_mem>>) src(%dma_wait3A_42 : memref<10000x128xf32, #tpu.memory_space<hbm>>) dst(%arg12 : memref<128x128xf32, #tpu.memory_space<vmem>>)
    %run_scoped3A_43 = arith.constant 1 : i32
    "tpu.region"() ({
      %run_scoped3A_47 = tpu.sem_alloc : memref<!tpu.dma_semaphore, #tpu.memory_space<semaphore_mem>>
      %dma_start3A_48 = arith.constant 0 : i32
      %dma_start3A_49 = tpu.memref_slice %arg8[%run_scoped3A_43, %dma_start3A_48] : memref<2x128xi32, #tpu.memory_space<vmem>> -> memref<1x128xi32, #tpu.memory_space<vmem>>
      %dma_start3A_50 = tpu.memref_squeeze %dma_start3A_49 : memref<1x128xi32, #tpu.memory_space<vmem>> -> memref<128xi32, #tpu.memory_space<vmem>>
      %dma_start3A_51 = arith.constant 0 : i32
      %dma_start3A_52 = arith.constant 0 : i32
      %dma_start3A_53 = tpu.memref_slice %arg6[%dma_start3A_51, %dma_start3A_52] : memref<10240x128xf32, #tpu.memory_space<vmem_shared>> -> memref<10240x128xf32, #tpu.memory_space<vmem_shared>>
      tpu.enqueue_indirect_dma source(%arg12 : memref<128x128xf32, #tpu.memory_space<vmem>>) target(%dma_start3A_53 : memref<10240x128xf32, #tpu.memory_space<vmem_shared>>) offsets(%dma_start3A_50 : memref<128xi32, #tpu.memory_space<vmem>>) semaphore(%run_scoped3A_47 : memref<!tpu.dma_semaphore, #tpu.memory_space<semaphore_mem>>) {add = true}
      %dma_wait3A_54 = arith.constant 0 : i32
      %dma_wait3A_55 = tpu.memref_slice %arg8[%run_scoped3A_43, %dma_wait3A_54] : memref<2x128xi32, #tpu.memory_space<vmem>> -> memref<1x128xi32, #tpu.memory_space<vmem>>
      %dma_wait3A_56 = tpu.memref_squeeze %dma_wait3A_55 : memref<1x128xi32, #tpu.memory_space<vmem>> -> memref<128xi32, #tpu.memory_space<vmem>>
      %dma_wait3A_57 = arith.constant 0 : i32
      %dma_wait3A_58 = arith.constant 0 : i32
      %dma_wait3A_59 = tpu.memref_slice %arg6[%dma_wait3A_57, %dma_wait3A_58] : memref<10240x128xf32, #tpu.memory_space<vmem_shared>> -> memref<10240x128xf32, #tpu.memory_space<vmem_shared>>
      tpu.wait_indirect_dma semaphore(%run_scoped3A_47 : memref<!tpu.dma_semaphore, #tpu.memory_space<semaphore_mem>>) src(%arg12 : memref<128x128xf32, #tpu.memory_space<vmem>>) dst(%dma_wait3A_59 : memref<10240x128xf32, #tpu.memory_space<vmem_shared>>)
      tpu.yield
    }) : () -> ()
    %lt3A = arith.constant 4 : i32
    %lt3A_44 = arith.cmpi slt, %add3A, %lt3A : i32
    %convert_element_type3A = arith.extui %lt3A_44 : i1 to i32
    %cond3A = arith.constant 0 : i32
    %cond3A_45 = arith.cmpi ne, %convert_element_type3A, %cond3A : i32
    scf.if %cond3A_45 {
      %add3A_47 = arith.constant 2496 : i32
      %add3A_48 = arith.addi %add3A_47, %add3A : i32
      "tpu.region"() ({
        %run_scoped3A_64 = tpu.sem_alloc : memref<!tpu.dma_semaphore, #tpu.memory_space<semaphore_mem>>
        %dma_start3A_65 = arith.constant 0 : i32
        %dma_start3A_66 = arith.constant 0 : i32
        %dma_start3A_67 = tpu.memref_slice %arg3[%add3A_48, %dma_start3A_65, %dma_start3A_66] : memref<2500x2x128xi32, #tpu.memory_space<hbm>> -> memref<1x2x128xi32, #tpu.memory_space<hbm>>
        %dma_start3A_68 = tpu.memref_squeeze %dma_start3A_67 : memref<1x2x128xi32, #tpu.memory_space<hbm>> -> memref<2x128xi32, #tpu.memory_space<hbm>>
        %dma_start3A_69 = arith.constant 0 : i32
        %dma_start3A_70 = arith.constant 0 : i32
        %dma_start3A_71 = tpu.memref_slice %arg3[%add3A_48, %dma_start3A_69, %dma_start3A_70] : memref<2500x2x128xi32, #tpu.memory_space<hbm>> -> memref<1x2x128xi32, #tpu.memory_space<hbm>>
        %dma_start3A_72 = tpu.memref_squeeze %dma_start3A_71 : memref<1x2x128xi32, #tpu.memory_space<hbm>> -> memref<2x128xi32, #tpu.memory_space<hbm>>
        tpu.enqueue_dma source(%dma_start3A_72 : memref<2x128xi32, #tpu.memory_space<hbm>>) target(%arg7 : memref<2x128xi32, #tpu.memory_space<vmem>>) target_semaphore(%run_scoped3A_64 : memref<!tpu.dma_semaphore, #tpu.memory_space<semaphore_mem>>)
        %dma_wait3A_73 = arith.constant 0 : i32
        %dma_wait3A_74 = arith.constant 0 : i32
        %dma_wait3A_75 = tpu.memref_slice %arg3[%add3A_48, %dma_wait3A_73, %dma_wait3A_74] : memref<2500x2x128xi32, #tpu.memory_space<hbm>> -> memref<1x2x128xi32, #tpu.memory_space<hbm>>
        %dma_wait3A_76 = tpu.memref_squeeze %dma_wait3A_75 : memref<1x2x128xi32, #tpu.memory_space<hbm>> -> memref<2x128xi32, #tpu.memory_space<hbm>>
        %dma_wait3A_77 = arith.constant 0 : i32
        %dma_wait3A_78 = arith.constant 0 : i32
        %dma_wait3A_79 = tpu.memref_slice %arg3[%add3A_48, %dma_wait3A_77, %dma_wait3A_78] : memref<2500x2x128xi32, #tpu.memory_space<hbm>> -> memref<1x2x128xi32, #tpu.memory_space<hbm>>
        %dma_wait3A_80 = tpu.memref_squeeze %dma_wait3A_79 : memref<1x2x128xi32, #tpu.memory_space<hbm>> -> memref<2x128xi32, #tpu.memory_space<hbm>>
        tpu.wait_dma2 semaphore(%run_scoped3A_64 : memref<!tpu.dma_semaphore, #tpu.memory_space<semaphore_mem>>) src(%dma_wait3A_80 : memref<2x128xi32, #tpu.memory_space<hbm>>) dst(%arg7 : memref<2x128xi32, #tpu.memory_space<vmem>>)
        tpu.yield
      }) : () -> ()
      %dma_start3A_49 = arith.constant 0 : i32
      %dma_start3A_50 = arith.constant 0 : i32
      %dma_start3A_51 = tpu.memref_slice %arg7[%dma_start3A_49, %dma_start3A_50] : memref<2x128xi32, #tpu.memory_space<vmem>> -> memref<1x128xi32, #tpu.memory_space<vmem>>
      %dma_start3A_52 = tpu.memref_squeeze %dma_start3A_51 : memref<1x128xi32, #tpu.memory_space<vmem>> -> memref<128xi32, #tpu.memory_space<vmem>>
      %dma_start3A_53 = arith.constant 0 : i32
      %dma_start3A_54 = arith.constant 0 : i32
      %dma_start3A_55 = tpu.memref_slice %arg2[%dma_start3A_53, %dma_start3A_54] : memref<10000x128xf32, #tpu.memory_space<hbm>> -> memref<10000x128xf32, #tpu.memory_space<hbm>>
      tpu.enqueue_indirect_dma source(%dma_start3A_55 : memref<10000x128xf32, #tpu.memory_space<hbm>>) target(%arg11 : memref<128x128xf32, #tpu.memory_space<vmem>>) offsets(%dma_start3A_52 : memref<128xi32, #tpu.memory_space<vmem>>) semaphore(%arg13 : memref<!tpu.dma_semaphore, #tpu.memory_space<semaphore_mem>>)
      %dma_wait3A_56 = arith.constant 0 : i32
      %dma_wait3A_57 = arith.constant 0 : i32
      %dma_wait3A_58 = tpu.memref_slice %arg7[%dma_wait3A_56, %dma_wait3A_57] : memref<2x128xi32, #tpu.memory_space<vmem>> -> memref<1x128xi32, #tpu.memory_space<vmem>>
      %dma_wait3A_59 = tpu.memref_squeeze %dma_wait3A_58 : memref<1x128xi32, #tpu.memory_space<vmem>> -> memref<128xi32, #tpu.memory_space<vmem>>
      %dma_wait3A_60 = arith.constant 0 : i32
      %dma_wait3A_61 = arith.constant 0 : i32
      %dma_wait3A_62 = tpu.memref_slice %arg2[%dma_wait3A_60, %dma_wait3A_61] : memref<10000x128xf32, #tpu.memory_space<hbm>> -> memref<10000x128xf32, #tpu.memory_space<hbm>>
      tpu.wait_indirect_dma semaphore(%arg13 : memref<!tpu.dma_semaphore, #tpu.memory_space<semaphore_mem>>) src(%dma_wait3A_62 : memref<10000x128xf32, #tpu.memory_space<hbm>>) dst(%arg11 : memref<128x128xf32, #tpu.memory_space<vmem>>)
      %run_scoped3A_63 = arith.constant 1 : i32
      "tpu.region"() ({
        %run_scoped3A_64 = tpu.sem_alloc : memref<!tpu.dma_semaphore, #tpu.memory_space<semaphore_mem>>
        %dma_start3A_65 = arith.constant 0 : i32
        %dma_start3A_66 = tpu.memref_slice %arg7[%run_scoped3A_63, %dma_start3A_65] : memref<2x128xi32, #tpu.memory_space<vmem>> -> memref<1x128xi32, #tpu.memory_space<vmem>>
        %dma_start3A_67 = tpu.memref_squeeze %dma_start3A_66 : memref<1x128xi32, #tpu.memory_space<vmem>> -> memref<128xi32, #tpu.memory_space<vmem>>
        %dma_start3A_68 = arith.constant 0 : i32
        %dma_start3A_69 = arith.constant 0 : i32
        %dma_start3A_70 = tpu.memref_slice %arg6[%dma_start3A_68, %dma_start3A_69] : memref<10240x128xf32, #tpu.memory_space<vmem_shared>> -> memref<10240x128xf32, #tpu.memory_space<vmem_shared>>
        tpu.enqueue_indirect_dma source(%arg11 : memref<128x128xf32, #tpu.memory_space<vmem>>) target(%dma_start3A_70 : memref<10240x128xf32, #tpu.memory_space<vmem_shared>>) offsets(%dma_start3A_67 : memref<128xi32, #tpu.memory_space<vmem>>) semaphore(%run_scoped3A_64 : memref<!tpu.dma_semaphore, #tpu.memory_space<semaphore_mem>>) {add = true}
        %dma_wait3A_71 = arith.constant 0 : i32
        %dma_wait3A_72 = tpu.memref_slice %arg7[%run_scoped3A_63, %dma_wait3A_71] : memref<2x128xi32, #tpu.memory_space<vmem>> -> memref<1x128xi32, #tpu.memory_space<vmem>>
        %dma_wait3A_73 = tpu.memref_squeeze %dma_wait3A_72 : memref<1x128xi32, #tpu.memory_space<vmem>> -> memref<128xi32, #tpu.memory_space<vmem>>
        %dma_wait3A_74 = arith.constant 0 : i32
        %dma_wait3A_75 = arith.constant 0 : i32
        %dma_wait3A_76 = tpu.memref_slice %arg6[%dma_wait3A_74, %dma_wait3A_75] : memref<10240x128xf32, #tpu.memory_space<vmem_shared>> -> memref<10240x128xf32, #tpu.memory_space<vmem_shared>>
        tpu.wait_indirect_dma semaphore(%run_scoped3A_64 : memref<!tpu.dma_semaphore, #tpu.memory_space<semaphore_mem>>) src(%arg11 : memref<128x128xf32, #tpu.memory_space<vmem>>) dst(%dma_wait3A_76 : memref<10240x128xf32, #tpu.memory_space<vmem_shared>>)
        tpu.yield
      }) : () -> ()
    } else {
    }
    %barrier3A_46 = arith.constant 0 : index
    tpu.barrier barrier_id(%barrier3A_46)
    "tpu.region"() ({
      %run_scoped3A_47 = tpu.sem_alloc : memref<!tpu.dma_semaphore, #tpu.memory_space<semaphore_mem>>
      %dma_start3A_48 = arith.constant 0 : i32
      %dma_start3A_49 = tpu.memref_slice %arg5[%arg0, %mul3A_2, %dma_start3A_48] : memref<2x10240x128xf32, #tpu.memory_space<hbm>> -> memref<1x640x128xf32, #tpu.memory_space<hbm>>
      %dma_start3A_50 = tpu.memref_squeeze %dma_start3A_49 : memref<1x640x128xf32, #tpu.memory_space<hbm>> -> memref<640x128xf32, #tpu.memory_space<hbm>>
      %dma_start3A_51 = arith.constant 0 : i32
      %dma_start3A_52 = tpu.memref_slice %arg6[%mul3A_2, %dma_start3A_51] : memref<10240x128xf32, #tpu.memory_space<vmem_shared>> -> memref<640x128xf32, #tpu.memory_space<vmem_shared>>
      tpu.enqueue_dma source(%dma_start3A_52 : memref<640x128xf32, #tpu.memory_space<vmem_shared>>) target(%dma_start3A_50 : memref<640x128xf32, #tpu.memory_space<hbm>>) target_semaphore(%run_scoped3A_47 : memref<!tpu.dma_semaphore, #tpu.memory_space<semaphore_mem>>)
      %dma_wait3A_53 = arith.constant 0 : i32
      %dma_wait3A_54 = tpu.memref_slice %arg5[%arg0, %mul3A_2, %dma_wait3A_53] : memref<2x10240x128xf32, #tpu.memory_space<hbm>> -> memref<1x640x128xf32, #tpu.memory_space<hbm>>
      %dma_wait3A_55 = tpu.memref_squeeze %dma_wait3A_54 : memref<1x640x128xf32, #tpu.memory_space<hbm>> -> memref<640x128xf32, #tpu.memory_space<hbm>>
      %dma_wait3A_56 = arith.constant 0 : i32
      %dma_wait3A_57 = tpu.memref_slice %arg6[%mul3A_2, %dma_wait3A_56] : memref<10240x128xf32, #tpu.memory_space<vmem_shared>> -> memref<640x128xf32, #tpu.memory_space<vmem_shared>>
      tpu.wait_dma2 semaphore(%run_scoped3A_47 : memref<!tpu.dma_semaphore, #tpu.memory_space<semaphore_mem>>) src(%dma_wait3A_57 : memref<640x128xf32, #tpu.memory_space<vmem_shared>>) dst(%dma_wait3A_55 : memref<640x128xf32, #tpu.memory_space<hbm>>)
      tpu.yield
    }) : () -> ()
    return
  }
}

module attributes {stable_mosaic.version = 14 : i64} {
  func.func @_layer1_body(%arg0: memref<2x10240x128xf32, #tpu.memory_space<vmem>>, %arg1: memref<10240x32xf32, #tpu.memory_space<vmem>>, %arg2: memref<128x128xf32, #tpu.memory_space<vmem>>, %arg3: memref<1x128xf32, #tpu.memory_space<vmem>>, %arg4: memref<1x128xf32, #tpu.memory_space<vmem>>, %arg5: memref<1x128xf32, #tpu.memory_space<vmem>>, %arg6: memref<10000x128xf32, #tpu.memory_space<vmem>>, %arg7: memref<10000x128xf32, #tpu.memory_space<vmem>>) attributes {dimension_semantics = [], scalar_prefetch = 0 : i64, scratch_operands = 0 : i64, tpu.core_type = #tpu.core_type<tc>} {
    %get3A = arith.constant 0 : index
    %get3A_0 = arith.constant 0 : index
    %get3A_1 = arith.constant 0 : index
    %get3A_2 = vector.load %arg0[%get3A, %get3A_0, %get3A_1] : memref<2x10240x128xf32, #tpu.memory_space<vmem>>, vector<1x10000x128xf32>
    %get3A_3 = vector.shape_cast %get3A_2 : vector<1x10000x128xf32> to vector<10000x128xf32>
    %get3A_4 = arith.constant 1 : index
    %get3A_5 = arith.constant 0 : index
    %get3A_6 = arith.constant 0 : index
    %get3A_7 = vector.load %arg0[%get3A_4, %get3A_5, %get3A_6] : memref<2x10240x128xf32, #tpu.memory_space<vmem>>, vector<1x10000x128xf32>
    %get3A_8 = vector.shape_cast %get3A_7 : vector<1x10000x128xf32> to vector<10000x128xf32>
    %add3A = arith.addf %get3A_3, %get3A_8 : vector<10000x128xf32>
    %get3A_9 = arith.constant 0 : index
    %get3A_10 = arith.constant 0 : index
    %get3A_11 = vector.load %arg1[%get3A_9, %get3A_10] : memref<10240x32xf32, #tpu.memory_space<vmem>>, vector<10000x32xf32>
    %reduce_sum3A = arith.constant dense<0.000000e+00> : vector<10000xf32>
    %reduce_sum3A_12 = vector.multi_reduction <add>, %get3A_11, %reduce_sum3A [1] : vector<10000x32xf32> to vector<10000xf32>
    %broadcast_in_dim3A = vector.shape_cast %reduce_sum3A_12 : vector<10000xf32> to vector<10000x1xf32>
    %max3A = arith.constant 1.000000e+00 : f32
    %max3A_13 = vector.broadcast %max3A : f32 to vector<10000x1xf32>
    %max3A_14 = arith.maximumf %broadcast_in_dim3A, %max3A_13 : vector<10000x1xf32>
    %div3A = arith.constant 1.000000e+00 : f32
    %div3A_15 = vector.broadcast %div3A : f32 to vector<10000x1xf32>
    %div3A_16 = arith.divf %div3A_15, %max3A_14 : vector<10000x1xf32>
    %mul3A = vector.broadcast %div3A_16 : vector<10000x1xf32> to vector<10000x128xf32>
    %mul3A_17 = arith.mulf %add3A, %mul3A : vector<10000x128xf32>
    %get3A_18 = arith.constant 0 : index
    %get3A_19 = arith.constant 0 : index
    %get3A_20 = vector.load %arg2[%get3A_18, %get3A_19] : memref<128x128xf32, #tpu.memory_space<vmem>>, vector<128x128xf32>
    %dot_general3A = arith.constant dense<0.000000e+00> : vector<10000x128xf32>
    %dot_general3A_21 = tpu.matmul %mul3A_17, %get3A_20, %dot_general3A {dimension_numbers = #tpu.dot_dimension_numbers<[1], [0], [0], [1], [0, 0, 1, 1], [], []>, transpose_lhs_hint = false} : vector<10000x128xf32>, vector<128x128xf32>, vector<10000x128xf32> -> vector<10000x128xf32>
    %get3A_22 = arith.constant 0 : index
    %get3A_23 = arith.constant 0 : index
    %get3A_24 = vector.load %arg3[%get3A_22, %get3A_23] : memref<1x128xf32, #tpu.memory_space<vmem>>, vector<1x128xf32>
    %add3A_25 = vector.broadcast %get3A_24 : vector<1x128xf32> to vector<10000x128xf32>
    %add3A_26 = arith.addf %dot_general3A_21, %add3A_25 : vector<10000x128xf32>
    %max3A_27 = arith.constant 0.000000e+00 : f32
    %max3A_28 = vector.broadcast %max3A_27 : f32 to vector<10000x128xf32>
    %max3A_29 = arith.maximumf %add3A_26, %max3A_28 : vector<10000x128xf32>
    %reduce_sum3A_30 = arith.constant dense<0.000000e+00> : vector<10000xf32>
    %reduce_sum3A_31 = vector.multi_reduction <add>, %max3A_29, %reduce_sum3A_30 [1] : vector<10000x128xf32> to vector<10000xf32>
    %broadcast_in_dim3A_32 = vector.shape_cast %reduce_sum3A_31 : vector<10000xf32> to vector<10000x1xf32>
    %div3A_33 = arith.constant 1.280000e+02 : f32
    %div3A_34 = vector.broadcast %div3A_33 : f32 to vector<10000x1xf32>
    %div3A_35 = arith.divf %broadcast_in_dim3A_32, %div3A_34 : vector<10000x1xf32>
    %sub3A = vector.broadcast %div3A_35 : vector<10000x1xf32> to vector<10000x128xf32>
    %sub3A_36 = arith.subf %max3A_29, %sub3A : vector<10000x128xf32>
    %mul3A_37 = arith.mulf %sub3A_36, %sub3A_36 : vector<10000x128xf32>
    %reduce_sum3A_38 = arith.constant dense<0.000000e+00> : vector<10000xf32>
    %reduce_sum3A_39 = vector.multi_reduction <add>, %mul3A_37, %reduce_sum3A_38 [1] : vector<10000x128xf32> to vector<10000xf32>
    %broadcast_in_dim3A_40 = vector.shape_cast %reduce_sum3A_39 : vector<10000xf32> to vector<10000x1xf32>
    %div3A_41 = arith.constant 1.280000e+02 : f32
    %div3A_42 = vector.broadcast %div3A_41 : f32 to vector<10000x1xf32>
    %div3A_43 = arith.divf %broadcast_in_dim3A_40, %div3A_42 : vector<10000x1xf32>
    %add3A_44 = arith.constant 9.99999974E-6 : f32
    %add3A_45 = vector.broadcast %add3A_44 : f32 to vector<10000x1xf32>
    %add3A_46 = arith.addf %div3A_43, %add3A_45 : vector<10000x1xf32>
    %rsqrt3A = math.rsqrt %add3A_46 : vector<10000x1xf32>
    %mul3A_47 = vector.broadcast %rsqrt3A : vector<10000x1xf32> to vector<10000x128xf32>
    %mul3A_48 = arith.mulf %sub3A_36, %mul3A_47 : vector<10000x128xf32>
    %get3A_49 = arith.constant 0 : index
    %get3A_50 = arith.constant 0 : index
    %get3A_51 = vector.load %arg4[%get3A_49, %get3A_50] : memref<1x128xf32, #tpu.memory_space<vmem>>, vector<1x128xf32>
    %mul3A_52 = vector.broadcast %get3A_51 : vector<1x128xf32> to vector<10000x128xf32>
    %mul3A_53 = arith.mulf %mul3A_48, %mul3A_52 : vector<10000x128xf32>
    %get3A_54 = arith.constant 0 : index
    %get3A_55 = arith.constant 0 : index
    %get3A_56 = vector.load %arg5[%get3A_54, %get3A_55] : memref<1x128xf32, #tpu.memory_space<vmem>>, vector<1x128xf32>
    %add3A_57 = vector.broadcast %get3A_56 : vector<1x128xf32> to vector<10000x128xf32>
    %add3A_58 = arith.addf %mul3A_53, %add3A_57 : vector<10000x128xf32>
    %swap3A = arith.constant 0 : index
    %swap3A_59 = arith.constant 0 : index
    %swap3A_60 = vector.load %arg6[%swap3A, %swap3A_59] : memref<10000x128xf32, #tpu.memory_space<vmem>>, vector<10000x128xf32>
    tpu.vector_store %arg6[%swap3A, %swap3A_59], %add3A_58 {strides = array<i32>} : memref<10000x128xf32, #tpu.memory_space<vmem>>, vector<10000x128xf32>,
    %broadcast_in_dim3A_61 = vector.shape_cast %div3A_16 : vector<10000x1xf32> to vector<10000x1xf32>
    %broadcast_in_dim3A_62 = vector.broadcast %broadcast_in_dim3A_61 : vector<10000x1xf32> to vector<10000x128xf32>
    %swap3A_63 = arith.constant 0 : index
    %swap3A_64 = arith.constant 0 : index
    %swap3A_65 = vector.load %arg7[%swap3A_63, %swap3A_64] : memref<10000x128xf32, #tpu.memory_space<vmem>>, vector<10000x128xf32>
    tpu.vector_store %arg7[%swap3A_63, %swap3A_64], %broadcast_in_dim3A_62 {strides = array<i32>} : memref<10000x128xf32, #tpu.memory_space<vmem>>, vector<10000x128xf32>,
    return
  }
}

module attributes {stable_mosaic.version = 14 : i64} {
  func.func @_layer2_body(%arg0: memref<2x10240x128xf32, #tpu.memory_space<vmem>>, %arg1: memref<10000x128xf32, #tpu.memory_space<vmem>>, %arg2: memref<128x128xf32, #tpu.memory_space<vmem>>, %arg3: memref<1x128xf32, #tpu.memory_space<vmem>>, %arg4: memref<1x128xf32, #tpu.memory_space<vmem>>, %arg5: memref<1x128xf32, #tpu.memory_space<vmem>>, %arg6: memref<128x128xf32, #tpu.memory_space<vmem>>, %arg7: memref<1x128xf32, #tpu.memory_space<vmem>>, %arg8: memref<10000x128xf32, #tpu.memory_space<vmem>>) attributes {dimension_semantics = [], scalar_prefetch = 0 : i64, scratch_operands = 0 : i64, tpu.core_type = #tpu.core_type<tc>} {
    %get3A = arith.constant 0 : index
    %get3A_0 = arith.constant 0 : index
    %get3A_1 = arith.constant 0 : index
    %get3A_2 = vector.load %arg0[%get3A, %get3A_0, %get3A_1] : memref<2x10240x128xf32, #tpu.memory_space<vmem>>, vector<1x10000x128xf32>
    %get3A_3 = vector.shape_cast %get3A_2 : vector<1x10000x128xf32> to vector<10000x128xf32>
    %get3A_4 = arith.constant 1 : index
    %get3A_5 = arith.constant 0 : index
    %get3A_6 = arith.constant 0 : index
    %get3A_7 = vector.load %arg0[%get3A_4, %get3A_5, %get3A_6] : memref<2x10240x128xf32, #tpu.memory_space<vmem>>, vector<1x10000x128xf32>
    %get3A_8 = vector.shape_cast %get3A_7 : vector<1x10000x128xf32> to vector<10000x128xf32>
    %add3A = arith.addf %get3A_3, %get3A_8 : vector<10000x128xf32>
    %get3A_9 = arith.constant 0 : index
    %get3A_10 = arith.constant 0 : index
    %get3A_11 = vector.load %arg1[%get3A_9, %get3A_10] : memref<10000x128xf32, #tpu.memory_space<vmem>>, vector<10000x128xf32>
    %mul3A = arith.mulf %add3A, %get3A_11 : vector<10000x128xf32>
    %get3A_12 = arith.constant 0 : index
    %get3A_13 = arith.constant 0 : index
    %get3A_14 = vector.load %arg2[%get3A_12, %get3A_13] : memref<128x128xf32, #tpu.memory_space<vmem>>, vector<128x128xf32>
    %dot_general3A = arith.constant dense<0.000000e+00> : vector<10000x128xf32>
    %dot_general3A_15 = tpu.matmul %mul3A, %get3A_14, %dot_general3A {dimension_numbers = #tpu.dot_dimension_numbers<[1], [0], [0], [1], [0, 0, 1, 1], [], []>, transpose_lhs_hint = false} : vector<10000x128xf32>, vector<128x128xf32>, vector<10000x128xf32> -> vector<10000x128xf32>
    %get3A_16 = arith.constant 0 : index
    %get3A_17 = arith.constant 0 : index
    %get3A_18 = vector.load %arg3[%get3A_16, %get3A_17] : memref<1x128xf32, #tpu.memory_space<vmem>>, vector<1x128xf32>
    %add3A_19 = vector.broadcast %get3A_18 : vector<1x128xf32> to vector<10000x128xf32>
    %add3A_20 = arith.addf %dot_general3A_15, %add3A_19 : vector<10000x128xf32>
    %max3A = arith.constant 0.000000e+00 : f32
    %max3A_21 = vector.broadcast %max3A : f32 to vector<10000x128xf32>
    %max3A_22 = arith.maximumf %add3A_20, %max3A_21 : vector<10000x128xf32>
    %reduce_sum3A = arith.constant dense<0.000000e+00> : vector<10000xf32>
    %reduce_sum3A_23 = vector.multi_reduction <add>, %max3A_22, %reduce_sum3A [1] : vector<10000x128xf32> to vector<10000xf32>
    %broadcast_in_dim3A = vector.shape_cast %reduce_sum3A_23 : vector<10000xf32> to vector<10000x1xf32>
    %div3A = arith.constant 1.280000e+02 : f32
    %div3A_24 = vector.broadcast %div3A : f32 to vector<10000x1xf32>
    %div3A_25 = arith.divf %broadcast_in_dim3A, %div3A_24 : vector<10000x1xf32>
    %sub3A = vector.broadcast %div3A_25 : vector<10000x1xf32> to vector<10000x128xf32>
    %sub3A_26 = arith.subf %max3A_22, %sub3A : vector<10000x128xf32>
    %mul3A_27 = arith.mulf %sub3A_26, %sub3A_26 : vector<10000x128xf32>
    %reduce_sum3A_28 = arith.constant dense<0.000000e+00> : vector<10000xf32>
    %reduce_sum3A_29 = vector.multi_reduction <add>, %mul3A_27, %reduce_sum3A_28 [1] : vector<10000x128xf32> to vector<10000xf32>
    %broadcast_in_dim3A_30 = vector.shape_cast %reduce_sum3A_29 : vector<10000xf32> to vector<10000x1xf32>
    %div3A_31 = arith.constant 1.280000e+02 : f32
    %div3A_32 = vector.broadcast %div3A_31 : f32 to vector<10000x1xf32>
    %div3A_33 = arith.divf %broadcast_in_dim3A_30, %div3A_32 : vector<10000x1xf32>
    %add3A_34 = arith.constant 9.99999974E-6 : f32
    %add3A_35 = vector.broadcast %add3A_34 : f32 to vector<10000x1xf32>
    %add3A_36 = arith.addf %div3A_33, %add3A_35 : vector<10000x1xf32>
    %rsqrt3A = math.rsqrt %add3A_36 : vector<10000x1xf32>
    %mul3A_37 = vector.broadcast %rsqrt3A : vector<10000x1xf32> to vector<10000x128xf32>
    %mul3A_38 = arith.mulf %sub3A_26, %mul3A_37 : vector<10000x128xf32>
    %get3A_39 = arith.constant 0 : index
    %get3A_40 = arith.constant 0 : index
    %get3A_41 = vector.load %arg4[%get3A_39, %get3A_40] : memref<1x128xf32, #tpu.memory_space<vmem>>, vector<1x128xf32>
    %mul3A_42 = vector.broadcast %get3A_41 : vector<1x128xf32> to vector<10000x128xf32>
    %mul3A_43 = arith.mulf %mul3A_38, %mul3A_42 : vector<10000x128xf32>
    %get3A_44 = arith.constant 0 : index
    %get3A_45 = arith.constant 0 : index
    %get3A_46 = vector.load %arg5[%get3A_44, %get3A_45] : memref<1x128xf32, #tpu.memory_space<vmem>>, vector<1x128xf32>
    %add3A_47 = vector.broadcast %get3A_46 : vector<1x128xf32> to vector<10000x128xf32>
    %add3A_48 = arith.addf %mul3A_43, %add3A_47 : vector<10000x128xf32>
    %get3A_49 = arith.constant 0 : index
    %get3A_50 = arith.constant 0 : index
    %get3A_51 = vector.load %arg6[%get3A_49, %get3A_50] : memref<128x128xf32, #tpu.memory_space<vmem>>, vector<128x128xf32>
    %dot_general3A_52 = arith.constant dense<0.000000e+00> : vector<10000x128xf32>
    %dot_general3A_53 = tpu.matmul %add3A_48, %get3A_51, %dot_general3A_52 {dimension_numbers = #tpu.dot_dimension_numbers<[1], [0], [0], [1], [0, 0, 1, 1], [], []>, transpose_lhs_hint = false} : vector<10000x128xf32>, vector<128x128xf32>, vector<10000x128xf32> -> vector<10000x128xf32>
    %get3A_54 = arith.constant 0 : index
    %get3A_55 = arith.constant 0 : index
    %get3A_56 = vector.load %arg7[%get3A_54, %get3A_55] : memref<1x128xf32, #tpu.memory_space<vmem>>, vector<1x128xf32>
    %add3A_57 = vector.broadcast %get3A_56 : vector<1x128xf32> to vector<10000x128xf32>
    %add3A_58 = arith.addf %dot_general3A_53, %add3A_57 : vector<10000x128xf32>
    %swap3A = arith.constant 0 : index
    %swap3A_59 = arith.constant 0 : index
    %swap3A_60 = vector.load %arg8[%swap3A, %swap3A_59] : memref<10000x128xf32, #tpu.memory_space<vmem>>, vector<10000x128xf32>
    tpu.vector_store %arg8[%swap3A, %swap3A_59], %add3A_58 {strides = array<i32>} : memref<10000x128xf32, #tpu.memory_space<vmem>>, vector<10000x128xf32>,
    return
  }
}

</mosaic_0001>

<sc_bundles>
// kernel: kernel.6.cloned.1.call-start
scs
__scs_entry_jumppad:
0x0: {  	(pc) =	sbr.rel $0x88, $3  }
0x1: {  	(tag) =	ssettag $0x0;
	lr =	simm.s32 $0x1  }
0x2: {  	[smem:$0x3F95] =	sst lr;
	_ =	strace $0xD0000000  }
0x3: {  	_ = 	snop  }
0x4: {  	_ = 	snop  }
0x5: {  	_ = 	snop  }
0x6: {  	_ = 	snop  }
0x7: {  	_ = 	snop  }
__scs_overlays_trampoline_lowered:
0x8: {  	[smem:$0x3FA4] =	sst s0  }
0x9: {  	[smem:$0x3FA5] =	sst s1  }
0xa: {  	[smem:$0x3FA6] =	sst s2  }
0xb: {  	[smem:$0x3FA7] =	sst s3  }
0xc: {  	[smem:$0x3FA8] =	sst s4  }
0xd: {  	[smem:$0x3FA9] =	sst s5  }
0xe: {  	[smem:$0x3FAA] =	sst s6  }
0xf: {  	[smem:$0x3FAB] =	sst s7  }
0x10: {  	[smem:$0x3FAC] =	sst s8  }
0x11: {  	[smem:$0x3FAD] =	sst s9;
	s0 =	simm.s32 @!p0 $0x0  }
0x12: {  	s1 =	sld [smem:$0x3F93];
	s0 =	simm.s32 @p0 $0x1  }
0x13: {  	[smem:$0x3FAE] =	sst s0;
	s0 =	simm.s32 @!p1 $0x0  }
0x14: {  	s2 =	sld [smem:$0x3F92];
	s0 =	simm.s32 @p1 $0x1  }
0x15: {  	[smem:$0x3FAF] =	sst s0;
	s0 =	simm.s32 @!p2 $0x0  }
0x16: {  	s3 =	sld [smem:$0x3FDB];
	s0 =	simm.s32 @p2 $0x1  }
0x17: {  	s4 =	simm.s32 $0x1BF5;
	[smem:$0x3FB1] =	sst s0  }
0x18: {  	s0 =	sld [smem:$0x3F94];
	_ =	swait.ge [sflag:s4], $0x0  }
0x19: {  	s7 =	sld [smem:$0x3F95]  }
0x1a: {  	s8 =	sadd.s32 $0xFFFFE003, lr  }
0x1b: {  	s9 =	sadd.s32 $0xFFFFFEF7, lr;
	s5 =	simm.s32 $0xFFFFFFFF;
	p2 =	slt.u32 s8, $0xFFFFF086  }
0x1c: {  	p1 =	slt.u32 s9, $0xF7A;
	s5 =	simm.s32 @!p2 $0x0  }
0x1d: {  	s5 =	simm.s32 @p1 $0x1;
	p0 =	seq.s32 s7, s2  }
0x1e: {  	s7 =	smul.u32 @!p0 $0xF7A, s2;
	p2 =	seq.s32 @!p0 s5, $0x0  }
0x1f: {  	s9 =	smul.u32 $0xF7A, s1;
	s8 =	simm.s32 @!p0 $0x1BF5;
	p2 =	por !p2, p0  }
0x20: {  	[sflag:s8] =	ssyncset.s32 @!p0 $0xFFFFF086;
	s6 =	sadd.s32 @!p0 s3, s7;
	s7 =	simm.s32 @!p0 $0x108  }
0x21: {  	s3 =	sadd.s32 s3, s9;
	s6 =	sadd.s32 @!p0 $0x88, s6;
	s7 =	simm.s32 @p2 $0x1082  }
0x22: {  	[simem:s7], [sflag:s8] =	dma.local @!p0 [hbm:s6], $0xF7A  }
0x23: {  	s9 =	sor.u32 $0xD0000000, s2;
	s6 =	simm.s32 $0x108;
	_ =	swait.ge @!p0 [sflag:s8], $0x0  }
0x24: {  	s3 =	sadd.s32 $0x88, s3;
	s6 =	simm.s32 @!p1 $0x1082;
	[sflag:s4] =	ssyncset.s32 $0xFFFFF086  }
0x25: {  	[simem:s6], [sflag:s4] =	dma.local [hbm:s3], $0xF7A  }
0x26: {  	[smem:$0x3F95] =	sst s1;
	(tag) =	ssettag s2;
	_ =	strace s9  }
0x27: {  	s1 =	sld [smem:$0x3FA5]  }
0x28: {  	s2 =	sld [smem:$0x3FA6]  }
0x29: {  	s4 =	sld [smem:$0x3FA8]  }
0x2a: {  	p0 =	seq.s32 s5, $0x0;
	s5 =	sld [smem:$0x3FA9]  }
0x2b: {  	s6 =	sld [smem:$0x3FAA]  }
0x2c: {  	s7 =	sld [smem:$0x3FAB]  }
0x2d: {  	s3 =	simm.s32 $0x108;
	s8 =	sld [smem:$0x3FAC]  }
0x2e: {  	s3 =	simm.s32 @!p0 $0x1082;
	s9 =	sld [smem:$0x3FAD]  }
0x2f: {  	lr =	sadd.s32 s0, s3;
	s0 =	sld [smem:$0x3FA4]  }
0x30: {  	s3 =	sld [smem:$0x3FA7]  }
0x31: {  	[smem:$0x3FB0] =	sst s10  }
0x32: {  	s10 =	sld [smem:$0x3FAE];
	_ =	sdelay $0x3  }
0x33: {  	p0 =	seq.s32 s10, $0x1;
	s10 =	sld [smem:$0x3FB0];
	_ =	sdelay $0x3  }
0x34: {  	[smem:$0x3FB0] =	sst s10  }
0x35: {  	s10 =	sld [smem:$0x3FAF];
	_ =	sdelay $0x3  }
0x36: {  	p1 =	seq.s32 s10, $0x1;
	s10 =	sld [smem:$0x3FB0];
	_ =	sdelay $0x3  }
0x37: {  	[smem:$0x3FB0] =	sst s10  }
0x38: {  	s10 =	sld [smem:$0x3FB1]  }
0x39: {  	_ = 	snop;
	(pc) =	sbr.ind lr, $3  }
0x3a: {  	_ = 	snop  }
0x3b: {  	_ = 	snop  }
0x3c: {  	p2 =	seq.s32 s10, $0x1;
	s10 =	sld [smem:$0x3FB0]  }
0x3d: {  	_ =	shalt  }
0x3e: {  	_ =	shalt  }
0x3f: {  	_ =	shalt  }
0x40: {  	_ =	shalt  }
0x41: {  	_ =	shalt  }
0x42: {  	_ =	shalt  }
0x43: {  	_ =	shalt  }
0x44: {  	_ =	shalt  }
0x45: {  	_ =	shalt  }
0x46: {  	_ =	shalt  }
0x47: {  	_ =	shalt  }
0x48: {  	_ =	shalt  }
0x49: {  	_ =	shalt  }
0x4a: {  	_ =	shalt  }
0x4b: {  	_ =	shalt  }
0x4c: {  	_ =	shalt  }
0x4d: {  	_ =	shalt  }
0x4e: {  	_ =	shalt  }
0x4f: {  	_ =	shalt  }
0x50: {  	_ =	shalt  }
0x51: {  	_ =	shalt  }
0x52: {  	_ =	shalt  }
0x53: {  	_ =	shalt  }
0x54: {  	_ =	shalt  }
0x55: {  	_ =	shalt  }
0x56: {  	_ =	shalt  }
0x57: {  	_ =	shalt  }
0x58: {  	_ =	shalt  }
0x59: {  	_ =	shalt  }
0x5a: {  	_ =	shalt  }
0x5b: {  	_ =	shalt  }
0x5c: {  	_ =	shalt  }
0x5d: {  	_ =	shalt  }
0x5e: {  	_ =	shalt  }
0x5f: {  	_ =	shalt  }
0x60: {  	_ =	shalt  }
0x61: {  	_ =	shalt  }
0x62: {  	_ =	shalt  }
0x63: {  	_ =	shalt  }
0x64: {  	_ =	shalt  }
0x65: {  	_ =	shalt  }
0x66: {  	_ =	shalt  }
0x67: {  	_ =	shalt  }
0x68: {  	_ =	shalt  }
0x69: {  	_ =	shalt  }
0x6a: {  	_ =	shalt  }
0x6b: {  	_ =	shalt  }
0x6c: {  	_ =	shalt  }
0x6d: {  	_ =	shalt  }
0x6e: {  	_ =	shalt  }
0x6f: {  	_ =	shalt  }
0x70: {  	_ =	shalt  }
0x71: {  	_ =	shalt  }
0x72: {  	_ =	shalt  }
0x73: {  	_ =	shalt  }
0x74: {  	_ =	shalt  }
0x75: {  	_ =	shalt  }
0x76: {  	_ =	shalt  }
0x77: {  	_ =	shalt  }
0x78: {  	_ =	shalt  }
0x79: {  	_ =	shalt  }
0x7a: {  	_ =	shalt  }
0x7b: {  	_ =	shalt  }
0x7c: {  	_ =	shalt  }
0x7d: {  	_ =	shalt  }
0x7e: {  	_ =	shalt  }
0x7f: {  	_ =	shalt  }
0x80: {  	_ =	shalt  }
0x81: {  	_ =	shalt  }
0x82: {  	_ =	shalt  }
0x83: {  	_ =	shalt  }
0x84: {  	_ =	shalt  }
0x85: {  	_ =	shalt  }
0x86: {  	_ =	shalt  }
0x87: {  	_ =	shalt  }
.Lfunc_end0:
.L_simem_size_0:
called_computation_lowered:
.L_overlay_start_0:
0x88: {  	s2 =	sld [smem:$0x3FD9]  }
0x89: {  	s3 =	sld [smem:$0x3FFE];
	_ =	sdelay $0x1  }
0x8a: {  	s1 =	srdreg.scid  }
0x8b: {  	s0 =	sand.u32 $0x1, s1  }
0x8c: {  	s17 =	sshll.u32 s0, $0xA;
	s2 =	sadd.s32 s3, s2  }
0x8d: {  	s2 =	sadd.s32 s2, s17  }
0x8e: {  	[smem:$0x3FBC] =	sst s2  }
0x8f: {  	_ = 	snop  }
0x90: {  	s2 =	sld [smem:$0x3FC9]  }
0x91: {  	s18 =	sld [smem:$0x3FC8]  }
0x92: {  	s4 =	sld [smem:$0x3FD0];
	(tm) =	ssettm $0x1  }
0x93: {  	s5 =	sld [smem:$0x3FFB];
	_ =	sdelay $0x3  }
0x94: {  	_ =	strace s5  }
0x95: {  	s5 =	sld [smem:$0x3FFC];
	_ =	sdelay $0x3  }
0x96: {  	_ =	strace s5  }
0x97: {  	s5 =	sld [smem:$0x3FFD];
	_ =	sdelay $0x3  }
0x98: {  	_ =	strace s5  }
0x99: {  	_ =	strace $0x8FFFFFFF  }
0x9a: {  	s19 =	sld [smem:$0x3FDB];
	_ =	sdelay $0x1  }
0x9b: {  	s6 =	simm.s32 $_scs_section_size  }
0x9c: {  	s7 =	simm.s32 $_size__tile_overlayer_lowered;
	s8 =	simm.s32 $_tile_overlayer_lowered  }
0x9d: {  	s22 =	simm.s32 $0x1BFF;
	s21 =	sshll.u32 s8, $0x1;
	s5 =	sadd.s32 s6, s19  }
0x9e: {  	s9 =	simm.s32 $0x0;
	s20 =	sshll.u32 s7, $0x1;
	s7 =	sadd.s32 s21, s5  }
0x9f: {  	[timem:s9], [sflag:s22] =	dma.local [hbm:s7], s20  }
0xa0: {  	_ =	swait.ge [sflag:s22], s20  }
0xa1: {  	s6 =	ssub.s32 $0x0, s20;
	[sflag:s22] =	ssyncset.done $0x0  }
0xa2: {  	[sflag:s22] =	ssyncadd.s32 s6;
	_ =	sdelay $0x1  }
0xa3: {  	s23 =	simm.s32 $0x1B8B  }
0xa4: {  	_ =	swait.ge [sflag:s23], $0x1  }
0xa5: {  	[sflag:s23] =	ssyncset.done $0x0  }
0xa6: {  	s25 =	simm.s32 $0x1B8E;
	s24 =	sld [smem:$0x3FFE];
	[sflag:s23] =	ssyncadd.s32 $0xFFFFFFFF  }
0xa7: {  	s26 =	simm.s32 $execute0_lowered;
	[smem:$0x3FD2] =	sst s25  }
0xa8: {  	s7 =	sshll.u32 s26, $0x1;
	_ =	strace $0x80000046;
	[dreg:$0x1] =	wrdreg $0xFFFFFFFF  }
0xa9: {  	s28 =	simm.s32 $_size_execute0_lowered;
	s5 =	sadd.s32 s5, s7;
	[dreg:$0x0] =	wrdreg $0x0  }
0xaa: {  	s7 =	sshll.u32 s28, $0x1;
	[dreg:$0x2] =	wrdreg s5  }
0xab: {  	[dreg:$0x3] =	wrdreg s7  }
0xac: {  	[dreg:$0x4] =	wrdreg $0xC0  }
0xad: {  	_ =	task [dreg:s9], $0x5FFFF  }
0xae: {  	[dreg:$0x1] =	wrdreg $0xFFFFFFFF  }
0xaf: {  	[dreg:$0x0] =	wrdreg $0x60  }
0xb0: {  	[dreg:$0x2] =	wrdreg s2  }
0xb1: {  	[dreg:$0x3] =	wrdreg s18  }
0xb2: {  	[dreg:$0x4] =	wrdreg s24  }
0xb3: {  	[dreg:$0x5] =	wrdreg s4  }
0xb4: {  	[dreg:$0x6] =	wrdreg $0x0  }
0xb5: {  	[dreg:$0x7] =	wrdreg $0x9  }
0xb6: {  	_ =	task.clear_ibuf [dreg:s9], $0x8FFFF;
	_ =	strace $0x90000046  }
0xb7: {  	s29 =	simm.s32 $0x9;
	_ =	strace $0x80000048  }
0xb8: {  	_ =	swait.ge [sflag:s29], $0x1  }
0xb9: {  	[sflag:s29] =	ssyncadd.s32 $0xFFFFFFFF  }
0xba: {  	_ =	strace $0x90000048  }
0xbb: {  	_ =	sfence  }
0xbc: {  	s30 =	sld [smem:$0x0];
	_ =	sdelay $0x2  }
0xbd: {  	s31 =	sshll.u32 s1, $0xD;
	s1 =	sshrl.u32 s1, $0x2  }
0xbe: {  	s3 =	sand.u32 $0x4000, s31;
	s1 =	sadd.s32 s1, s30  }
0xbf: {  	s0 =	sor.u32 s3, s0;
	s1 =	sshll.u32 s1, $0x11  }
0xc0: {  	s0 =	sor.u32 s1, s0  }
0xc1: {  	s0 =	sadd.s32 $0x8F2B, s0  }
0xc2: {  	[sflag:s0] =	ssyncadd.remote.s32 $0x1  }
0xc3: {  	_ =	sfence.sel $0xFFFF  }
0xc4: {  	[dreg:$0x0] =	wrdreg $0xFFFFFFFF;
	(pc) =	sbr.abs _section_cstart, $3  }
0xc5: {  	[dreg:$0x1] =	wrdreg $0xFFFFFFFF  }
0xc6: {  	_ =	task.clear_ibuf [dreg:s9], $0x2FFFF;
	_ =	strace $0x9FFFFFFF  }
0xc7: {  	(tm) =	ssettm $0x7FFFFFFF  }
tec
execute0_lowered:
.L_overlay_start_1:
0x0: {  	(tag) =	ssettag $0x1  }
0x1: {  	s1 =	rddreg [dreg:$0x0]  }
0x2: {  	s0 =	rddreg [dreg:$0x1]  }
0x3: {  	s2 =	rddreg [dreg:$0x2]  }
0x4: {  	s5 =	rddreg [dreg:$0x3]  }
0x5: {  	s3 =	rddreg [dreg:$0x4]  }
0x6: {  	s26 =	stileid.u32;
	s6 =	srdreg.scid;
	s4 =	simm.s32 $0x0  }
0x7: {  	s28 =	simm.s32 $0x14300;
	s29 =	simm.s32 $0x2;
	s30 =	simm.s32 $0x14180  }
0x8: {  	s31 =	simm.s32 $0x6;
	s7 =	smul.u32 $0x14000, s26;
	s6 =	sand.u32 $0x1, s6  }
0x9: {  	[smem:$0x7FF] =	sst s4;
	s10 =	sadd.s32 $0x2600, s2;
	s14 =	smul.u32 $0x50000, s26  }
0xa: {  	s11 =	sshll.u32 s26, $0x1;
	s19 =	sshll.u32 s26, $0x6;
	s24 =	smul.u32 $0x1380, s26  }
0xb: {  	s22 =	sshll.u32 s26, $0x7;
	p0 =	sgt.u32 s26, $0x1;
	s8 =	smul.u32 $0x140000, s6  }
0xc: {  	_ =	strace $0x80000047;
	[dreg:$0x6] =	wrdreg s10;
	s13 =	ssub.s32 $0x2, s6  }
0xd: {  	s11 =	sor.u32 s6, s11;
	s12 =	smul.u32 $0x28000, s6;
	s23 =	sand.u32 $0x380, s22  }
0xe: {  	s6 =	smul.u32 $0x9C0, s6;
	s22 =	simm.s32 $0x18400;
	s9 =	sshrl.u32 s7, $0x3  }
0xf: {  	s15 =	sshrl.u32 s13, $0x1;
	s16 =	sshrl.u32 s14, $0x2;
	s18 =	smul.u32 $0x9C0, s11  }
0x10: {  	s11 =	sshll.u32 s11, $0x5;
	s9 =	sadd.s32 s9, s2;
	s7 =	sadd.s32 s7, s8  }
0x11: {  	s8 =	ssub.s32 s13, s15;
	s10 =	sadd.s32 s16, s3;
	s13 =	sshrl.u32 s26, $0x3  }
0x12: {  	s11 =	sadd.s32 s11, s0;
	s16 =	simm.s32 $0x7;
	s26 =	simm.s32 $0x5  }
0x13: {  	s7 =	sshrl.u32 s7, $0x3;
	s17 =	sadd.s32 $0x2C00, s9;
	s14 =	sadd.s32 s0, s18  }
0x14: {  	s20 =	smul.u32 $0x14000, s13;
	s11 =	sadd.s32 $0x13800, s11;
	s13 =	smax.u32 s8, $0x1  }
0x15: {  	s0 =	sadd.s32 s24, s0;
	s15 =	sshrl.u32 s10, $0x3;
	s18 =	simm.s32 $0x14000  }
0x16: {  	s24 =	simm.s32 $0x1;
	s2 =	sadd.s32 s7, s2;
	[dreg:$0x7] =	wrdreg s17  }
0x17: {  	s7 =	sor.u32 $0x1C07, s19;
	[dreg:$0x8] =	wrdreg s14;
	s21 =	sadd.s32 $0x20, s14  }
0x18: {  	[dreg:$0xa] =	wrdreg s11;
	s14 =	sadd.s32 s6, s0;
	s17 =	simm.s32 $0x1C400  }
0x19: {  	s19 =	simm.s32 $0x80;
	s0 =	simm.s32 $0x14280;
	s6 =	simm.s32 $0x4  }
0x1a: {  	[dreg:$0x9] =	wrdreg s21;
	s9 =	sadd.s32 s12, s20;
	s2 =	sadd.s32 $0x2AC00, s2  }
0x1b: {  	s20 =	simm.s32 $0x14400;
	s21 =	simm.s32 $0x14100;
	s9 =	sor.u32 s23, s9  }
0x1c: {  	[dreg:$0xb] =	wrdreg s2;
	s23 =	simm.s32 $0x14200;
	s25 =	sshrl.u32 s9, $0x3  }
0x1d: {  	s9 =	simm.s32 $0x0;
	s2 =	sadd.s32 s5, s25;
	s25 =	simm.s32 $0x14080  }
0x1e: {  	v0 =	vimm.f32 $1.000000000e+00;
	s5 =	simm.s32 $0x14380;
	[dreg:$0xc] =	wrdreg s2;
	s2 =	simm.s32 $0x3  }
.LBB2_1:
0x1f: {  	s8 =	rddreg [dreg:$0x7]  }
0x20: {  	[spmem:s15], [sflag:s7] =	dma.local [hbm:s8], $0x2800  }
0x21: {  	_ =	swait.ge [sflag:s16], $0x2800  }
0x22: {  	[sflag:s16] =	ssyncset.done $0x0  }
0x23: {  	s10 =	rddreg [dreg:$0x6];
	[sflag:s16] =	ssyncadd.s32 $0xFFFFD800  }
0x24: {  	[tilespmem:s17], [sflag:$0x7] =	stream.linear.gather [hbm4b:s10+s4], $0x2800, $0x38;
	[tilespmem:$0x1EC00] =	vst v63  }
0x25: {  	_ =	swait.ge [sflag:s16], $0x2800  }
0x26: {  	[sflag:s16] =	ssyncset.done $0x0  }
0x27: {  	[sflag:s16] =	ssyncadd.s32 $0xFFFFD800  }
0x28: {  	[bflag:$0x0] =	sbarrier.arrive $0xFFFF  }
0x29: {  	s11 =	rddreg [dreg:$0x8]  }
0x2a: {  	[tilespmem:s18], [sflag:$0x7] =	stream.linear.gather [hbm4b:s11+s4], $0x100, $0x38;
	[tilespmem:$0x1EC00] =	vst v63  }
0x2b: {  	_ =	swait.ge [sflag:s16], $0x100  }
0x2c: {  	[sflag:s16] =	ssyncset.done $0x0  }
0x2d: {  	[sflag:s16] =	ssyncadd.s32 $0xFFFFFF00  }
0x2e: {  	[tilespmem:s20], [sflag:$0x1] =	stream.indirect.gather [hbm4b:s1+s19], $0x80, s18, s19, $0xb8;
	[tilespmem:$0x1EC00] =	vst v63  }
0x2f: {  	s12 =	rddreg [dreg:$0x9]  }
0x30: {  	[tilespmem:s21], [sflag:$0x7] =	stream.linear.gather [hbm4b:s12+s4], $0x100, $0x38;
	[tilespmem:$0x1EC00] =	vst v63  }
0x31: {  	_ =	swait.ge [sflag:s16], $0x100  }
0x32: {  	[sflag:s16] =	ssyncset.done $0x0  }
0x33: {  	s10 =	simm.s32 $0x0;
	[sflag:s16] =	ssyncadd.s32 $0xFFFFFF00  }
0x34: {  	[tilespmem:s22], [sflag:$0x2] =	stream.indirect.gather [hbm4b:s1+s19], $0x80, s21, s19, $0xb8;
	[tilespmem:$0x1EC00] =	vst v63  }
.LBB2_2:
0x35: {  	s8 =	sadd.s32 s10, s14  }
0x36: {  	s11 =	sadd.s32 $0x40, s8  }
0x37: {  	[tilespmem:s23], [sflag:$0x5] =	stream.linear.gather [hbm4b:s11+s4], $0x100, $0x38;
	[tilespmem:$0x1EC00] =	vst v63  }
0x38: {  	_ =	swait.ge [sflag:s24], $0x4000  }
0x39: {  	[sflag:s24] =	ssyncset.done $0x0  }
0x3a: {  	[sflag:s24] =	ssyncadd.s32 $0xFFFFC000  }
0x3b: {  	v1 =	vld [tilespmem:$0x14080];
	_ =	sdelay $0x7  }
0x3c: {  	[tilespmem:v1+s17+$0x0] =	vst.idx.add.f32.msk $0xffff, v0  }
0x3d: {  	v1 =	vld [tilespmem:$0x14090];
	_ =	sdelay $0x7  }
0x3e: {  	[tilespmem:v1+s17+$0x0] =	vst.idx.add.f32.msk $0xffff, v0  }
0x3f: {  	v1 =	vld [tilespmem:$0x140A0];
	_ =	sdelay $0x7  }
0x40: {  	[tilespmem:v1+s17+$0x0] =	vst.idx.add.f32.msk $0xffff, v0  }
0x41: {  	v1 =	vld [tilespmem:$0x140B0];
	_ =	sdelay $0x7  }
0x42: {  	[tilespmem:v1+s17+$0x0] =	vst.idx.add.f32.msk $0xffff, v0  }
0x43: {  	v1 =	vld [tilespmem:$0x140C0];
	_ =	sdelay $0x7  }
0x44: {  	[tilespmem:v1+s17+$0x0] =	vst.idx.add.f32.msk $0xffff, v0  }
0x45: {  	v1 =	vld [tilespmem:$0x140D0];
	_ =	sdelay $0x7  }
0x46: {  	[tilespmem:v1+s17+$0x0] =	vst.idx.add.f32.msk $0xffff, v0  }
0x47: {  	v1 =	vld [tilespmem:$0x140E0];
	_ =	sdelay $0x7  }
0x48: {  	[tilespmem:v1+s17+$0x0] =	vst.idx.add.f32.msk $0xffff, v0  }
0x49: {  	v1 =	vld [tilespmem:$0x140F0];
	_ =	sdelay $0x7  }
0x4a: {  	[tilespmem:v1+s17+$0x0] =	vst.idx.add.f32.msk $0xffff, v0  }
0x4b: {  	[spmem:s3] =	stream.indirect.scatter.add.f32 [tilespmem:s20], [sflag:$0x7], $0x80, s25, s19, $0xb8;
	[tilespmem:$0x1EC00] =	vst v63  }
0x4c: {  	_ =	swait.ge [sflag:s16], $0x4000  }
0x4d: {  	[sflag:s16] =	ssyncset.done $0x0  }
0x4e: {  	[sflag:s16] =	ssyncadd.s32 $0xFFFFC000  }
0x4f: {  	_ =	swait.ge [sflag:s26], $0x100  }
0x50: {  	[sflag:s26] =	ssyncset.done $0x0  }
0x51: {  	[sflag:s26] =	ssyncadd.s32 $0xFFFFFF00  }
0x52: {  	[tilespmem:s20], [sflag:$0x1] =	stream.indirect.gather [hbm4b:s1+s19], $0x80, s23, s19, $0xb8;
	[tilespmem:$0x1EC00] =	vst v63  }
0x53: {  	s12 =	sadd.s32 $0x60, s8  }
0x54: {  	[tilespmem:s28], [sflag:$0x6] =	stream.linear.gather [hbm4b:s12+s4], $0x100, $0x38;
	[tilespmem:$0x1EC00] =	vst v63  }
0x55: {  	_ =	swait.ge [sflag:s29], $0x4000  }
0x56: {  	[sflag:s29] =	ssyncset.done $0x0  }
0x57: {  	[sflag:s29] =	ssyncadd.s32 $0xFFFFC000  }
0x58: {  	v1 =	vld [tilespmem:$0x14180];
	_ =	sdelay $0x7  }
0x59: {  	[tilespmem:v1+s17+$0x0] =	vst.idx.add.f32.msk $0xffff, v0  }
0x5a: {  	v1 =	vld [tilespmem:$0x14190];
	_ =	sdelay $0x7  }
0x5b: {  	[tilespmem:v1+s17+$0x0] =	vst.idx.add.f32.msk $0xffff, v0  }
0x5c: {  	v1 =	vld [tilespmem:$0x141A0];
	_ =	sdelay $0x7  }
0x5d: {  	[tilespmem:v1+s17+$0x0] =	vst.idx.add.f32.msk $0xffff, v0  }
0x5e: {  	v1 =	vld [tilespmem:$0x141B0];
	_ =	sdelay $0x7  }
0x5f: {  	[tilespmem:v1+s17+$0x0] =	vst.idx.add.f32.msk $0xffff, v0  }
0x60: {  	v1 =	vld [tilespmem:$0x141C0];
	_ =	sdelay $0x7  }
0x61: {  	[tilespmem:v1+s17+$0x0] =	vst.idx.add.f32.msk $0xffff, v0  }
0x62: {  	v1 =	vld [tilespmem:$0x141D0];
	_ =	sdelay $0x7  }
0x63: {  	[tilespmem:v1+s17+$0x0] =	vst.idx.add.f32.msk $0xffff, v0  }
0x64: {  	v1 =	vld [tilespmem:$0x141E0];
	_ =	sdelay $0x7  }
0x65: {  	[tilespmem:v1+s17+$0x0] =	vst.idx.add.f32.msk $0xffff, v0  }
0x66: {  	v1 =	vld [tilespmem:$0x141F0];
	_ =	sdelay $0x7  }
0x67: {  	[tilespmem:v1+s17+$0x0] =	vst.idx.add.f32.msk $0xffff, v0  }
0x68: {  	[spmem:s3] =	stream.indirect.scatter.add.f32 [tilespmem:s22], [sflag:$0x7], $0x80, s30, s19, $0xb8;
	[tilespmem:$0x1EC00] =	vst v63  }
0x69: {  	_ =	swait.ge [sflag:s16], $0x4000  }
0x6a: {  	[sflag:s16] =	ssyncset.done $0x0  }
0x6b: {  	[sflag:s16] =	ssyncadd.s32 $0xFFFFC000  }
0x6c: {  	_ =	swait.ge [sflag:s31], $0x100  }
0x6d: {  	[sflag:s31] =	ssyncset.done $0x0  }
0x6e: {  	[sflag:s31] =	ssyncadd.s32 $0xFFFFFF00  }
0x6f: {  	[tilespmem:s22], [sflag:$0x2] =	stream.indirect.gather [hbm4b:s1+s19], $0x80, s28, s19, $0xb8;
	[tilespmem:$0x1EC00] =	vst v63  }
0x70: {  	s12 =	sadd.s32 $0x80, s8  }
0x71: {  	[tilespmem:s18], [sflag:$0x3] =	stream.linear.gather [hbm4b:s12+s4], $0x100, $0x38;
	[tilespmem:$0x1EC00] =	vst v63  }
0x72: {  	_ =	swait.ge [sflag:s24], $0x4000  }
0x73: {  	[sflag:s24] =	ssyncset.done $0x0  }
0x74: {  	[sflag:s24] =	ssyncadd.s32 $0xFFFFC000  }
0x75: {  	v1 =	vld [tilespmem:$0x14280];
	_ =	sdelay $0x7  }
0x76: {  	[tilespmem:v1+s17+$0x0] =	vst.idx.add.f32.msk $0xffff, v0  }
0x77: {  	v1 =	vld [tilespmem:$0x14290];
	_ =	sdelay $0x7  }
0x78: {  	[tilespmem:v1+s17+$0x0] =	vst.idx.add.f32.msk $0xffff, v0  }
0x79: {  	v1 =	vld [tilespmem:$0x142A0];
	_ =	sdelay $0x7  }
0x7a: {  	[tilespmem:v1+s17+$0x0] =	vst.idx.add.f32.msk $0xffff, v0  }
0x7b: {  	v1 =	vld [tilespmem:$0x142B0];
	_ =	sdelay $0x7  }
0x7c: {  	[tilespmem:v1+s17+$0x0] =	vst.idx.add.f32.msk $0xffff, v0  }
0x7d: {  	v1 =	vld [tilespmem:$0x142C0];
	_ =	sdelay $0x7  }
0x7e: {  	[tilespmem:v1+s17+$0x0] =	vst.idx.add.f32.msk $0xffff, v0  }
0x7f: {  	v1 =	vld [tilespmem:$0x142D0];
	_ =	sdelay $0x7  }
0x80: {  	[tilespmem:v1+s17+$0x0] =	vst.idx.add.f32.msk $0xffff, v0  }
0x81: {  	v1 =	vld [tilespmem:$0x142E0];
	_ =	sdelay $0x7  }
0x82: {  	[tilespmem:v1+s17+$0x0] =	vst.idx.add.f32.msk $0xffff, v0  }
0x83: {  	v1 =	vld [tilespmem:$0x142F0];
	_ =	sdelay $0x7  }
0x84: {  	[tilespmem:v1+s17+$0x0] =	vst.idx.add.f32.msk $0xffff, v0  }
0x85: {  	[spmem:s3] =	stream.indirect.scatter.add.f32 [tilespmem:s20], [sflag:$0x7], $0x80, s0, s19, $0xb8;
	[tilespmem:$0x1EC00] =	vst v63  }
0x86: {  	_ =	swait.ge [sflag:s16], $0x4000  }
0x87: {  	[sflag:s16] =	ssyncset.done $0x0  }
0x88: {  	[sflag:s16] =	ssyncadd.s32 $0xFFFFC000  }
0x89: {  	_ =	swait.ge [sflag:s2], $0x100  }
0x8a: {  	[sflag:s2] =	ssyncset.done $0x0  }
0x8b: {  	[sflag:s2] =	ssyncadd.s32 $0xFFFFFF00  }
0x8c: {  	[tilespmem:s20], [sflag:$0x1] =	stream.indirect.gather [hbm4b:s1+s19], $0x80, s18, s19, $0xb8;
	[tilespmem:$0x1EC00] =	vst v63  }
0x8d: {  	s8 =	sadd.s32 $0xA0, s8  }
0x8e: {  	[tilespmem:s21], [sflag:$0x4] =	stream.linear.gather [hbm4b:s8+s4], $0x100, $0x38;
	[tilespmem:$0x1EC00] =	vst v63  }
0x8f: {  	_ =	swait.ge [sflag:s29], $0x4000  }
0x90: {  	[sflag:s29] =	ssyncset.done $0x0  }
0x91: {  	[sflag:s29] =	ssyncadd.s32 $0xFFFFC000  }
0x92: {  	v1 =	vld [tilespmem:$0x14380];
	_ =	sdelay $0x7  }
0x93: {  	[tilespmem:v1+s17+$0x0] =	vst.idx.add.f32.msk $0xffff, v0  }
0x94: {  	v1 =	vld [tilespmem:$0x14390];
	_ =	sdelay $0x7  }
0x95: {  	[tilespmem:v1+s17+$0x0] =	vst.idx.add.f32.msk $0xffff, v0  }
0x96: {  	v1 =	vld [tilespmem:$0x143A0];
	_ =	sdelay $0x7  }
0x97: {  	[tilespmem:v1+s17+$0x0] =	vst.idx.add.f32.msk $0xffff, v0  }
0x98: {  	v1 =	vld [tilespmem:$0x143B0];
	_ =	sdelay $0x7  }
0x99: {  	[tilespmem:v1+s17+$0x0] =	vst.idx.add.f32.msk $0xffff, v0  }
0x9a: {  	v1 =	vld [tilespmem:$0x143C0];
	_ =	sdelay $0x7  }
0x9b: {  	[tilespmem:v1+s17+$0x0] =	vst.idx.add.f32.msk $0xffff, v0  }
0x9c: {  	v1 =	vld [tilespmem:$0x143D0];
	_ =	sdelay $0x7  }
0x9d: {  	[tilespmem:v1+s17+$0x0] =	vst.idx.add.f32.msk $0xffff, v0  }
0x9e: {  	v1 =	vld [tilespmem:$0x143E0];
	_ =	sdelay $0x7  }
0x9f: {  	[tilespmem:v1+s17+$0x0] =	vst.idx.add.f32.msk $0xffff, v0  }
0xa0: {  	v1 =	vld [tilespmem:$0x143F0];
	_ =	sdelay $0x7  }
0xa1: {  	[tilespmem:v1+s17+$0x0] =	vst.idx.add.f32.msk $0xffff, v0  }
0xa2: {  	[spmem:s3] =	stream.indirect.scatter.add.f32 [tilespmem:s22], [sflag:$0x7], $0x80, s5, s19, $0xb8;
	[tilespmem:$0x1EC00] =	vst v63  }
0xa3: {  	_ =	swait.ge [sflag:s16], $0x4000  }
0xa4: {  	p1 =	sne.s32 s10, $0x900;
	[sflag:s16] =	ssyncset.done $0x0  }
.Ltmp0:
0xa5: {  	[sflag:s16] =	ssyncadd.s32 $0xFFFFC000;
	(pc) =	sbr.rel @p1 .LBB2_2-.Ltmp0, $4  }
0xa6: {  	_ =	swait.ge [sflag:s6], $0x100  }
0xa7: {  	[sflag:s6] =	ssyncset.done $0x0  }
0xa8: {  	s10 =	sadd.s32 $0x80, s10;
	[sflag:s6] =	ssyncadd.s32 $0xFFFFFF00  }
0xa9: {  	[tilespmem:s22], [sflag:$0x2] =	stream.indirect.gather [hbm4b:s1+s19], $0x80, s21, s19, $0xb8;
	[tilespmem:$0x1EC00] =	vst v63  }
0xaa: {  	_ =	swait.ge [sflag:s24], $0x4000  }
0xab: {  	[sflag:s24] =	ssyncset.done $0x0  }
0xac: {  	[sflag:s24] =	ssyncadd.s32 $0xFFFFC000  }
0xad: {  	v1 =	vld [tilespmem:$0x14080];
	_ =	sdelay $0x7  }
0xae: {  	[tilespmem:v1+s17+$0x0] =	vst.idx.add.f32.msk $0xffff, v0  }
0xaf: {  	v1 =	vld [tilespmem:$0x14090];
	_ =	sdelay $0x7  }
0xb0: {  	[tilespmem:v1+s17+$0x0] =	vst.idx.add.f32.msk $0xffff, v0  }
0xb1: {  	v1 =	vld [tilespmem:$0x140A0];
	_ =	sdelay $0x7  }
0xb2: {  	[tilespmem:v1+s17+$0x0] =	vst.idx.add.f32.msk $0xffff, v0  }
0xb3: {  	v1 =	vld [tilespmem:$0x140B0];
	_ =	sdelay $0x7  }
0xb4: {  	[tilespmem:v1+s17+$0x0] =	vst.idx.add.f32.msk $0xffff, v0  }
0xb5: {  	v1 =	vld [tilespmem:$0x140C0];
	_ =	sdelay $0x7  }
0xb6: {  	[tilespmem:v1+s17+$0x0] =	vst.idx.add.f32.msk $0xffff, v0  }
0xb7: {  	v1 =	vld [tilespmem:$0x140D0];
	_ =	sdelay $0x7  }
0xb8: {  	[tilespmem:v1+s17+$0x0] =	vst.idx.add.f32.msk $0xffff, v0  }
0xb9: {  	v1 =	vld [tilespmem:$0x140E0];
	_ =	sdelay $0x7  }
0xba: {  	[tilespmem:v1+s17+$0x0] =	vst.idx.add.f32.msk $0xffff, v0  }
0xbb: {  	v1 =	vld [tilespmem:$0x140F0];
	_ =	sdelay $0x7  }
0xbc: {  	[tilespmem:v1+s17+$0x0] =	vst.idx.add.f32.msk $0xffff, v0  }
0xbd: {  	[spmem:s3] =	stream.indirect.scatter.add.f32 [tilespmem:s20], [sflag:$0x7], $0x80, s25, s19, $0xb8;
	[tilespmem:$0x1EC00] =	vst v63  }
0xbe: {  	_ =	swait.ge [sflag:s16], $0x4000  }
0xbf: {  	[sflag:s16] =	ssyncset.done $0x0  }
0xc0: {  	[sflag:s16] =	ssyncadd.s32 $0xFFFFC000  }
0xc1: {  	_ =	swait.ge [sflag:s29], $0x4000  }
0xc2: {  	[sflag:s29] =	ssyncset.done $0x0  }
0xc3: {  	[sflag:s29] =	ssyncadd.s32 $0xFFFFC000  }
0xc4: {  	v1 =	vld [tilespmem:$0x14180];
	_ =	sdelay $0x7  }
0xc5: {  	[tilespmem:v1+s17+$0x0] =	vst.idx.add.f32.msk $0xffff, v0  }
0xc6: {  	v1 =	vld [tilespmem:$0x14190];
	_ =	sdelay $0x7  }
0xc7: {  	[tilespmem:v1+s17+$0x0] =	vst.idx.add.f32.msk $0xffff, v0  }
0xc8: {  	v1 =	vld [tilespmem:$0x141A0];
	_ =	sdelay $0x7  }
0xc9: {  	[tilespmem:v1+s17+$0x0] =	vst.idx.add.f32.msk $0xffff, v0  }
0xca: {  	v1 =	vld [tilespmem:$0x141B0];
	_ =	sdelay $0x7  }
0xcb: {  	[tilespmem:v1+s17+$0x0] =	vst.idx.add.f32.msk $0xffff, v0  }
0xcc: {  	v1 =	vld [tilespmem:$0x141C0];
	_ =	sdelay $0x7  }
0xcd: {  	[tilespmem:v1+s17+$0x0] =	vst.idx.add.f32.msk $0xffff, v0  }
0xce: {  	v1 =	vld [tilespmem:$0x141D0];
	_ =	sdelay $0x7  }
0xcf: {  	[tilespmem:v1+s17+$0x0] =	vst.idx.add.f32.msk $0xffff, v0  }
0xd0: {  	v1 =	vld [tilespmem:$0x141E0];
	_ =	sdelay $0x7  }
0xd1: {  	[tilespmem:v1+s17+$0x0] =	vst.idx.add.f32.msk $0xffff, v0  }
0xd2: {  	v1 =	vld [tilespmem:$0x141F0];
	_ =	sdelay $0x7  }
0xd3: {  	[tilespmem:v1+s17+$0x0] =	vst.idx.add.f32.msk $0xffff, v0  }
0xd4: {  	[spmem:s3] =	stream.indirect.scatter.add.f32 [tilespmem:s22], [sflag:$0x7], $0x80, s30, s19, $0xb8;
	[tilespmem:$0x1EC00] =	vst v63  }
0xd5: {  	_ =	swait.ge [sflag:s16], $0x4000  }
0xd6: {  	s8 =	simm.s32 @!p0 $0x0;
	[sflag:s16] =	ssyncset.done $0x0  }
0xd7: {  	s10 =	simm.s32 @!p0 $0x14000;
	s11 =	rddreg [dreg:$0xa];
	[sflag:s16] =	ssyncadd.s32 $0xFFFFC000  }
0xd8: {  	[tilespmem:s10], [sflag:$0x7] =	stream.linear.gather @!p0 [hbm4b:s11+s8], $0x100, $0x38;
	[tilespmem:$0x1EC00] =	vst v63  }
0xd9: {  	s8 =	simm.s32 @!p0 $0x7  }
0xda: {  	_ =	swait.ge @!p0 [sflag:s8], $0x100  }
0xdb: {  	[sflag:s8] =	ssyncset.done @!p0 $0x0  }
0xdc: {  	s12 =	simm.s32 @!p0 $0x14400;
	s11 =	simm.s32 @!p0 $0x80;
	[sflag:s8] =	ssyncadd.s32 @!p0 $0xFFFFFF00  }
0xdd: {  	[tilespmem:s12], [sflag:$0x1] =	stream.indirect.gather @!p0 [hbm4b:s1+s11], $0x80, s10, s11, $0xb8;
	[tilespmem:$0x1EC00] =	vst v63  }
0xde: {  	s10 =	simm.s32 @!p0 $0x1  }
0xdf: {  	_ =	swait.ge @!p0 [sflag:s10], $0x4000  }
0xe0: {  	[sflag:s10] =	ssyncset.done @!p0 $0x0  }
0xe1: {  	[sflag:s10] =	ssyncadd.s32 @!p0 $0xFFFFC000  }
0xe2: {  	v1 =	vld @!p0 [tilespmem:$0x14080];
	_ =	sdelay $0x6  }
0xe3: {  	v2 =	vimm.f32 @!p0 $1.000000000e+00;
	s10 =	simm.s32 @!p0 $0x1C400  }
0xe4: {  	[tilespmem:v1+s10+$0x0] =	vst.idx.add.f32.msk @!p0 $0xffff, v2  }
0xe5: {  	v1 =	vld @!p0 [tilespmem:$0x14090];
	_ =	sdelay $0x7  }
0xe6: {  	[tilespmem:v1+s10+$0x0] =	vst.idx.add.f32.msk @!p0 $0xffff, v2  }
0xe7: {  	v1 =	vld @!p0 [tilespmem:$0x140A0];
	_ =	sdelay $0x7  }
0xe8: {  	[tilespmem:v1+s10+$0x0] =	vst.idx.add.f32.msk @!p0 $0xffff, v2  }
0xe9: {  	v1 =	vld @!p0 [tilespmem:$0x140B0];
	_ =	sdelay $0x7  }
0xea: {  	[tilespmem:v1+s10+$0x0] =	vst.idx.add.f32.msk @!p0 $0xffff, v2  }
0xeb: {  	v1 =	vld @!p0 [tilespmem:$0x140C0];
	_ =	sdelay $0x7  }
0xec: {  	[tilespmem:v1+s10+$0x0] =	vst.idx.add.f32.msk @!p0 $0xffff, v2  }
0xed: {  	v1 =	vld @!p0 [tilespmem:$0x140D0];
	_ =	sdelay $0x7  }
0xee: {  	[tilespmem:v1+s10+$0x0] =	vst.idx.add.f32.msk @!p0 $0xffff, v2  }
0xef: {  	v1 =	vld @!p0 [tilespmem:$0x140E0];
	_ =	sdelay $0x7  }
0xf0: {  	[tilespmem:v1+s10+$0x0] =	vst.idx.add.f32.msk @!p0 $0xffff, v2  }
0xf1: {  	v1 =	vld @!p0 [tilespmem:$0x140F0];
	_ =	sdelay $0x7  }
0xf2: {  	[tilespmem:v1+s10+$0x0] =	vst.idx.add.f32.msk @!p0 $0xffff, v2;
	s10 =	simm.s32 @!p0 $0x14080  }
0xf3: {  	[spmem:s3] =	stream.indirect.scatter.add.f32 @!p0 [tilespmem:s12], [sflag:$0x7], $0x80, s10, s11, $0xb8;
	[tilespmem:$0x1EC00] =	vst v63  }
0xf4: {  	_ =	swait.ge @!p0 [sflag:s8], $0x4000  }
0xf5: {  	[sflag:s8] =	ssyncset.done @!p0 $0x0  }
0xf6: {  	[sflag:s8] =	ssyncadd.s32 @!p0 $0xFFFFC000  }
0xf7: {  	[bflag:$0x0] =	sbarrier.arrive $0xFFFF  }
0xf8: {  	s10 =	rddreg [dreg:$0xb]  }
0xf9: {  	[hbm:s10], [sflag:s7] =	dma.local [spmem:s15], $0x2800  }
0xfa: {  	s9 =	sadd.s32 $0x1, s9;
	_ =	swait.ge [sflag:s16], $0x2800  }
0xfb: {  	p1 =	sne.s32 s9, s13;
	s12 =	simm.s32 $0x400;
	[sflag:s16] =	ssyncset.done $0x0  }
.Ltmp1:
0xfc: {  	s11 =	rddreg [dreg:$0xc];
	[sflag:s16] =	ssyncadd.s32 $0xFFFFD800;
	(pc) =	sbr.rel @p1 .LBB2_1-.Ltmp1, $4  }
0xfd: {  	[hbm4b:s11+s19] =	stream.strided.scatter [tilespmem:s17], [sflag:$0x7], $0x2800, s12, s19, $0x38;
	[tilespmem:$0x1EC00] =	vst v63  }
0xfe: {  	_ =	swait.ge [sflag:s16], $0x2800  }
0xff: {  	[sflag:s16] =	ssyncset.done $0x0  }
0x100: {  	[sflag:s16] =	ssyncadd.s32 $0xFFFFD800  }
0x101: {  	_ =	sfence.sel $0x180000  }
0x102: {  	[bflag:$0x0] =	sbarrier.arrive $0xFFFF  }
0x103: {  	_ =	strace $0x90000047  }
0x104: {  	s0 =	stileid.u32;
	[bflag:$0x2] =	sbarrier.arrive $0xFFFF  }
0x105: {  	p0 =	sne.s32 s0, $0x0;
	s0 =	rddreg [dreg:$0x5]  }
0x106: {  	s0 =	sadd.s32 @!p0 $0x100000, s0  }
0x107: {  	[sflag:s0] =	ssyncadd.tile.s32 @!p0 $0x1;
	_ =	shalt  }
.Lfunc_end2:
_tile_overlayer_lowered:
.L_overlay_start_2:
0x108: {  	(tag) =	ssettag $0x2  }
0x109: {  	s0 =	rddreg [dreg:$0x0];
	s2 =	stileid.u32  }
0x10a: {  	s1 =	rddreg [dreg:$0x1];
	p0 =	sne.s32 s2, $0x0  }
0x10b: {  	s3 =	rddreg [dreg:$0x2];
	[bflag:$0x3] =	sbarrier.arrive $0xFFFF;
	s2 =	simm.s32 @!p0 $0x1C07  }
0x10c: {  	[timem:s3], [sflag:s2] =	dma.local @!p0 [hbm:s0], s1  }
0x10d: {  	s0 =	simm.s32 @!p0 $0x7  }
0x10e: {  	_ =	swait.ge @!p0 [sflag:s0], s1  }
0x10f: {  	s1 =	ssub.s32 @!p0 $0x0, s1;
	[sflag:s0] =	ssyncset.done @!p0 $0x0  }
0x110: {  	[sflag:s0] =	ssyncadd.s32 @!p0 s1  }
0x111: {  	[bflag:$0x3] =	sbarrier.arrive $0xFFFF  }
0x112: {  	_ =	shalt  }

// kernel: kernel.9.cloned.1.call-start
scs
__scs_entry_jumppad:
0x0: {  	(pc) =	sbr.rel $0x88, $3  }
0x1: {  	(tag) =	ssettag $0x0;
	lr =	simm.s32 $0x1  }
0x2: {  	[smem:$0x3F95] =	sst lr;
	_ =	strace $0xD0000000  }
0x3: {  	_ = 	snop  }
0x4: {  	_ = 	snop  }
0x5: {  	_ = 	snop  }
0x6: {  	_ = 	snop  }
0x7: {  	_ = 	snop  }
__scs_overlays_trampoline_lowered:
0x8: {  	[smem:$0x3FA4] =	sst s0  }
0x9: {  	[smem:$0x3FA5] =	sst s1  }
0xa: {  	[smem:$0x3FA6] =	sst s2  }
0xb: {  	[smem:$0x3FA7] =	sst s3  }
0xc: {  	[smem:$0x3FA8] =	sst s4  }
0xd: {  	[smem:$0x3FA9] =	sst s5  }
0xe: {  	[smem:$0x3FAA] =	sst s6  }
0xf: {  	[smem:$0x3FAB] =	sst s7  }
0x10: {  	[smem:$0x3FAC] =	sst s8  }
0x11: {  	[smem:$0x3FAD] =	sst s9;
	s0 =	simm.s32 @!p0 $0x0  }
0x12: {  	s1 =	sld [smem:$0x3F93];
	s0 =	simm.s32 @p0 $0x1  }
0x13: {  	[smem:$0x3FAE] =	sst s0;
	s0 =	simm.s32 @!p1 $0x0  }
0x14: {  	s2 =	sld [smem:$0x3F92];
	s0 =	simm.s32 @p1 $0x1  }
0x15: {  	[smem:$0x3FAF] =	sst s0;
	s0 =	simm.s32 @!p2 $0x0  }
0x16: {  	s3 =	sld [smem:$0x3FDB];
	s0 =	simm.s32 @p2 $0x1  }
0x17: {  	s4 =	simm.s32 $0x1BF5;
	[smem:$0x3FB1] =	sst s0  }
0x18: {  	s0 =	sld [smem:$0x3F94];
	_ =	swait.ge [sflag:s4], $0x0  }
0x19: {  	s7 =	sld [smem:$0x3F95]  }
0x1a: {  	s8 =	sadd.s32 $0xFFFFE003, lr  }
0x1b: {  	s9 =	sadd.s32 $0xFFFFFEF7, lr;
	s5 =	simm.s32 $0xFFFFFFFF;
	p2 =	slt.u32 s8, $0xFFFFF086  }
0x1c: {  	p1 =	slt.u32 s9, $0xF7A;
	s5 =	simm.s32 @!p2 $0x0  }
0x1d: {  	s5 =	simm.s32 @p1 $0x1;
	p0 =	seq.s32 s7, s2  }
0x1e: {  	s7 =	smul.u32 @!p0 $0xF7A, s2;
	p2 =	seq.s32 @!p0 s5, $0x0  }
0x1f: {  	s9 =	smul.u32 $0xF7A, s1;
	s8 =	simm.s32 @!p0 $0x1BF5;
	p2 =	por !p2, p0  }
0x20: {  	[sflag:s8] =	ssyncset.s32 @!p0 $0xFFFFF086;
	s6 =	sadd.s32 @!p0 s3, s7;
	s7 =	simm.s32 @!p0 $0x108  }
0x21: {  	s3 =	sadd.s32 s3, s9;
	s6 =	sadd.s32 @!p0 $0x88, s6;
	s7 =	simm.s32 @p2 $0x1082  }
0x22: {  	[simem:s7], [sflag:s8] =	dma.local @!p0 [hbm:s6], $0xF7A  }
0x23: {  	s9 =	sor.u32 $0xD0000000, s2;
	s6 =	simm.s32 $0x108;
	_ =	swait.ge @!p0 [sflag:s8], $0x0  }
0x24: {  	s3 =	sadd.s32 $0x88, s3;
	s6 =	simm.s32 @!p1 $0x1082;
	[sflag:s4] =	ssyncset.s32 $0xFFFFF086  }
0x25: {  	[simem:s6], [sflag:s4] =	dma.local [hbm:s3], $0xF7A  }
0x26: {  	[smem:$0x3F95] =	sst s1;
	(tag) =	ssettag s2;
	_ =	strace s9  }
0x27: {  	s1 =	sld [smem:$0x3FA5]  }
0x28: {  	s2 =	sld [smem:$0x3FA6]  }
0x29: {  	s4 =	sld [smem:$0x3FA8]  }
0x2a: {  	p0 =	seq.s32 s5, $0x0;
	s5 =	sld [smem:$0x3FA9]  }
0x2b: {  	s6 =	sld [smem:$0x3FAA]  }
0x2c: {  	s7 =	sld [smem:$0x3FAB]  }
0x2d: {  	s3 =	simm.s32 $0x108;
	s8 =	sld [smem:$0x3FAC]  }
0x2e: {  	s3 =	simm.s32 @!p0 $0x1082;
	s9 =	sld [smem:$0x3FAD]  }
0x2f: {  	lr =	sadd.s32 s0, s3;
	s0 =	sld [smem:$0x3FA4]  }
0x30: {  	s3 =	sld [smem:$0x3FA7]  }
0x31: {  	[smem:$0x3FB0] =	sst s10  }
0x32: {  	s10 =	sld [smem:$0x3FAE];
	_ =	sdelay $0x3  }
0x33: {  	p0 =	seq.s32 s10, $0x1;
	s10 =	sld [smem:$0x3FB0];
	_ =	sdelay $0x3  }
0x34: {  	[smem:$0x3FB0] =	sst s10  }
0x35: {  	s10 =	sld [smem:$0x3FAF];
	_ =	sdelay $0x3  }
0x36: {  	p1 =	seq.s32 s10, $0x1;
	s10 =	sld [smem:$0x3FB0];
	_ =	sdelay $0x3  }
0x37: {  	[smem:$0x3FB0] =	sst s10  }
0x38: {  	s10 =	sld [smem:$0x3FB1]  }
0x39: {  	_ = 	snop;
	(pc) =	sbr.ind lr, $3  }
0x3a: {  	_ = 	snop  }
0x3b: {  	_ = 	snop  }
0x3c: {  	p2 =	seq.s32 s10, $0x1;
	s10 =	sld [smem:$0x3FB0]  }
0x3d: {  	_ =	shalt  }
0x3e: {  	_ =	shalt  }
0x3f: {  	_ =	shalt  }
0x40: {  	_ =	shalt  }
0x41: {  	_ =	shalt  }
0x42: {  	_ =	shalt  }
0x43: {  	_ =	shalt  }
0x44: {  	_ =	shalt  }
0x45: {  	_ =	shalt  }
0x46: {  	_ =	shalt  }
0x47: {  	_ =	shalt  }
0x48: {  	_ =	shalt  }
0x49: {  	_ =	shalt  }
0x4a: {  	_ =	shalt  }
0x4b: {  	_ =	shalt  }
0x4c: {  	_ =	shalt  }
0x4d: {  	_ =	shalt  }
0x4e: {  	_ =	shalt  }
0x4f: {  	_ =	shalt  }
0x50: {  	_ =	shalt  }
0x51: {  	_ =	shalt  }
0x52: {  	_ =	shalt  }
0x53: {  	_ =	shalt  }
0x54: {  	_ =	shalt  }
0x55: {  	_ =	shalt  }
0x56: {  	_ =	shalt  }
0x57: {  	_ =	shalt  }
0x58: {  	_ =	shalt  }
0x59: {  	_ =	shalt  }
0x5a: {  	_ =	shalt  }
0x5b: {  	_ =	shalt  }
0x5c: {  	_ =	shalt  }
0x5d: {  	_ =	shalt  }
0x5e: {  	_ =	shalt  }
0x5f: {  	_ =	shalt  }
0x60: {  	_ =	shalt  }
0x61: {  	_ =	shalt  }
0x62: {  	_ =	shalt  }
0x63: {  	_ =	shalt  }
0x64: {  	_ =	shalt  }
0x65: {  	_ =	shalt  }
0x66: {  	_ =	shalt  }
0x67: {  	_ =	shalt  }
0x68: {  	_ =	shalt  }
0x69: {  	_ =	shalt  }
0x6a: {  	_ =	shalt  }
0x6b: {  	_ =	shalt  }
0x6c: {  	_ =	shalt  }
0x6d: {  	_ =	shalt  }
0x6e: {  	_ =	shalt  }
0x6f: {  	_ =	shalt  }
0x70: {  	_ =	shalt  }
0x71: {  	_ =	shalt  }
0x72: {  	_ =	shalt  }
0x73: {  	_ =	shalt  }
0x74: {  	_ =	shalt  }
0x75: {  	_ =	shalt  }
0x76: {  	_ =	shalt  }
0x77: {  	_ =	shalt  }
0x78: {  	_ =	shalt  }
0x79: {  	_ =	shalt  }
0x7a: {  	_ =	shalt  }
0x7b: {  	_ =	shalt  }
0x7c: {  	_ =	shalt  }
0x7d: {  	_ =	shalt  }
0x7e: {  	_ =	shalt  }
0x7f: {  	_ =	shalt  }
0x80: {  	_ =	shalt  }
0x81: {  	_ =	shalt  }
0x82: {  	_ =	shalt  }
0x83: {  	_ =	shalt  }
0x84: {  	_ =	shalt  }
0x85: {  	_ =	shalt  }
0x86: {  	_ =	shalt  }
0x87: {  	_ =	shalt  }
.Lfunc_end0:
.L_simem_size_0:
called_computation.1_lowered:
.L_overlay_start_0:
0x88: {  	s2 =	sld [smem:$0x3FD9]  }
0x89: {  	s3 =	sld [smem:$0x3FFE];
	_ =	sdelay $0x1  }
0x8a: {  	s1 =	srdreg.scid  }
0x8b: {  	s0 =	sand.u32 $0x1, s1  }
0x8c: {  	s17 =	sshll.u32 s0, $0xA;
	s2 =	sadd.s32 s3, s2  }
0x8d: {  	s2 =	sadd.s32 s2, s17  }
0x8e: {  	[smem:$0x3FBC] =	sst s2  }
0x8f: {  	_ = 	snop  }
0x90: {  	s2 =	sld [smem:$0x3FC8]  }
0x91: {  	s18 =	sld [smem:$0x3FD0];
	(tm) =	ssettm $0x1  }
0x92: {  	s4 =	sld [smem:$0x3FFB];
	_ =	sdelay $0x3  }
0x93: {  	_ =	strace s4  }
0x94: {  	s4 =	sld [smem:$0x3FFC];
	_ =	sdelay $0x3  }
0x95: {  	_ =	strace s4  }
0x96: {  	s4 =	sld [smem:$0x3FFD];
	_ =	sdelay $0x3  }
0x97: {  	_ =	strace s4  }
0x98: {  	_ =	strace $0x8FFFFFFF  }
0x99: {  	s19 =	sld [smem:$0x3FDB];
	_ =	sdelay $0x1  }
0x9a: {  	s5 =	simm.s32 $_scs_section_size  }
0x9b: {  	s6 =	simm.s32 $_size__tile_overlayer_lowered;
	s7 =	simm.s32 $_tile_overlayer_lowered  }
0x9c: {  	s22 =	simm.s32 $0x1BFF;
	s21 =	sshll.u32 s7, $0x1;
	s4 =	sadd.s32 s5, s19  }
0x9d: {  	s8 =	simm.s32 $0x0;
	s20 =	sshll.u32 s6, $0x1;
	s6 =	sadd.s32 s21, s4  }
0x9e: {  	[timem:s8], [sflag:s22] =	dma.local [hbm:s6], s20  }
0x9f: {  	_ =	swait.ge [sflag:s22], s20  }
0xa0: {  	s5 =	ssub.s32 $0x0, s20;
	[sflag:s22] =	ssyncset.done $0x0  }
0xa1: {  	[sflag:s22] =	ssyncadd.s32 s5;
	_ =	sdelay $0x1  }
0xa2: {  	s23 =	simm.s32 $0x1B8B  }
0xa3: {  	_ =	swait.ge [sflag:s23], $0x1  }
0xa4: {  	[sflag:s23] =	ssyncset.done $0x0  }
0xa5: {  	s25 =	simm.s32 $0x1B8E;
	s24 =	sld [smem:$0x3FFE];
	[sflag:s23] =	ssyncadd.s32 $0xFFFFFFFF  }
0xa6: {  	s26 =	simm.s32 $execute0_lowered;
	[smem:$0x3FD2] =	sst s25  }
0xa7: {  	s6 =	sshll.u32 s26, $0x1;
	_ =	strace $0x80000049;
	[dreg:$0x1] =	wrdreg $0xFFFFFFFF  }
0xa8: {  	s28 =	simm.s32 $_size_execute0_lowered;
	s4 =	sadd.s32 s4, s6;
	[dreg:$0x0] =	wrdreg $0x0  }
0xa9: {  	s6 =	sshll.u32 s28, $0x1;
	[dreg:$0x2] =	wrdreg s4  }
0xaa: {  	[dreg:$0x3] =	wrdreg s6  }
0xab: {  	[dreg:$0x4] =	wrdreg $0xC0  }
0xac: {  	_ =	task [dreg:s8], $0x5FFFF  }
0xad: {  	[dreg:$0x1] =	wrdreg $0xFFFFFFFF  }
0xae: {  	[dreg:$0x0] =	wrdreg $0x60  }
0xaf: {  	[dreg:$0x2] =	wrdreg s18  }
0xb0: {  	[dreg:$0x3] =	wrdreg s2  }
0xb1: {  	[dreg:$0x4] =	wrdreg s24  }
0xb2: {  	[dreg:$0x5] =	wrdreg $0x0  }
0xb3: {  	[dreg:$0x6] =	wrdreg $0x9  }
0xb4: {  	_ =	task.clear_ibuf [dreg:s8], $0x7FFFF;
	_ =	strace $0x90000049  }
0xb5: {  	s29 =	simm.s32 $0x9;
	_ =	strace $0x8000004B  }
0xb6: {  	_ =	swait.ge [sflag:s29], $0x1  }
0xb7: {  	[sflag:s29] =	ssyncadd.s32 $0xFFFFFFFF  }
0xb8: {  	_ =	strace $0x9000004B  }
0xb9: {  	_ =	sfence  }
0xba: {  	s30 =	sld [smem:$0x0];
	_ =	sdelay $0x2  }
0xbb: {  	s31 =	sshll.u32 s1, $0xD;
	s1 =	sshrl.u32 s1, $0x2  }
0xbc: {  	s3 =	sand.u32 $0x4000, s31;
	s1 =	sadd.s32 s1, s30  }
0xbd: {  	s0 =	sor.u32 s3, s0;
	s1 =	sshll.u32 s1, $0x11  }
0xbe: {  	s0 =	sor.u32 s1, s0  }
0xbf: {  	s0 =	sadd.s32 $0x8F2B, s0  }
0xc0: {  	[sflag:s0] =	ssyncadd.remote.s32 $0x1  }
0xc1: {  	_ =	sfence.sel $0xFFFF  }
0xc2: {  	[dreg:$0x0] =	wrdreg $0xFFFFFFFF;
	(pc) =	sbr.abs _section_cstart, $3  }
0xc3: {  	[dreg:$0x1] =	wrdreg $0xFFFFFFFF  }
0xc4: {  	_ =	task.clear_ibuf [dreg:s8], $0x2FFFF;
	_ =	strace $0x9FFFFFFF  }
0xc5: {  	(tm) =	ssettm $0x7FFFFFFF  }
tec
execute0_lowered:
.L_overlay_start_1:
0x0: {  	(tag) =	ssettag $0x1  }
0x1: {  	s1 =	rddreg [dreg:$0x0]  }
0x2: {  	s0 =	rddreg [dreg:$0x1]  }
0x3: {  	s2 =	rddreg [dreg:$0x2];
	s11 =	stileid.u32  }
0x4: {  	s4 =	srdreg.scid;
	s3 =	rddreg [dreg:$0x3]  }
0x5: {  	s14 =	simm.s32 $0x7;
	s15 =	simm.s32 $0x14000;
	s16 =	simm.s32 $0x80  }
0x6: {  	s17 =	simm.s32 $0x14400;
	s18 =	simm.s32 $0x14100;
	s19 =	simm.s32 $0x18400  }
0x7: {  	s20 =	simm.s32 $0x14200;
	s28 =	simm.s32 $0x6;
	s29 =	simm.s32 $0x14280  }
0x8: {  	s30 =	simm.s32 $0x3;
	s31 =	simm.s32 $0x14380;
	s5 =	smul.u32 $0x14000, s11  }
0x9: {  	s8 =	sand.u32 $0x1, s4;
	s4 =	simm.s32 $0x0;
	s7 =	smul.u32 $0x50000, s11  }
0xa: {  	s10 =	sshll.u32 s11, $0x1;
	s22 =	sshll.u32 s11, $0x6;
	s25 =	smul.u32 $0x1380, s11  }
0xb: {  	p0 =	sgt.u32 s11, $0x1;
	s6 =	smul.u32 $0x140000, s8;
	[smem:$0x7FF] =	sst s4  }
0xc: {  	s21 =	ssub.s32 $0x2, s8;
	s10 =	sor.u32 s8, s10;
	s8 =	smul.u32 $0x9C0, s8  }
0xd: {  	_ =	strace $0x8000004A;
	s9 =	sshrl.u32 s21, $0x1;
	s7 =	sshrl.u32 s7, $0x2  }
0xe: {  	s23 =	smul.u32 $0x9C0, s10;
	s24 =	sshll.u32 s10, $0x5;
	s6 =	sadd.s32 s5, s6  }
0xf: {  	s5 =	sshrl.u32 s5, $0x3;
	s9 =	ssub.s32 s21, s9;
	s13 =	sadd.s32 s7, s3  }
0x10: {  	s21 =	simm.s32 $0x1;
	s6 =	sshrl.u32 s6, $0x3;
	s5 =	sadd.s32 s5, s2  }
0x11: {  	s7 =	sadd.s32 s0, s23;
	s26 =	smax.u32 s9, $0x1;
	s13 =	sshrl.u32 s13, $0x3  }
0x12: {  	s23 =	simm.s32 $0x5;
	s2 =	sadd.s32 s6, s2;
	s5 =	sadd.s32 $0x2C00, s5  }
0x13: {  	s6 =	sor.u32 $0x1C07, s22;
	s12 =	sadd.s32 $0x20, s7;
	[dreg:$0x9] =	wrdreg s26  }
0x14: {  	s22 =	simm.s32 $0x14080;
	s26 =	simm.s32 $0x14180;
	[dreg:$0x5] =	wrdreg s5  }
0x15: {  	s5 =	sadd.s32 s24, s0;
	[dreg:$0x6] =	wrdreg s12;
	s0 =	sadd.s32 s25, s0  }
0x16: {  	s2 =	sadd.s32 $0x2AC00, s2;
	s24 =	simm.s32 $0x14300;
	s25 =	simm.s32 $0x2  }
0x17: {  	s5 =	sadd.s32 $0x13800, s5;
	[dreg:$0x8] =	wrdreg s2;
	s12 =	sadd.s32 s8, s0  }
0x18: {  	s2 =	simm.s32 $0x4;
	s0 =	simm.s32 $0x0;
	[dreg:$0x7] =	wrdreg s5  }
.LBB2_1:
0x19: {  	s5 =	rddreg [dreg:$0x5]  }
0x1a: {  	[spmem:s13], [sflag:s6] =	dma.local [hbm:s5], $0x2800  }
0x1b: {  	_ =	swait.ge [sflag:s14], $0x2800  }
0x1c: {  	[sflag:s14] =	ssyncset.done $0x0  }
0x1d: {  	[sflag:s14] =	ssyncadd.s32 $0xFFFFD800  }
0x1e: {  	[bflag:$0x0] =	sbarrier.arrive $0xFFFF  }
0x1f: {  	[tilespmem:s15], [sflag:$0x7] =	stream.linear.gather [hbm4b:s7+s4], $0x100, $0x38;
	[tilespmem:$0x1C400] =	vst v63  }
0x20: {  	_ =	swait.ge [sflag:s14], $0x100  }
0x21: {  	[sflag:s14] =	ssyncset.done $0x0  }
0x22: {  	[sflag:s14] =	ssyncadd.s32 $0xFFFFFF00  }
0x23: {  	[tilespmem:s17], [sflag:$0x1] =	stream.indirect.gather [hbm4b:s1+s16], $0x80, s15, s16, $0xb8;
	[tilespmem:$0x1C400] =	vst v63  }
0x24: {  	s8 =	rddreg [dreg:$0x6]  }
0x25: {  	[tilespmem:s18], [sflag:$0x7] =	stream.linear.gather [hbm4b:s8+s4], $0x100, $0x38;
	[tilespmem:$0x1C400] =	vst v63  }
0x26: {  	_ =	swait.ge [sflag:s14], $0x100  }
0x27: {  	[sflag:s14] =	ssyncset.done $0x0  }
0x28: {  	s9 =	sadd.s32 $0x0, s12;
	[sflag:s14] =	ssyncadd.s32 $0xFFFFFF00  }
0x29: {  	[tilespmem:s19], [sflag:$0x2] =	stream.indirect.gather [hbm4b:s1+s16], $0x80, s18, s16, $0xb8;
	[tilespmem:$0x1C400] =	vst v63  }
0x2a: {  	s8 =	sadd.s32 $0x40, s9  }
0x2b: {  	[tilespmem:s20], [sflag:$0x5] =	stream.linear.gather [hbm4b:s8+s4], $0x100, $0x38;
	[tilespmem:$0x1C400] =	vst v63  }
0x2c: {  	_ =	swait.ge [sflag:s21], $0x4000  }
0x2d: {  	[sflag:s21] =	ssyncset.done $0x0  }
0x2e: {  	[sflag:s21] =	ssyncadd.s32 $0xFFFFC000  }
0x2f: {  	[spmem:s3] =	stream.indirect.scatter.add.f32 [tilespmem:s17], [sflag:$0x7], $0x80, s22, s16, $0xb8;
	[tilespmem:$0x1C400] =	vst v63  }
0x30: {  	_ =	swait.ge [sflag:s14], $0x4000  }
0x31: {  	[sflag:s14] =	ssyncset.done $0x0  }
0x32: {  	[sflag:s14] =	ssyncadd.s32 $0xFFFFC000  }
0x33: {  	_ =	swait.ge [sflag:s23], $0x100  }
0x34: {  	[sflag:s23] =	ssyncset.done $0x0  }
0x35: {  	[sflag:s23] =	ssyncadd.s32 $0xFFFFFF00  }
0x36: {  	[tilespmem:s17], [sflag:$0x1] =	stream.indirect.gather [hbm4b:s1+s16], $0x80, s20, s16, $0xb8;
	[tilespmem:$0x1C400] =	vst v63  }
0x37: {  	s10 =	sadd.s32 $0x60, s9  }
0x38: {  	[tilespmem:s24], [sflag:$0x6] =	stream.linear.gather [hbm4b:s10+s4], $0x100, $0x38;
	[tilespmem:$0x1C400] =	vst v63  }
0x39: {  	_ =	swait.ge [sflag:s25], $0x4000  }
0x3a: {  	[sflag:s25] =	ssyncset.done $0x0  }
0x3b: {  	[sflag:s25] =	ssyncadd.s32 $0xFFFFC000  }
0x3c: {  	[spmem:s3] =	stream.indirect.scatter.add.f32 [tilespmem:s19], [sflag:$0x7], $0x80, s26, s16, $0xb8;
	[tilespmem:$0x1C400] =	vst v63  }
0x3d: {  	_ =	swait.ge [sflag:s14], $0x4000  }
0x3e: {  	[sflag:s14] =	ssyncset.done $0x0  }
0x3f: {  	[sflag:s14] =	ssyncadd.s32 $0xFFFFC000  }
0x40: {  	_ =	swait.ge [sflag:s28], $0x100  }
0x41: {  	[sflag:s28] =	ssyncset.done $0x0  }
0x42: {  	[sflag:s28] =	ssyncadd.s32 $0xFFFFFF00  }
0x43: {  	[tilespmem:s19], [sflag:$0x2] =	stream.indirect.gather [hbm4b:s1+s16], $0x80, s24, s16, $0xb8;
	[tilespmem:$0x1C400] =	vst v63  }
0x44: {  	s11 =	sadd.s32 $0x80, s9  }
0x45: {  	[tilespmem:s15], [sflag:$0x3] =	stream.linear.gather [hbm4b:s11+s4], $0x100, $0x38;
	[tilespmem:$0x1C400] =	vst v63  }
0x46: {  	_ =	swait.ge [sflag:s21], $0x4000  }
0x47: {  	[sflag:s21] =	ssyncset.done $0x0  }
0x48: {  	[sflag:s21] =	ssyncadd.s32 $0xFFFFC000  }
0x49: {  	[spmem:s3] =	stream.indirect.scatter.add.f32 [tilespmem:s17], [sflag:$0x7], $0x80, s29, s16, $0xb8;
	[tilespmem:$0x1C400] =	vst v63  }
0x4a: {  	_ =	swait.ge [sflag:s14], $0x4000  }
0x4b: {  	[sflag:s14] =	ssyncset.done $0x0  }
0x4c: {  	[sflag:s14] =	ssyncadd.s32 $0xFFFFC000  }
0x4d: {  	_ =	swait.ge [sflag:s30], $0x100  }
0x4e: {  	[sflag:s30] =	ssyncset.done $0x0  }
0x4f: {  	[sflag:s30] =	ssyncadd.s32 $0xFFFFFF00  }
0x50: {  	[tilespmem:s17], [sflag:$0x1] =	stream.indirect.gather [hbm4b:s1+s16], $0x80, s15, s16, $0xb8;
	[tilespmem:$0x1C400] =	vst v63  }
0x51: {  	s5 =	sadd.s32 $0xA0, s9  }
0x52: {  	[tilespmem:s18], [sflag:$0x4] =	stream.linear.gather [hbm4b:s5+s4], $0x100, $0x38;
	[tilespmem:$0x1C400] =	vst v63  }
0x53: {  	_ =	swait.ge [sflag:s25], $0x4000  }
0x54: {  	[sflag:s25] =	ssyncset.done $0x0  }
0x55: {  	[sflag:s25] =	ssyncadd.s32 $0xFFFFC000  }
0x56: {  	[spmem:s3] =	stream.indirect.scatter.add.f32 [tilespmem:s19], [sflag:$0x7], $0x80, s31, s16, $0xb8;
	[tilespmem:$0x1C400] =	vst v63  }
0x57: {  	_ =	swait.ge [sflag:s14], $0x4000  }
0x58: {  	[sflag:s14] =	ssyncset.done $0x0  }
0x59: {  	[sflag:s14] =	ssyncadd.s32 $0xFFFFC000  }
0x5a: {  	_ =	swait.ge [sflag:s2], $0x100  }
0x5b: {  	[sflag:s2] =	ssyncset.done $0x0  }
0x5c: {  	s8 =	simm.s32 $0x100;
	s5 =	sadd.s32 $0x80, s12;
	[sflag:s2] =	ssyncadd.s32 $0xFFFFFF00  }
.LBB2_2:
0x5d: {  	[tilespmem:s19], [sflag:$0x2] =	stream.indirect.gather [hbm4b:s1+s16], $0x80, s18, s16, $0xb8;
	[tilespmem:$0x1C400] =	vst v63  }
0x5e: {  	s9 =	smov.u32 s8  }
0x5f: {  	s10 =	sadd.s32 $0x80, s8;
	s11 =	sadd.s32 $0x40, s5;
	s9 =	sadd.s32 s9, s12  }
0x60: {  	[tilespmem:s20], [sflag:$0x5] =	stream.linear.gather [hbm4b:s11+s4], $0x100, $0x38;
	[tilespmem:$0x1C400] =	vst v63  }
0x61: {  	p1 =	sne.s32 s8, $0x900;
	_ =	swait.ge [sflag:s21], $0x4000  }
0x62: {  	[sflag:s21] =	ssyncset.done $0x0  }
0x63: {  	[sflag:s21] =	ssyncadd.s32 $0xFFFFC000  }
0x64: {  	[spmem:s3] =	stream.indirect.scatter.add.f32 [tilespmem:s17], [sflag:$0x7], $0x80, s22, s16, $0xb8;
	[tilespmem:$0x1C400] =	vst v63  }
0x65: {  	_ =	swait.ge [sflag:s14], $0x4000  }
0x66: {  	[sflag:s14] =	ssyncset.done $0x0  }
0x67: {  	[sflag:s14] =	ssyncadd.s32 $0xFFFFC000  }
0x68: {  	_ =	swait.ge [sflag:s23], $0x100  }
0x69: {  	[sflag:s23] =	ssyncset.done $0x0  }
0x6a: {  	[sflag:s23] =	ssyncadd.s32 $0xFFFFFF00  }
0x6b: {  	[tilespmem:s17], [sflag:$0x1] =	stream.indirect.gather [hbm4b:s1+s16], $0x80, s20, s16, $0xb8;
	[tilespmem:$0x1C400] =	vst v63  }
0x6c: {  	s8 =	sadd.s32 $0x60, s5  }
0x6d: {  	[tilespmem:s24], [sflag:$0x6] =	stream.linear.gather [hbm4b:s8+s4], $0x100, $0x38;
	[tilespmem:$0x1C400] =	vst v63  }
0x6e: {  	_ =	swait.ge [sflag:s25], $0x4000  }
0x6f: {  	[sflag:s25] =	ssyncset.done $0x0  }
0x70: {  	[sflag:s25] =	ssyncadd.s32 $0xFFFFC000  }
0x71: {  	[spmem:s3] =	stream.indirect.scatter.add.f32 [tilespmem:s19], [sflag:$0x7], $0x80, s26, s16, $0xb8;
	[tilespmem:$0x1C400] =	vst v63  }
0x72: {  	_ =	swait.ge [sflag:s14], $0x4000  }
0x73: {  	[sflag:s14] =	ssyncset.done $0x0  }
0x74: {  	[sflag:s14] =	ssyncadd.s32 $0xFFFFC000  }
0x75: {  	_ =	swait.ge [sflag:s28], $0x100  }
0x76: {  	[sflag:s28] =	ssyncset.done $0x0  }
0x77: {  	[sflag:s28] =	ssyncadd.s32 $0xFFFFFF00  }
0x78: {  	[tilespmem:s19], [sflag:$0x2] =	stream.indirect.gather [hbm4b:s1+s16], $0x80, s24, s16, $0xb8;
	[tilespmem:$0x1C400] =	vst v63  }
0x79: {  	s8 =	sadd.s32 $0x80, s5  }
0x7a: {  	[tilespmem:s15], [sflag:$0x3] =	stream.linear.gather [hbm4b:s8+s4], $0x100, $0x38;
	[tilespmem:$0x1C400] =	vst v63  }
0x7b: {  	_ =	swait.ge [sflag:s21], $0x4000  }
0x7c: {  	[sflag:s21] =	ssyncset.done $0x0  }
0x7d: {  	[sflag:s21] =	ssyncadd.s32 $0xFFFFC000  }
0x7e: {  	[spmem:s3] =	stream.indirect.scatter.add.f32 [tilespmem:s17], [sflag:$0x7], $0x80, s29, s16, $0xb8;
	[tilespmem:$0x1C400] =	vst v63  }
0x7f: {  	_ =	swait.ge [sflag:s14], $0x4000  }
0x80: {  	[sflag:s14] =	ssyncset.done $0x0  }
0x81: {  	[sflag:s14] =	ssyncadd.s32 $0xFFFFC000  }
0x82: {  	_ =	swait.ge [sflag:s30], $0x100  }
0x83: {  	[sflag:s30] =	ssyncset.done $0x0  }
0x84: {  	[sflag:s30] =	ssyncadd.s32 $0xFFFFFF00  }
0x85: {  	[tilespmem:s17], [sflag:$0x1] =	stream.indirect.gather [hbm4b:s1+s16], $0x80, s15, s16, $0xb8;
	[tilespmem:$0x1C400] =	vst v63  }
0x86: {  	s8 =	sadd.s32 $0xA0, s5;
	s5 =	smov.u32 s9  }
0x87: {  	[tilespmem:s18], [sflag:$0x4] =	stream.linear.gather [hbm4b:s8+s4], $0x100, $0x38;
	[tilespmem:$0x1C400] =	vst v63  }
0x88: {  	_ =	swait.ge [sflag:s25], $0x4000  }
0x89: {  	[sflag:s25] =	ssyncset.done $0x0  }
0x8a: {  	[sflag:s25] =	ssyncadd.s32 $0xFFFFC000  }
0x8b: {  	[spmem:s3] =	stream.indirect.scatter.add.f32 [tilespmem:s19], [sflag:$0x7], $0x80, s31, s16, $0xb8;
	[tilespmem:$0x1C400] =	vst v63  }
0x8c: {  	_ =	swait.ge [sflag:s14], $0x4000  }
.Ltmp0:
0x8d: {  	[sflag:s14] =	ssyncset.done $0x0;
	(pc) =	sbr.rel @p1 .LBB2_2-.Ltmp0, $4  }
0x8e: {  	[sflag:s14] =	ssyncadd.s32 $0xFFFFC000  }
0x8f: {  	_ =	swait.ge [sflag:s2], $0x100  }
0x90: {  	[sflag:s2] =	ssyncset.done $0x0  }
0x91: {  	s8 =	smov.u32 s10;
	[sflag:s2] =	ssyncadd.s32 $0xFFFFFF00  }
0x92: {  	[tilespmem:s19], [sflag:$0x2] =	stream.indirect.gather [hbm4b:s1+s16], $0x80, s18, s16, $0xb8;
	[tilespmem:$0x1C400] =	vst v63  }
0x93: {  	s8 =	sadd.s32 $0x40, s5  }
0x94: {  	[tilespmem:s20], [sflag:$0x5] =	stream.linear.gather [hbm4b:s8+s4], $0x100, $0x38;
	[tilespmem:$0x1C400] =	vst v63  }
0x95: {  	_ =	swait.ge [sflag:s21], $0x4000  }
0x96: {  	[sflag:s21] =	ssyncset.done $0x0  }
0x97: {  	[sflag:s21] =	ssyncadd.s32 $0xFFFFC000  }
0x98: {  	[spmem:s3] =	stream.indirect.scatter.add.f32 [tilespmem:s17], [sflag:$0x7], $0x80, s22, s16, $0xb8;
	[tilespmem:$0x1C400] =	vst v63  }
0x99: {  	_ =	swait.ge [sflag:s14], $0x4000  }
0x9a: {  	[sflag:s14] =	ssyncset.done $0x0  }
0x9b: {  	[sflag:s14] =	ssyncadd.s32 $0xFFFFC000  }
0x9c: {  	_ =	swait.ge [sflag:s23], $0x100  }
0x9d: {  	[sflag:s23] =	ssyncset.done $0x0  }
0x9e: {  	[sflag:s23] =	ssyncadd.s32 $0xFFFFFF00  }
0x9f: {  	[tilespmem:s17], [sflag:$0x1] =	stream.indirect.gather [hbm4b:s1+s16], $0x80, s20, s16, $0xb8;
	[tilespmem:$0x1C400] =	vst v63  }
0xa0: {  	s10 =	sadd.s32 $0x60, s5  }
0xa1: {  	[tilespmem:s24], [sflag:$0x6] =	stream.linear.gather [hbm4b:s10+s4], $0x100, $0x38;
	[tilespmem:$0x1C400] =	vst v63  }
0xa2: {  	_ =	swait.ge [sflag:s25], $0x4000  }
0xa3: {  	[sflag:s25] =	ssyncset.done $0x0  }
0xa4: {  	[sflag:s25] =	ssyncadd.s32 $0xFFFFC000  }
0xa5: {  	[spmem:s3] =	stream.indirect.scatter.add.f32 [tilespmem:s19], [sflag:$0x7], $0x80, s26, s16, $0xb8;
	[tilespmem:$0x1C400] =	vst v63  }
0xa6: {  	_ =	swait.ge [sflag:s14], $0x4000  }
0xa7: {  	[sflag:s14] =	ssyncset.done $0x0  }
0xa8: {  	[sflag:s14] =	ssyncadd.s32 $0xFFFFC000  }
0xa9: {  	_ =	swait.ge [sflag:s28], $0x100  }
0xaa: {  	[sflag:s28] =	ssyncset.done $0x0  }
0xab: {  	[sflag:s28] =	ssyncadd.s32 $0xFFFFFF00  }
0xac: {  	[tilespmem:s19], [sflag:$0x2] =	stream.indirect.gather [hbm4b:s1+s16], $0x80, s24, s16, $0xb8;
	[tilespmem:$0x1C400] =	vst v63  }
0xad: {  	s11 =	sadd.s32 $0x80, s5  }
0xae: {  	[tilespmem:s15], [sflag:$0x3] =	stream.linear.gather [hbm4b:s11+s4], $0x100, $0x38;
	[tilespmem:$0x1C400] =	vst v63  }
0xaf: {  	_ =	swait.ge [sflag:s21], $0x4000  }
0xb0: {  	[sflag:s21] =	ssyncset.done $0x0  }
0xb1: {  	[sflag:s21] =	ssyncadd.s32 $0xFFFFC000  }
0xb2: {  	[spmem:s3] =	stream.indirect.scatter.add.f32 [tilespmem:s17], [sflag:$0x7], $0x80, s29, s16, $0xb8;
	[tilespmem:$0x1C400] =	vst v63  }
0xb3: {  	_ =	swait.ge [sflag:s14], $0x4000  }
0xb4: {  	[sflag:s14] =	ssyncset.done $0x0  }
0xb5: {  	[sflag:s14] =	ssyncadd.s32 $0xFFFFC000  }
0xb6: {  	_ =	swait.ge [sflag:s30], $0x100  }
0xb7: {  	[sflag:s30] =	ssyncset.done $0x0  }
0xb8: {  	[sflag:s30] =	ssyncadd.s32 $0xFFFFFF00  }
0xb9: {  	[tilespmem:s17], [sflag:$0x1] =	stream.indirect.gather [hbm4b:s1+s16], $0x80, s15, s16, $0xb8;
	[tilespmem:$0x1C400] =	vst v63  }
0xba: {  	s9 =	sadd.s32 $0xA0, s5  }
0xbb: {  	[tilespmem:s18], [sflag:$0x4] =	stream.linear.gather [hbm4b:s9+s4], $0x100, $0x38;
	[tilespmem:$0x1C400] =	vst v63  }
0xbc: {  	_ =	swait.ge [sflag:s25], $0x4000  }
0xbd: {  	[sflag:s25] =	ssyncset.done $0x0  }
0xbe: {  	[sflag:s25] =	ssyncadd.s32 $0xFFFFC000  }
0xbf: {  	[spmem:s3] =	stream.indirect.scatter.add.f32 [tilespmem:s19], [sflag:$0x7], $0x80, s31, s16, $0xb8;
	[tilespmem:$0x1C400] =	vst v63  }
0xc0: {  	_ =	swait.ge [sflag:s14], $0x4000  }
0xc1: {  	[sflag:s14] =	ssyncset.done $0x0  }
0xc2: {  	[sflag:s14] =	ssyncadd.s32 $0xFFFFC000  }
0xc3: {  	_ =	swait.ge [sflag:s2], $0x100  }
0xc4: {  	[sflag:s2] =	ssyncset.done $0x0  }
0xc5: {  	[sflag:s2] =	ssyncadd.s32 $0xFFFFFF00  }
0xc6: {  	[tilespmem:s19], [sflag:$0x2] =	stream.indirect.gather [hbm4b:s1+s16], $0x80, s18, s16, $0xb8;
	[tilespmem:$0x1C400] =	vst v63  }
0xc7: {  	_ =	swait.ge [sflag:s21], $0x4000  }
0xc8: {  	[sflag:s21] =	ssyncset.done $0x0  }
0xc9: {  	[sflag:s21] =	ssyncadd.s32 $0xFFFFC000  }
0xca: {  	[spmem:s3] =	stream.indirect.scatter.add.f32 [tilespmem:s17], [sflag:$0x7], $0x80, s22, s16, $0xb8;
	[tilespmem:$0x1C400] =	vst v63  }
0xcb: {  	_ =	swait.ge [sflag:s14], $0x4000  }
0xcc: {  	[sflag:s14] =	ssyncset.done $0x0  }
0xcd: {  	[sflag:s14] =	ssyncadd.s32 $0xFFFFC000  }
0xce: {  	_ =	swait.ge [sflag:s25], $0x4000  }
0xcf: {  	[sflag:s25] =	ssyncset.done $0x0  }
0xd0: {  	[sflag:s25] =	ssyncadd.s32 $0xFFFFC000  }
0xd1: {  	[spmem:s3] =	stream.indirect.scatter.add.f32 [tilespmem:s19], [sflag:$0x7], $0x80, s26, s16, $0xb8;
	[tilespmem:$0x1C400] =	vst v63  }
0xd2: {  	_ =	swait.ge [sflag:s14], $0x4000  }
0xd3: {  	s5 =	simm.s32 @!p0 $0x0;
	[sflag:s14] =	ssyncset.done $0x0  }
0xd4: {  	s8 =	simm.s32 @!p0 $0x14000;
	s9 =	rddreg [dreg:$0x7];
	[sflag:s14] =	ssyncadd.s32 $0xFFFFC000  }
0xd5: {  	[tilespmem:s8], [sflag:$0x7] =	stream.linear.gather @!p0 [hbm4b:s9+s5], $0x100, $0x38;
	[tilespmem:$0x1C400] =	vst v63  }
0xd6: {  	s5 =	simm.s32 @!p0 $0x7  }
0xd7: {  	_ =	swait.ge @!p0 [sflag:s5], $0x100  }
0xd8: {  	[sflag:s5] =	ssyncset.done @!p0 $0x0  }
0xd9: {  	s10 =	simm.s32 @!p0 $0x14400;
	s9 =	simm.s32 @!p0 $0x80;
	[sflag:s5] =	ssyncadd.s32 @!p0 $0xFFFFFF00  }
0xda: {  	[tilespmem:s10], [sflag:$0x1] =	stream.indirect.gather @!p0 [hbm4b:s1+s9], $0x80, s8, s9, $0xb8;
	[tilespmem:$0x1C400] =	vst v63  }
0xdb: {  	s8 =	simm.s32 @!p0 $0x1  }
0xdc: {  	_ =	swait.ge @!p0 [sflag:s8], $0x4000  }
0xdd: {  	[sflag:s8] =	ssyncset.done @!p0 $0x0  }
0xde: {  	[sflag:s8] =	ssyncadd.s32 @!p0 $0xFFFFC000;
	s8 =	simm.s32 @!p0 $0x14080  }
0xdf: {  	[spmem:s3] =	stream.indirect.scatter.add.f32 @!p0 [tilespmem:s10], [sflag:$0x7], $0x80, s8, s9, $0xb8;
	[tilespmem:$0x1C400] =	vst v63  }
0xe0: {  	_ =	swait.ge @!p0 [sflag:s5], $0x4000  }
0xe1: {  	[sflag:s5] =	ssyncset.done @!p0 $0x0  }
0xe2: {  	[sflag:s5] =	ssyncadd.s32 @!p0 $0xFFFFC000  }
0xe3: {  	[bflag:$0x0] =	sbarrier.arrive $0xFFFF  }
0xe4: {  	s10 =	rddreg [dreg:$0x8]  }
0xe5: {  	[hbm:s10], [sflag:s6] =	dma.local [spmem:s13], $0x2800  }
0xe6: {  	_ =	swait.ge [sflag:s14], $0x2800  }
0xe7: {  	s0 =	sadd.s32 $0x1, s0;
	s11 =	rddreg [dreg:$0x9]  }
0xe8: {  	p1 =	sne.s32 s0, s11  }
.Ltmp1:
0xe9: {  	_ = 	snop;
	(pc) =	sbr.rel @p1 .LBB2_1-.Ltmp1, $3  }
0xea: {  	_ =	sdelay $0x1  }
0xeb: {  	[sflag:s14] =	ssyncset.done $0x0  }
0xec: {  	[sflag:s14] =	ssyncadd.s32 $0xFFFFD800  }
0xed: {  	_ =	sfence.sel $0x180000  }
0xee: {  	[bflag:$0x0] =	sbarrier.arrive $0xFFFF  }
0xef: {  	_ =	strace $0x9000004A  }
0xf0: {  	s0 =	stileid.u32;
	[bflag:$0x2] =	sbarrier.arrive $0xFFFF  }
0xf1: {  	p0 =	sne.s32 s0, $0x0;
	s0 =	rddreg [dreg:$0x4]  }
0xf2: {  	s0 =	sadd.s32 @!p0 $0x100000, s0  }
0xf3: {  	[sflag:s0] =	ssyncadd.tile.s32 @!p0 $0x1;
	_ =	shalt  }
.Lfunc_end2:
_tile_overlayer_lowered:
.L_overlay_start_2:
0xf4: {  	(tag) =	ssettag $0x2  }
0xf5: {  	s0 =	rddreg [dreg:$0x0];
	s2 =	stileid.u32  }
0xf6: {  	s1 =	rddreg [dreg:$0x1];
	p0 =	sne.s32 s2, $0x0  }
0xf7: {  	s3 =	rddreg [dreg:$0x2];
	[bflag:$0x3] =	sbarrier.arrive $0xFFFF;
	s2 =	simm.s32 @!p0 $0x1C07  }
0xf8: {  	[timem:s3], [sflag:s2] =	dma.local @!p0 [hbm:s0], s1  }
0xf9: {  	s0 =	simm.s32 @!p0 $0x7  }
0xfa: {  	_ =	swait.ge @!p0 [sflag:s0], s1  }
0xfb: {  	s1 =	ssub.s32 @!p0 $0x0, s1;
	[sflag:s0] =	ssyncset.done @!p0 $0x0  }
0xfc: {  	[sflag:s0] =	ssyncadd.s32 @!p0 s1  }
0xfd: {  	[bflag:$0x3] =	sbarrier.arrive $0xFFFF  }
0xfe: {  	_ =	shalt  }

</sc_bundles>
